<compile_context>
chip_gen: v7x
topology: tpu7x:2x2x1
jax: 0.10.2.dev20260603
libtpu: 0.0.44.dev20260713+nightly
codegen_flags: <defaults>
</compile_context>

<pallas_src>
import functools

import jax
import jax.numpy as jnp
from jax import lax
from jax.experimental import pallas as pl
from jax.experimental.pallas import tpu as pltpu
from jax.experimental.pallas import tpu_sc as plsc

_NEG = -1e30
_LOG2E = 1.4426950408889634
_LN2 = 0.6931471805599453
_NC, _NS, _LANES = 2, 16, 16
_NW = _NC * _NS


def _sc_mesh():
    return plsc.VectorSubcoreMesh(core_axis_name="c", subcore_axis_name="s",
                                  num_cores=_NC, num_subcores=_NS)


def _make_router(T, C0, C1):
    R = T // 128
    i32 = jnp.int32
    f32 = jnp.float32

    def body(tgt_ref, triu_ref, lt_ref, pos_ref, cnt_ref):
        t = tgt_ref[...]
        b0 = t < C0
        b1 = t < C1
        one = jnp.ones((R, 128), f32)
        zero = jnp.zeros((R, 128), f32)
        m0 = jnp.where(b0, one, zero)
        mlt1 = jnp.where(b1, one, zero)
        m1 = mlt1 - m0
        m2 = one - mlt1
        dn = (((1,), (0,)), ((), ()))

        def exc(m):
            cs = lax.dot_general(m, triu_ref[...], dn,
                                 preferred_element_type=f32)
            tot = cs[:, 127:128]
            off = lax.dot_general(lt_ref[...], tot, dn,
                                  preferred_element_type=f32)
            return cs - m + off

        e0 = exc(m0)
        e1 = exc(m1)
        e2 = exc(m2)
        n0 = jnp.sum(m0, axis=(0, 1), keepdims=True)
        n1 = jnp.sum(m1, axis=(0, 1), keepdims=True)
        n01 = n0 + n1
        posf = jnp.where(b0, e0, jnp.where(b1, e1 + n0, e2 + n01))
        pos_ref[...] = posf.astype(i32)
        lane = lax.broadcasted_iota(i32, (1, 128), 1)
        cnt_ref[...] = jnp.where(lane == 0, n0.astype(i32),
                                 jnp.where(lane == 1, n01.astype(i32), 0))

    return pl.pallas_call(
        body,
        out_shape=(jax.ShapeDtypeStruct((R, 128), i32),
                   jax.ShapeDtypeStruct((1, 128), i32)),
    )


def _make_dispatch(T, D):
    i32 = jnp.int32
    per_w = T // _NW
    CH = 64
    nch = per_w // CH

    @functools.partial(
        pl.kernel, mesh=_sc_mesh(),
        out_type=(jax.ShapeDtypeStruct((T, D), jnp.float32),
                  jax.ShapeDtypeStruct((T,), i32)),
        scratch_types=[pltpu.VMEM((CH,), i32),
                       pltpu.VMEM((CH, D), jnp.float32),
                       pltpu.VMEM((CH,), i32),
                       pltpu.SemaphoreType.DMA,
                       pltpu.SemaphoreType.DMA],
    )
    def dispatch(hid_hbm, tgt_hbm, pos_hbm, outh_hbm, outt_hbm,
                 idx_v, rows_v, val_v, sem, sem2):
        wid = lax.axis_index("s") * _NC + lax.axis_index("c")
        base = wid * per_w
        for c in range(nch):
            sl = pl.ds(base + c * CH, CH)
            pltpu.sync_copy(pos_hbm.at[sl], idx_v)
            pltpu.sync_copy(hid_hbm.at[sl], rows_v)
            pltpu.sync_copy(tgt_hbm.at[sl], val_v)
            pltpu.async_copy(rows_v, outh_hbm.at[idx_v], sem).wait()
            pltpu.async_copy(val_v, outt_hbm.at[idx_v], sem2).wait()

    return dispatch


def _make_collect(T):
    i32 = jnp.int32
    per_w = T // _NW
    CH = 128
    nch = per_w // CH

    @functools.partial(
        pl.kernel, mesh=_sc_mesh(),
        out_type=jax.ShapeDtypeStruct((T,), jnp.float32),
        scratch_types=[pltpu.VMEM((CH,), i32),
                       pltpu.VMEM((CH,), jnp.float32),
                       pltpu.SemaphoreType.DMA],
    )
    def collect(nll_hbm, pos_hbm, out_hbm, idx_v, val_v, sem):
        wid = lax.axis_index("s") * _NC + lax.axis_index("c")
        base = wid * per_w
        for c in range(nch):
            sl = pl.ds(base + c * CH, CH)
            pltpu.sync_copy(pos_hbm.at[sl], idx_v)
            pltpu.async_copy(nll_hbm.at[idx_v], val_v, sem).wait()
            pltpu.sync_copy(val_v, out_hbm.at[sl])

    return collect


def _make_kernel(T, D, K1, K2, C0, V1, V2, TB, CB):
    F0, r0 = C0 // CB, C0 % CB
    F1, r1 = V1 // CB, V1 % CB
    F2, r2 = V2 // CB, V2 % CB
    assert 0 < r0 and r0 + 2 <= CB and 0 < r1 and 0 < r2
    NH, NT1, NT2 = F0 + 1, F1 + 1, F2 + 1
    NJ = NH + NT1 + NT2
    NI = T // TB
    dn_bt = (((1,), (1,)), ((), ()))
    dn_bk = (((1,), (0,)), ((), ()))
    bf16 = jnp.bfloat16

    def body(cnt_ref, h_ref, tgt_ref, w0_ref, whl_ref, bhl_ref,
             p1_ref, p2_ref, w1_ref, w1l_ref, b1l_ref,
             w2_ref, w2l_ref, b2l_ref,
             nll_ref,
             m_ref, s_ref, g_ref, hlse_ref, g0_ref, c1_ref, c2_ref,
             t1lse_ref, t1g_ref, pj1_ref, pj2_ref):
        j = pl.program_id(0)
        i = pl.program_id(1)
        tb = pl.ds(i * TB, TB)
        tgt = tgt_ref[:, :]
        n0 = cnt_ref[0]
        n01 = cnt_ref[1]
        HB = TB // 2
        halves = [(pl.ds(i * TB + h * HB, HB), h) for h in range(2)]

        def init_ms():
            m_ref[:, tb] = jnp.full((1, TB), _NEG, jnp.float32)
            s_ref[:, tb] = jnp.zeros((1, TB), jnp.float32)
            g_ref[:, tb] = jnp.full((1, TB), _NEG, jnp.float32)

        def upd_half(L, col0, th, h):
            tg = tgt[:, h * HB:(h + 1) * HB]
            m_old = m_ref[:, th]
            s_old = s_ref[:, th]
            m_new = jnp.maximum(m_old, jnp.max(L, axis=0, keepdims=True))
            p = jnp.exp2(L - m_new)
            s_new = s_old * jnp.exp2(m_old - m_new) + jnp.sum(p, axis=0, keepdims=True)
            m_ref[:, th] = m_new
            s_ref[:, th] = s_new
            cols = col0 + lax.broadcasted_iota(jnp.int32, (CB, 1), 0)
            v = jnp.max(jnp.where(tg == cols, L, _NEG), axis=0, keepdims=True)
            g_ref[:, th] = jnp.maximum(g_ref[:, th], v)

        @pl.when(j < NH)
        def _head():
            h = h_ref[tb, :]

            @pl.when(j == 0)
            def _():
                init_ms()
                pj1_ref[:, tb] = jax.lax.dot_general(
                    p1_ref[:, :].astype(bf16), h, dn_bt,
                    preferred_element_type=jnp.float32).astype(bf16)
                pj2_ref[:, tb] = jax.lax.dot_general(
                    p2_ref[:, :].astype(bf16), h, dn_bt,
                    preferred_element_type=jnp.float32).astype(bf16)

            @pl.when(j < NH - 1)
            def _():
                w = w0_ref[:, :].astype(bf16)
                for th, hh in halves:
                    L = jax.lax.dot_general(w, h[hh * (TB // 2):(hh + 1) * (TB // 2), :],
                                            dn_bt, preferred_element_type=jnp.float32)
                    upd_half(L, j * CB, th, hh)

            @pl.when(j == NH - 1)
            def _():
                w = whl_ref[:, :].astype(bf16)
                for th, hh in halves:
                    L = jax.lax.dot_general(w, h[hh * (TB // 2):(hh + 1) * (TB // 2), :],
                                            dn_bt, preferred_element_type=jnp.float32)
                    L = L + bhl_ref[:, :]
                    upd_half(L, F0 * CB, th, hh)
                    c2_ref[:, th] = L[r0, :][None, :]
                    c1_ref[:, th] = L[r0 + 1, :][None, :]
                hlse_ref[:, tb] = m_ref[:, tb] + jnp.log2(s_ref[:, tb])
                g0_ref[:, tb] = g_ref[:, tb]

        @pl.when(jnp.logical_and(j >= NH, j < NH + NT1))
        def _tail1():
            jj = j - NH
            act = jnp.logical_and((i + 1) * TB > n0, i * TB < n01)

            @pl.when(jj == 0)
            def _():
                init_ms()

            @pl.when(act)
            def _():
                pp = pj1_ref[:, tb]

                @pl.when(jj < NT1 - 1)
                def _():
                    w = w1_ref[:, :].astype(bf16)
                    for th, hh in halves:
                        L = jax.lax.dot_general(
                            w, pp[:, hh * (TB // 2):(hh + 1) * (TB // 2)], dn_bk,
                            preferred_element_type=jnp.float32)
                        upd_half(L, C0 + jj * CB, th, hh)

                @pl.when(jj == NT1 - 1)
                def _():
                    w = w1l_ref[:, :].astype(bf16)
                    for th, hh in halves:
                        L = jax.lax.dot_general(
                            w, pp[:, hh * (TB // 2):(hh + 1) * (TB // 2)], dn_bk,
                            preferred_element_type=jnp.float32)
                        upd_half(L + b1l_ref[:, :], C0 + F1 * CB, th, hh)

            @pl.when(jj == NT1 - 1)
            def _():
                t1lse_ref[:, tb] = m_ref[:, tb] + jnp.log2(s_ref[:, tb])
                t1g_ref[:, tb] = g_ref[:, tb]

        @pl.when(j >= NH + NT1)
        def _tail2():
            jj = j - NH - NT1
            act = (i + 1) * TB > n01

            @pl.when(jj == 0)
            def _():
                init_ms()

            @pl.when(act)
            def _():
                pp = pj2_ref[:, tb]

                @pl.when(jj < NT2 - 1)
                def _():
                    w = w2_ref[:, :].astype(bf16)
                    for th, hh in halves:
                        L = jax.lax.dot_general(
                            w, pp[:, hh * (TB // 2):(hh + 1) * (TB // 2)], dn_bk,
                            preferred_element_type=jnp.float32)
                        upd_half(L, C0 + V1 + jj * CB, th, hh)

                @pl.when(jj == NT2 - 1)
                def _():
                    w = w2l_ref[:, :].astype(bf16)
                    for th, hh in halves:
                        L = jax.lax.dot_general(
                            w, pp[:, hh * (TB // 2):(hh + 1) * (TB // 2)], dn_bk,
                            preferred_element_type=jnp.float32)
                        upd_half(L + b2l_ref[:, :], C0 + V1 + F2 * CB, th, hh)

            @pl.when(jj == NT2 - 1)
            def _():
                t2lse = m_ref[:, tb] + jnp.log2(s_ref[:, tb])
                t2g = g_ref[:, tb]
                hlse = hlse_ref[:, tb]
                lp0 = g0_ref[:, tb] - hlse
                lp1 = (c1_ref[:, tb] - hlse) + (t1g_ref[:, tb] - t1lse_ref[:, tb])
                lp2 = (c2_ref[:, tb] - hlse) + (t2g - t2lse)
                lp = jnp.where(tgt < C0, lp0,
                               jnp.where(tgt < C0 + V1, lp1, lp2))
                nll_ref[:, :] = lp * -_LN2

    grid = (NJ, NI)
    f32 = jnp.float32
    in_specs = [
        pl.BlockSpec((T, D), lambda j, i, c: (0, 0)),
        pl.BlockSpec((1, TB), lambda j, i, c: (0, i)),
        pl.BlockSpec((CB, D), lambda j, i, c: (jnp.minimum(j, F0 - 1), 0)),
        pl.BlockSpec((CB, D), lambda j, i, c: (0, 0)),
        pl.BlockSpec((CB, 1), lambda j, i, c: (0, 0)),
        pl.BlockSpec((K1, D), lambda j, i, c: (0, 0)),
        pl.BlockSpec((K2, D), lambda j, i, c: (0, 0)),
        pl.BlockSpec((CB, K1), lambda j, i, c: (jnp.clip(j - NH, 0, F1 - 1), 0)),
        pl.BlockSpec((CB, K1), lambda j, i, c: (0, 0)),
        pl.BlockSpec((CB, 1), lambda j, i, c: (0, 0)),
        pl.BlockSpec((CB, K2), lambda j, i, c: (jnp.clip(j - NH - NT1, 0, F2 - 1), 0)),
        pl.BlockSpec((CB, K2), lambda j, i, c: (0, 0)),
        pl.BlockSpec((CB, 1), lambda j, i, c: (0, 0)),
    ]
    out_specs = pl.BlockSpec((1, TB), lambda j, i, c: (0, i))
    scratch = ([pltpu.VMEM((1, T), f32) for _ in range(9)]
               + [pltpu.VMEM((K1, T), bf16),
                  pltpu.VMEM((K2, T), bf16)])

    grid_spec = pltpu.PrefetchScalarGridSpec(
        num_scalar_prefetch=1,
        grid=grid,
        in_specs=in_specs,
        out_specs=out_specs,
        scratch_shapes=scratch,
    )
    call = pl.pallas_call(
        body,
        grid_spec=grid_spec,
        out_shape=jax.ShapeDtypeStruct((1, T), f32),
        compiler_params=pltpu.CompilerParams(
            dimension_semantics=("arbitrary", "arbitrary"),
            vmem_limit_bytes=100 * 1024 * 1024,
        ),
    )

    router = _make_router(T, C0, C0 + V1)
    dispatch = _make_dispatch(T, D)
    collect = _make_collect(T)

    def run(hidden, target, W0, b0, Wc, bc, P1, W1, b1, P2, W2, b2):
        f = jnp.float32
        tgt1 = target.astype(jnp.int32)
        R = T // 128
        rr = lax.broadcasted_iota(f, (128, 128), 0)
        cc = lax.broadcasted_iota(f, (128, 128), 1)
        triu = (rr <= cc).astype(f)
        rr2 = lax.broadcasted_iota(f, (R, R), 0)
        cc2 = lax.broadcasted_iota(f, (R, R), 1)
        ltm = (rr2 > cc2).astype(f)
        pos2d, cnt2d = router(tgt1.reshape(R, 128), triu, ltm)
        pos = pos2d.reshape(T)
        cnts = cnt2d.reshape(128)
        hs, tsort = dispatch(hidden, tgt1, pos)
        hbs = (hs * _LOG2E).astype(bf16)
        tgt = tsort.reshape(1, T)
        padh = CB - r0 - 2
        whl = jnp.concatenate(
            [W0[F0 * CB:], Wc, jnp.zeros((padh, D), f)], axis=0)
        bhl = jnp.concatenate(
            [b0[F0 * CB:], bc, jnp.full((padh,), _NEG, f)]).reshape(CB, 1) * _LOG2E
        w1l = jnp.concatenate([W1[F1 * CB:], jnp.zeros((CB - r1, K1), f)], axis=0)
        b1l = jnp.concatenate([b1[F1 * CB:], jnp.full((CB - r1,), _NEG, f)]).reshape(CB, 1) * _LOG2E
        w2l = jnp.concatenate([W2[F2 * CB:], jnp.zeros((CB - r2, K2), f)], axis=0)
        b2l = jnp.concatenate([b2[F2 * CB:], jnp.full((CB - r2,), _NEG, f)]).reshape(CB, 1) * _LOG2E
        nll_s = call(cnts, hbs, tgt, W0, whl, bhl, P1, P2,
                     W1, w1l, b1l, W2, w2l, b2l).reshape(T)
        return collect(nll_s, pos)

    return run


def kernel(hidden, target, W0, b0, Wc, bc, P1, W1, b1, P2, W2, b2):
    run = _make_kernel(T=8192, D=1024, K1=256, K2=64,
                       C0=20000, V1=40000, V2=40000, TB=2048, CB=1024)
    return run(hidden, target, W0, b0, Wc, bc, P1, W1, b1, P2, W2, b2)

# --- scband reference (transcript-rebuilt; emitter-appended) ---
"""Pipeline reference for scband-projected-adaptive-log-softmax-23527830848002 (READ-ONLY COPY).

The authoritative reference and input builder live on the scoring server;
editing this copy changes nothing except your own understanding.
"""

import jax, jax.numpy as jnp
import numpy as np

N_VOCAB = 100000
CUTOFFS = [20000, 60000]
N_EMBED = 1024
N_EMBEDS = [1024, 256, 64]
N_TOK = 8192


def setup_inputs(seed: int = 0) -> dict:
    key = jax.random.key(seed)
    ks = jax.random.split(key, 12)
    s = 0.02
    d = {}
    d['hidden'] = jax.random.normal(ks[0], (N_TOK, N_EMBED), dtype=jnp.float32)
    d['target'] = jax.random.randint(ks[1], (N_TOK,), 0, N_VOCAB)
    # head layer: Linear(1024 -> 20000)
    d['W0'] = jax.random.normal(ks[2], (CUTOFFS[0], N_EMBED), dtype=jnp.float32) * s
    d['b0'] = jnp.zeros((CUTOFFS[0],), dtype=jnp.float32)
    # clusters: Linear(1024 -> n_layers-1 = 2)
    d['Wc'] = jax.random.normal(ks[3], (2, N_EMBED), dtype=jnp.float32) * s
    d['bc'] = jnp.zeros((2,), dtype=jnp.float32)
    # projection 1: Linear(1024 -> 256, no bias); tail layer 1: Linear(256 -> 40000)
    d['P1'] = jax.random.normal(ks[4], (N_EMBEDS[1], N_EMBED), dtype=jnp.float32) * s
    d['W1'] = jax.random.normal(ks[5], (CUTOFFS[1] - CUTOFFS[0], N_EMBEDS[1]), dtype=jnp.float32) * s
    d['b1'] = jnp.zeros((CUTOFFS[1] - CUTOFFS[0],), dtype=jnp.float32)
    # projection 2: Linear(1024 -> 64, no bias); tail layer 2: Linear(64 -> 40000)
    d['P2'] = jax.random.normal(ks[6], (N_EMBEDS[2], N_EMBED), dtype=jnp.float32) * s
    d['W2'] = jax.random.normal(ks[7], (N_VOCAB - CUTOFFS[1], N_EMBEDS[2]), dtype=jnp.float32) * s
    d['b2'] = jnp.zeros((N_VOCAB - CUTOFFS[1],), dtype=jnp.float32)
    return d


def reference(hidden, target, W0, b0, Wc, bc, P1, W1, b1, P2, W2, b2):
    # head_logit = cat(layers[0](hidden), clusters(hidden))
    head_logit = jnp.concatenate([hidden @ W0.T + b0, hidden @ Wc.T + bc], axis=1)
    head_logprob = jax.nn.log_softmax(head_logit, axis=1)
    t = target
    # cluster 0 (head vocab)
    idx0 = jnp.clip(t, 0, CUTOFFS[0] - 1)
    lp0 = jnp.take_along_axis(head_logprob, idx0[:, None], axis=1)[:, 0]
    # cluster 1: project, tail logits; head_logprob[:, -1]
    proj1 = hidden @ P1.T
    tail1 = jax.nn.log_softmax(proj1 @ W1.T + b1, axis=1)
    idx1 = jnp.clip(t - CUTOFFS[0], 0, CUTOFFS[1] - CUTOFFS[0] - 1)
    lp1 = head_logprob[:, -1] + jnp.take_along_axis(tail1, idx1[:, None], axis=1)[:, 0]
    # cluster 2: project, tail logits; head_logprob[:, -2]
    proj2 = hidden @ P2.T
    tail2 = jax.nn.log_softmax(proj2 @ W2.T + b2, axis=1)
    idx2 = jnp.clip(t - CUTOFFS[1], 0, N_VOCAB - CUTOFFS[1] - 1)
    lp2 = head_logprob[:, -2] + jnp.take_along_axis(tail2, idx2[:, None], axis=1)[:, 0]
    # select per-token cluster (keep_order=True semantics: nll in original token order)
    logprob = jnp.where(t < CUTOFFS[0], lp0, jnp.where(t < CUTOFFS[1], lp1, lp2))
    nll = -logprob
    return nll

if __name__ == "__main__":
    import jax
    _d = setup_inputs()
    print(jax.jit(kernel)(*tuple(_d.values())))

</pallas_src>

<mosaic_0001>
#map = affine_map<(d0, d1) -> (0)>
module attributes {stable_mosaic.version = 14 : i64} {
  func.func @collect(%arg0: i32, %arg1: i32, %arg2: memref<8192xf32, #tpu.memory_space<hbm>>, %arg3: memref<8192xi32, #tpu.memory_space<hbm>>, %arg4: memref<8192xf32, #tpu.memory_space<hbm>>, %arg5: memref<128xi32, #tpu.memory_space<vmem>>, %arg6: memref<128xf32, #tpu.memory_space<vmem>>, %arg7: memref<!tpu.dma_semaphore, #tpu.memory_space<semaphore_mem>>) attributes {dimension_semantics = [#tpu.dimension_semantics<core_parallel>, #tpu.dimension_semantics<subcore_parallel>], iteration_bounds = array<i64: 2, 16>, scalar_prefetch = 0 : i64, scratch_operands = 3 : i64, tpu.core_type = #tpu.core_type<sc_vector_subcore>, window_params = [{transform_indices = #map}, {transform_indices = #map}, {transform_indices = #map}]} {
    %mul3A = arith.constant 2 : i32
    %mul3A_0 = arith.muli %arg1, %mul3A : i32
    %add3A = arith.addi %mul3A_0, %arg0 : i32
    %mul3A_1 = arith.constant 256 : i32
    %mul3A_2 = arith.muli %add3A, %mul3A_1 : i32
    %add3A_3 = arith.constant 0 : i32
    %add3A_4 = arith.addi %mul3A_2, %add3A_3 : i32
    "tpu.region"() ({
      %run_scoped3A = tpu.sem_alloc : memref<!tpu.dma_semaphore, #tpu.memory_space<semaphore_mem>>
      %dma_start3A_13 = tpu.memref_slice %arg3[%add3A_4] : memref<8192xi32, #tpu.memory_space<hbm>> -> memref<128xi32, #tpu.memory_space<hbm>>
      %dma_start3A_14 = tpu.memref_slice %arg3[%add3A_4] : memref<8192xi32, #tpu.memory_space<hbm>> -> memref<128xi32, #tpu.memory_space<hbm>>
      tpu.enqueue_dma source(%dma_start3A_14 : memref<128xi32, #tpu.memory_space<hbm>>) target(%arg5 : memref<128xi32, #tpu.memory_space<vmem>>) target_semaphore(%run_scoped3A : memref<!tpu.dma_semaphore, #tpu.memory_space<semaphore_mem>>)
      %dma_wait3A_15 = tpu.memref_slice %arg3[%add3A_4] : memref<8192xi32, #tpu.memory_space<hbm>> -> memref<128xi32, #tpu.memory_space<hbm>>
      %dma_wait3A_16 = tpu.memref_slice %arg3[%add3A_4] : memref<8192xi32, #tpu.memory_space<hbm>> -> memref<128xi32, #tpu.memory_space<hbm>>
      tpu.wait_dma2 semaphore(%run_scoped3A : memref<!tpu.dma_semaphore, #tpu.memory_space<semaphore_mem>>) src(%dma_wait3A_16 : memref<128xi32, #tpu.memory_space<hbm>>) dst(%arg5 : memref<128xi32, #tpu.memory_space<vmem>>)
      tpu.yield
    }) : () -> ()
    %dma_start3A = arith.constant 0 : i32
    %dma_start3A_5 = tpu.memref_slice %arg2[%dma_start3A] : memref<8192xf32, #tpu.memory_space<hbm>> -> memref<8192xf32, #tpu.memory_space<hbm>>
    tpu.enqueue_indirect_dma source(%dma_start3A_5 : memref<8192xf32, #tpu.memory_space<hbm>>) target(%arg6 : memref<128xf32, #tpu.memory_space<vmem>>) offsets(%arg5 : memref<128xi32, #tpu.memory_space<vmem>>) semaphore(%arg7 : memref<!tpu.dma_semaphore, #tpu.memory_space<semaphore_mem>>)
    %dma_wait3A = arith.constant 0 : i32
    %dma_wait3A_6 = tpu.memref_slice %arg2[%dma_wait3A] : memref<8192xf32, #tpu.memory_space<hbm>> -> memref<8192xf32, #tpu.memory_space<hbm>>
    tpu.wait_indirect_dma semaphore(%arg7 : memref<!tpu.dma_semaphore, #tpu.memory_space<semaphore_mem>>) src(%dma_wait3A_6 : memref<8192xf32, #tpu.memory_space<hbm>>) dst(%arg6 : memref<128xf32, #tpu.memory_space<vmem>>)
    "tpu.region"() ({
      %run_scoped3A = tpu.sem_alloc : memref<!tpu.dma_semaphore, #tpu.memory_space<semaphore_mem>>
      %dma_start3A_13 = tpu.memref_slice %arg4[%add3A_4] : memref<8192xf32, #tpu.memory_space<hbm>> -> memref<128xf32, #tpu.memory_space<hbm>>
      %dma_start3A_14 = tpu.memref_slice %arg4[%add3A_4] : memref<8192xf32, #tpu.memory_space<hbm>> -> memref<128xf32, #tpu.memory_space<hbm>>
      tpu.enqueue_dma source(%arg6 : memref<128xf32, #tpu.memory_space<vmem>>) target(%dma_start3A_14 : memref<128xf32, #tpu.memory_space<hbm>>) target_semaphore(%run_scoped3A : memref<!tpu.dma_semaphore, #tpu.memory_space<semaphore_mem>>)
      %dma_wait3A_15 = tpu.memref_slice %arg4[%add3A_4] : memref<8192xf32, #tpu.memory_space<hbm>> -> memref<128xf32, #tpu.memory_space<hbm>>
      %dma_wait3A_16 = tpu.memref_slice %arg4[%add3A_4] : memref<8192xf32, #tpu.memory_space<hbm>> -> memref<128xf32, #tpu.memory_space<hbm>>
      tpu.wait_dma2 semaphore(%run_scoped3A : memref<!tpu.dma_semaphore, #tpu.memory_space<semaphore_mem>>) src(%arg6 : memref<128xf32, #tpu.memory_space<vmem>>) dst(%dma_wait3A_16 : memref<128xf32, #tpu.memory_space<hbm>>)
      tpu.yield
    }) : () -> ()
    %add3A_7 = arith.constant 128 : i32
    %add3A_8 = arith.addi %mul3A_2, %add3A_7 : i32
    "tpu.region"() ({
      %run_scoped3A = tpu.sem_alloc : memref<!tpu.dma_semaphore, #tpu.memory_space<semaphore_mem>>
      %dma_start3A_13 = tpu.memref_slice %arg3[%add3A_8] : memref<8192xi32, #tpu.memory_space<hbm>> -> memref<128xi32, #tpu.memory_space<hbm>>
      %dma_start3A_14 = tpu.memref_slice %arg3[%add3A_8] : memref<8192xi32, #tpu.memory_space<hbm>> -> memref<128xi32, #tpu.memory_space<hbm>>
      tpu.enqueue_dma source(%dma_start3A_14 : memref<128xi32, #tpu.memory_space<hbm>>) target(%arg5 : memref<128xi32, #tpu.memory_space<vmem>>) target_semaphore(%run_scoped3A : memref<!tpu.dma_semaphore, #tpu.memory_space<semaphore_mem>>)
      %dma_wait3A_15 = tpu.memref_slice %arg3[%add3A_8] : memref<8192xi32, #tpu.memory_space<hbm>> -> memref<128xi32, #tpu.memory_space<hbm>>
      %dma_wait3A_16 = tpu.memref_slice %arg3[%add3A_8] : memref<8192xi32, #tpu.memory_space<hbm>> -> memref<128xi32, #tpu.memory_space<hbm>>
      tpu.wait_dma2 semaphore(%run_scoped3A : memref<!tpu.dma_semaphore, #tpu.memory_space<semaphore_mem>>) src(%dma_wait3A_16 : memref<128xi32, #tpu.memory_space<hbm>>) dst(%arg5 : memref<128xi32, #tpu.memory_space<vmem>>)
      tpu.yield
    }) : () -> ()
    %dma_start3A_9 = arith.constant 0 : i32
    %dma_start3A_10 = tpu.memref_slice %arg2[%dma_start3A_9] : memref<8192xf32, #tpu.memory_space<hbm>> -> memref<8192xf32, #tpu.memory_space<hbm>>
    tpu.enqueue_indirect_dma source(%dma_start3A_10 : memref<8192xf32, #tpu.memory_space<hbm>>) target(%arg6 : memref<128xf32, #tpu.memory_space<vmem>>) offsets(%arg5 : memref<128xi32, #tpu.memory_space<vmem>>) semaphore(%arg7 : memref<!tpu.dma_semaphore, #tpu.memory_space<semaphore_mem>>)
    %dma_wait3A_11 = arith.constant 0 : i32
    %dma_wait3A_12 = tpu.memref_slice %arg2[%dma_wait3A_11] : memref<8192xf32, #tpu.memory_space<hbm>> -> memref<8192xf32, #tpu.memory_space<hbm>>
    tpu.wait_indirect_dma semaphore(%arg7 : memref<!tpu.dma_semaphore, #tpu.memory_space<semaphore_mem>>) src(%dma_wait3A_12 : memref<8192xf32, #tpu.memory_space<hbm>>) dst(%arg6 : memref<128xf32, #tpu.memory_space<vmem>>)
    "tpu.region"() ({
      %run_scoped3A = tpu.sem_alloc : memref<!tpu.dma_semaphore, #tpu.memory_space<semaphore_mem>>
      %dma_start3A_13 = tpu.memref_slice %arg4[%add3A_8] : memref<8192xf32, #tpu.memory_space<hbm>> -> memref<128xf32, #tpu.memory_space<hbm>>
      %dma_start3A_14 = tpu.memref_slice %arg4[%add3A_8] : memref<8192xf32, #tpu.memory_space<hbm>> -> memref<128xf32, #tpu.memory_space<hbm>>
      tpu.enqueue_dma source(%arg6 : memref<128xf32, #tpu.memory_space<vmem>>) target(%dma_start3A_14 : memref<128xf32, #tpu.memory_space<hbm>>) target_semaphore(%run_scoped3A : memref<!tpu.dma_semaphore, #tpu.memory_space<semaphore_mem>>)
      %dma_wait3A_15 = tpu.memref_slice %arg4[%add3A_8] : memref<8192xf32, #tpu.memory_space<hbm>> -> memref<128xf32, #tpu.memory_space<hbm>>
      %dma_wait3A_16 = tpu.memref_slice %arg4[%add3A_8] : memref<8192xf32, #tpu.memory_space<hbm>> -> memref<128xf32, #tpu.memory_space<hbm>>
      tpu.wait_dma2 semaphore(%run_scoped3A : memref<!tpu.dma_semaphore, #tpu.memory_space<semaphore_mem>>) src(%arg6 : memref<128xf32, #tpu.memory_space<vmem>>) dst(%dma_wait3A_16 : memref<128xf32, #tpu.memory_space<hbm>>)
      tpu.yield
    }) : () -> ()
    return
  }
}

#map = affine_map<(d0, d1) -> (0, 0)>
#map1 = affine_map<(d0, d1) -> (0)>
module attributes {stable_mosaic.version = 14 : i64} {
  func.func @dispatch(%arg0: i32, %arg1: i32, %arg2: memref<8192x1024xf32, #tpu.memory_space<hbm>>, %arg3: memref<8192xi32, #tpu.memory_space<hbm>>, %arg4: memref<8192xi32, #tpu.memory_space<hbm>>, %arg5: memref<8192x1024xf32, #tpu.memory_space<hbm>>, %arg6: memref<8192xi32, #tpu.memory_space<hbm>>, %arg7: memref<64xi32, #tpu.memory_space<vmem>>, %arg8: memref<64x1024xf32, #tpu.memory_space<vmem>>, %arg9: memref<64xi32, #tpu.memory_space<vmem>>, %arg10: memref<!tpu.dma_semaphore, #tpu.memory_space<semaphore_mem>>, %arg11: memref<!tpu.dma_semaphore, #tpu.memory_space<semaphore_mem>>) attributes {dimension_semantics = [#tpu.dimension_semantics<core_parallel>, #tpu.dimension_semantics<subcore_parallel>], iteration_bounds = array<i64: 2, 16>, scalar_prefetch = 0 : i64, scratch_operands = 5 : i64, tpu.core_type = #tpu.core_type<sc_vector_subcore>, window_params = [{transform_indices = #map}, {transform_indices = #map1}, {transform_indices = #map1}, {transform_indices = #map}, {transform_indices = #map1}]} {
    %mul3A = arith.constant 2 : i32
    %mul3A_0 = arith.muli %arg1, %mul3A : i32
    %add3A = arith.addi %mul3A_0, %arg0 : i32
    %mul3A_1 = arith.constant 256 : i32
    %mul3A_2 = arith.muli %add3A, %mul3A_1 : i32
    %add3A_3 = arith.constant 0 : i32
    %add3A_4 = arith.addi %mul3A_2, %add3A_3 : i32
    "tpu.region"() ({
      %run_scoped3A = tpu.sem_alloc : memref<!tpu.dma_semaphore, #tpu.memory_space<semaphore_mem>>
      %dma_start3A_49 = tpu.memref_slice %arg4[%add3A_4] : memref<8192xi32, #tpu.memory_space<hbm>> -> memref<64xi32, #tpu.memory_space<hbm>>
      %dma_start3A_50 = tpu.memref_slice %arg4[%add3A_4] : memref<8192xi32, #tpu.memory_space<hbm>> -> memref<64xi32, #tpu.memory_space<hbm>>
      tpu.enqueue_dma source(%dma_start3A_50 : memref<64xi32, #tpu.memory_space<hbm>>) target(%arg7 : memref<64xi32, #tpu.memory_space<vmem>>) target_semaphore(%run_scoped3A : memref<!tpu.dma_semaphore, #tpu.memory_space<semaphore_mem>>)
      %dma_wait3A_51 = tpu.memref_slice %arg4[%add3A_4] : memref<8192xi32, #tpu.memory_space<hbm>> -> memref<64xi32, #tpu.memory_space<hbm>>
      %dma_wait3A_52 = tpu.memref_slice %arg4[%add3A_4] : memref<8192xi32, #tpu.memory_space<hbm>> -> memref<64xi32, #tpu.memory_space<hbm>>
      tpu.wait_dma2 semaphore(%run_scoped3A : memref<!tpu.dma_semaphore, #tpu.memory_space<semaphore_mem>>) src(%dma_wait3A_52 : memref<64xi32, #tpu.memory_space<hbm>>) dst(%arg7 : memref<64xi32, #tpu.memory_space<vmem>>)
      tpu.yield
    }) : () -> ()
    "tpu.region"() ({
      %run_scoped3A = tpu.sem_alloc : memref<!tpu.dma_semaphore, #tpu.memory_space<semaphore_mem>>
      %dma_start3A_49 = arith.constant 0 : i32
      %dma_start3A_50 = tpu.memref_slice %arg2[%add3A_4, %dma_start3A_49] : memref<8192x1024xf32, #tpu.memory_space<hbm>> -> memref<64x1024xf32, #tpu.memory_space<hbm>>
      %dma_start3A_51 = arith.constant 0 : i32
      %dma_start3A_52 = tpu.memref_slice %arg2[%add3A_4, %dma_start3A_51] : memref<8192x1024xf32, #tpu.memory_space<hbm>> -> memref<64x1024xf32, #tpu.memory_space<hbm>>
      tpu.enqueue_dma source(%dma_start3A_52 : memref<64x1024xf32, #tpu.memory_space<hbm>>) target(%arg8 : memref<64x1024xf32, #tpu.memory_space<vmem>>) target_semaphore(%run_scoped3A : memref<!tpu.dma_semaphore, #tpu.memory_space<semaphore_mem>>)
      %dma_wait3A_53 = arith.constant 0 : i32
      %dma_wait3A_54 = tpu.memref_slice %arg2[%add3A_4, %dma_wait3A_53] : memref<8192x1024xf32, #tpu.memory_space<hbm>> -> memref<64x1024xf32, #tpu.memory_space<hbm>>
      %dma_wait3A_55 = arith.constant 0 : i32
      %dma_wait3A_56 = tpu.memref_slice %arg2[%add3A_4, %dma_wait3A_55] : memref<8192x1024xf32, #tpu.memory_space<hbm>> -> memref<64x1024xf32, #tpu.memory_space<hbm>>
      tpu.wait_dma2 semaphore(%run_scoped3A : memref<!tpu.dma_semaphore, #tpu.memory_space<semaphore_mem>>) src(%dma_wait3A_56 : memref<64x1024xf32, #tpu.memory_space<hbm>>) dst(%arg8 : memref<64x1024xf32, #tpu.memory_space<vmem>>)
      tpu.yield
    }) : () -> ()
    "tpu.region"() ({
      %run_scoped3A = tpu.sem_alloc : memref<!tpu.dma_semaphore, #tpu.memory_space<semaphore_mem>>
      %dma_start3A_49 = tpu.memref_slice %arg3[%add3A_4] : memref<8192xi32, #tpu.memory_space<hbm>> -> memref<64xi32, #tpu.memory_space<hbm>>
      %dma_start3A_50 = tpu.memref_slice %arg3[%add3A_4] : memref<8192xi32, #tpu.memory_space<hbm>> -> memref<64xi32, #tpu.memory_space<hbm>>
      tpu.enqueue_dma source(%dma_start3A_50 : memref<64xi32, #tpu.memory_space<hbm>>) target(%arg9 : memref<64xi32, #tpu.memory_space<vmem>>) target_semaphore(%run_scoped3A : memref<!tpu.dma_semaphore, #tpu.memory_space<semaphore_mem>>)
      %dma_wait3A_51 = tpu.memref_slice %arg3[%add3A_4] : memref<8192xi32, #tpu.memory_space<hbm>> -> memref<64xi32, #tpu.memory_space<hbm>>
      %dma_wait3A_52 = tpu.memref_slice %arg3[%add3A_4] : memref<8192xi32, #tpu.memory_space<hbm>> -> memref<64xi32, #tpu.memory_space<hbm>>
      tpu.wait_dma2 semaphore(%run_scoped3A : memref<!tpu.dma_semaphore, #tpu.memory_space<semaphore_mem>>) src(%dma_wait3A_52 : memref<64xi32, #tpu.memory_space<hbm>>) dst(%arg9 : memref<64xi32, #tpu.memory_space<vmem>>)
      tpu.yield
    }) : () -> ()
    %dma_start3A = arith.constant 0 : i32
    %dma_start3A_5 = arith.constant 0 : i32
    %dma_start3A_6 = tpu.memref_slice %arg5[%dma_start3A, %dma_start3A_5] : memref<8192x1024xf32, #tpu.memory_space<hbm>> -> memref<8192x1024xf32, #tpu.memory_space<hbm>>
    tpu.enqueue_indirect_dma source(%arg8 : memref<64x1024xf32, #tpu.memory_space<vmem>>) target(%dma_start3A_6 : memref<8192x1024xf32, #tpu.memory_space<hbm>>) offsets(%arg7 : memref<64xi32, #tpu.memory_space<vmem>>) semaphore(%arg10 : memref<!tpu.dma_semaphore, #tpu.memory_space<semaphore_mem>>)
    %dma_wait3A = arith.constant 0 : i32
    %dma_wait3A_7 = arith.constant 0 : i32
    %dma_wait3A_8 = tpu.memref_slice %arg5[%dma_wait3A, %dma_wait3A_7] : memref<8192x1024xf32, #tpu.memory_space<hbm>> -> memref<8192x1024xf32, #tpu.memory_space<hbm>>
    tpu.wait_indirect_dma semaphore(%arg10 : memref<!tpu.dma_semaphore, #tpu.memory_space<semaphore_mem>>) src(%arg8 : memref<64x1024xf32, #tpu.memory_space<vmem>>) dst(%dma_wait3A_8 : memref<8192x1024xf32, #tpu.memory_space<hbm>>)
    %dma_start3A_9 = arith.constant 0 : i32
    %dma_start3A_10 = tpu.memref_slice %arg6[%dma_start3A_9] : memref<8192xi32, #tpu.memory_space<hbm>> -> memref<8192xi32, #tpu.memory_space<hbm>>
    tpu.enqueue_indirect_dma source(%arg9 : memref<64xi32, #tpu.memory_space<vmem>>) target(%dma_start3A_10 : memref<8192xi32, #tpu.memory_space<hbm>>) offsets(%arg7 : memref<64xi32, #tpu.memory_space<vmem>>) semaphore(%arg11 : memref<!tpu.dma_semaphore, #tpu.memory_space<semaphore_mem>>)
    %dma_wait3A_11 = arith.constant 0 : i32
    %dma_wait3A_12 = tpu.memref_slice %arg6[%dma_wait3A_11] : memref<8192xi32, #tpu.memory_space<hbm>> -> memref<8192xi32, #tpu.memory_space<hbm>>
    tpu.wait_indirect_dma semaphore(%arg11 : memref<!tpu.dma_semaphore, #tpu.memory_space<semaphore_mem>>) src(%arg9 : memref<64xi32, #tpu.memory_space<vmem>>) dst(%dma_wait3A_12 : memref<8192xi32, #tpu.memory_space<hbm>>)
    %add3A_13 = arith.constant 64 : i32
    %add3A_14 = arith.addi %mul3A_2, %add3A_13 : i32
    "tpu.region"() ({
      %run_scoped3A = tpu.sem_alloc : memref<!tpu.dma_semaphore, #tpu.memory_space<semaphore_mem>>
      %dma_start3A_49 = tpu.memref_slice %arg4[%add3A_14] : memref<8192xi32, #tpu.memory_space<hbm>> -> memref<64xi32, #tpu.memory_space<hbm>>
      %dma_start3A_50 = tpu.memref_slice %arg4[%add3A_14] : memref<8192xi32, #tpu.memory_space<hbm>> -> memref<64xi32, #tpu.memory_space<hbm>>
      tpu.enqueue_dma source(%dma_start3A_50 : memref<64xi32, #tpu.memory_space<hbm>>) target(%arg7 : memref<64xi32, #tpu.memory_space<vmem>>) target_semaphore(%run_scoped3A : memref<!tpu.dma_semaphore, #tpu.memory_space<semaphore_mem>>)
      %dma_wait3A_51 = tpu.memref_slice %arg4[%add3A_14] : memref<8192xi32, #tpu.memory_space<hbm>> -> memref<64xi32, #tpu.memory_space<hbm>>
      %dma_wait3A_52 = tpu.memref_slice %arg4[%add3A_14] : memref<8192xi32, #tpu.memory_space<hbm>> -> memref<64xi32, #tpu.memory_space<hbm>>
      tpu.wait_dma2 semaphore(%run_scoped3A : memref<!tpu.dma_semaphore, #tpu.memory_space<semaphore_mem>>) src(%dma_wait3A_52 : memref<64xi32, #tpu.memory_space<hbm>>) dst(%arg7 : memref<64xi32, #tpu.memory_space<vmem>>)
      tpu.yield
    }) : () -> ()
    "tpu.region"() ({
      %run_scoped3A = tpu.sem_alloc : memref<!tpu.dma_semaphore, #tpu.memory_space<semaphore_mem>>
      %dma_start3A_49 = arith.constant 0 : i32
      %dma_start3A_50 = tpu.memref_slice %arg2[%add3A_14, %dma_start3A_49] : memref<8192x1024xf32, #tpu.memory_space<hbm>> -> memref<64x1024xf32, #tpu.memory_space<hbm>>
      %dma_start3A_51 = arith.constant 0 : i32
      %dma_start3A_52 = tpu.memref_slice %arg2[%add3A_14, %dma_start3A_51] : memref<8192x1024xf32, #tpu.memory_space<hbm>> -> memref<64x1024xf32, #tpu.memory_space<hbm>>
      tpu.enqueue_dma source(%dma_start3A_52 : memref<64x1024xf32, #tpu.memory_space<hbm>>) target(%arg8 : memref<64x1024xf32, #tpu.memory_space<vmem>>) target_semaphore(%run_scoped3A : memref<!tpu.dma_semaphore, #tpu.memory_space<semaphore_mem>>)
      %dma_wait3A_53 = arith.constant 0 : i32
      %dma_wait3A_54 = tpu.memref_slice %arg2[%add3A_14, %dma_wait3A_53] : memref<8192x1024xf32, #tpu.memory_space<hbm>> -> memref<64x1024xf32, #tpu.memory_space<hbm>>
      %dma_wait3A_55 = arith.constant 0 : i32
      %dma_wait3A_56 = tpu.memref_slice %arg2[%add3A_14, %dma_wait3A_55] : memref<8192x1024xf32, #tpu.memory_space<hbm>> -> memref<64x1024xf32, #tpu.memory_space<hbm>>
      tpu.wait_dma2 semaphore(%run_scoped3A : memref<!tpu.dma_semaphore, #tpu.memory_space<semaphore_mem>>) src(%dma_wait3A_56 : memref<64x1024xf32, #tpu.memory_space<hbm>>) dst(%arg8 : memref<64x1024xf32, #tpu.memory_space<vmem>>)
      tpu.yield
    }) : () -> ()
    "tpu.region"() ({
      %run_scoped3A = tpu.sem_alloc : memref<!tpu.dma_semaphore, #tpu.memory_space<semaphore_mem>>
      %dma_start3A_49 = tpu.memref_slice %arg3[%add3A_14] : memref<8192xi32, #tpu.memory_space<hbm>> -> memref<64xi32, #tpu.memory_space<hbm>>
      %dma_start3A_50 = tpu.memref_slice %arg3[%add3A_14] : memref<8192xi32, #tpu.memory_space<hbm>> -> memref<64xi32, #tpu.memory_space<hbm>>
      tpu.enqueue_dma source(%dma_start3A_50 : memref<64xi32, #tpu.memory_space<hbm>>) target(%arg9 : memref<64xi32, #tpu.memory_space<vmem>>) target_semaphore(%run_scoped3A : memref<!tpu.dma_semaphore, #tpu.memory_space<semaphore_mem>>)
      %dma_wait3A_51 = tpu.memref_slice %arg3[%add3A_14] : memref<8192xi32, #tpu.memory_space<hbm>> -> memref<64xi32, #tpu.memory_space<hbm>>
      %dma_wait3A_52 = tpu.memref_slice %arg3[%add3A_14] : memref<8192xi32, #tpu.memory_space<hbm>> -> memref<64xi32, #tpu.memory_space<hbm>>
      tpu.wait_dma2 semaphore(%run_scoped3A : memref<!tpu.dma_semaphore, #tpu.memory_space<semaphore_mem>>) src(%dma_wait3A_52 : memref<64xi32, #tpu.memory_space<hbm>>) dst(%arg9 : memref<64xi32, #tpu.memory_space<vmem>>)
      tpu.yield
    }) : () -> ()
    %dma_start3A_15 = arith.constant 0 : i32
    %dma_start3A_16 = arith.constant 0 : i32
    %dma_start3A_17 = tpu.memref_slice %arg5[%dma_start3A_15, %dma_start3A_16] : memref<8192x1024xf32, #tpu.memory_space<hbm>> -> memref<8192x1024xf32, #tpu.memory_space<hbm>>
    tpu.enqueue_indirect_dma source(%arg8 : memref<64x1024xf32, #tpu.memory_space<vmem>>) target(%dma_start3A_17 : memref<8192x1024xf32, #tpu.memory_space<hbm>>) offsets(%arg7 : memref<64xi32, #tpu.memory_space<vmem>>) semaphore(%arg10 : memref<!tpu.dma_semaphore, #tpu.memory_space<semaphore_mem>>)
    %dma_wait3A_18 = arith.constant 0 : i32
    %dma_wait3A_19 = arith.constant 0 : i32
    %dma_wait3A_20 = tpu.memref_slice %arg5[%dma_wait3A_18, %dma_wait3A_19] : memref<8192x1024xf32, #tpu.memory_space<hbm>> -> memref<8192x1024xf32, #tpu.memory_space<hbm>>
    tpu.wait_indirect_dma semaphore(%arg10 : memref<!tpu.dma_semaphore, #tpu.memory_space<semaphore_mem>>) src(%arg8 : memref<64x1024xf32, #tpu.memory_space<vmem>>) dst(%dma_wait3A_20 : memref<8192x1024xf32, #tpu.memory_space<hbm>>)
    %dma_start3A_21 = arith.constant 0 : i32
    %dma_start3A_22 = tpu.memref_slice %arg6[%dma_start3A_21] : memref<8192xi32, #tpu.memory_space<hbm>> -> memref<8192xi32, #tpu.memory_space<hbm>>
    tpu.enqueue_indirect_dma source(%arg9 : memref<64xi32, #tpu.memory_space<vmem>>) target(%dma_start3A_22 : memref<8192xi32, #tpu.memory_space<hbm>>) offsets(%arg7 : memref<64xi32, #tpu.memory_space<vmem>>) semaphore(%arg11 : memref<!tpu.dma_semaphore, #tpu.memory_space<semaphore_mem>>)
    %dma_wait3A_23 = arith.constant 0 : i32
    %dma_wait3A_24 = tpu.memref_slice %arg6[%dma_wait3A_23] : memref<8192xi32, #tpu.memory_space<hbm>> -> memref<8192xi32, #tpu.memory_space<hbm>>
    tpu.wait_indirect_dma semaphore(%arg11 : memref<!tpu.dma_semaphore, #tpu.memory_space<semaphore_mem>>) src(%arg9 : memref<64xi32, #tpu.memory_space<vmem>>) dst(%dma_wait3A_24 : memref<8192xi32, #tpu.memory_space<hbm>>)
    %add3A_25 = arith.constant 128 : i32
    %add3A_26 = arith.addi %mul3A_2, %add3A_25 : i32
    "tpu.region"() ({
      %run_scoped3A = tpu.sem_alloc : memref<!tpu.dma_semaphore, #tpu.memory_space<semaphore_mem>>
      %dma_start3A_49 = tpu.memref_slice %arg4[%add3A_26] : memref<8192xi32, #tpu.memory_space<hbm>> -> memref<64xi32, #tpu.memory_space<hbm>>
      %dma_start3A_50 = tpu.memref_slice %arg4[%add3A_26] : memref<8192xi32, #tpu.memory_space<hbm>> -> memref<64xi32, #tpu.memory_space<hbm>>
      tpu.enqueue_dma source(%dma_start3A_50 : memref<64xi32, #tpu.memory_space<hbm>>) target(%arg7 : memref<64xi32, #tpu.memory_space<vmem>>) target_semaphore(%run_scoped3A : memref<!tpu.dma_semaphore, #tpu.memory_space<semaphore_mem>>)
      %dma_wait3A_51 = tpu.memref_slice %arg4[%add3A_26] : memref<8192xi32, #tpu.memory_space<hbm>> -> memref<64xi32, #tpu.memory_space<hbm>>
      %dma_wait3A_52 = tpu.memref_slice %arg4[%add3A_26] : memref<8192xi32, #tpu.memory_space<hbm>> -> memref<64xi32, #tpu.memory_space<hbm>>
      tpu.wait_dma2 semaphore(%run_scoped3A : memref<!tpu.dma_semaphore, #tpu.memory_space<semaphore_mem>>) src(%dma_wait3A_52 : memref<64xi32, #tpu.memory_space<hbm>>) dst(%arg7 : memref<64xi32, #tpu.memory_space<vmem>>)
      tpu.yield
    }) : () -> ()
    "tpu.region"() ({
      %run_scoped3A = tpu.sem_alloc : memref<!tpu.dma_semaphore, #tpu.memory_space<semaphore_mem>>
      %dma_start3A_49 = arith.constant 0 : i32
      %dma_start3A_50 = tpu.memref_slice %arg2[%add3A_26, %dma_start3A_49] : memref<8192x1024xf32, #tpu.memory_space<hbm>> -> memref<64x1024xf32, #tpu.memory_space<hbm>>
      %dma_start3A_51 = arith.constant 0 : i32
      %dma_start3A_52 = tpu.memref_slice %arg2[%add3A_26, %dma_start3A_51] : memref<8192x1024xf32, #tpu.memory_space<hbm>> -> memref<64x1024xf32, #tpu.memory_space<hbm>>
      tpu.enqueue_dma source(%dma_start3A_52 : memref<64x1024xf32, #tpu.memory_space<hbm>>) target(%arg8 : memref<64x1024xf32, #tpu.memory_space<vmem>>) target_semaphore(%run_scoped3A : memref<!tpu.dma_semaphore, #tpu.memory_space<semaphore_mem>>)
      %dma_wait3A_53 = arith.constant 0 : i32
      %dma_wait3A_54 = tpu.memref_slice %arg2[%add3A_26, %dma_wait3A_53] : memref<8192x1024xf32, #tpu.memory_space<hbm>> -> memref<64x1024xf32, #tpu.memory_space<hbm>>
      %dma_wait3A_55 = arith.constant 0 : i32
      %dma_wait3A_56 = tpu.memref_slice %arg2[%add3A_26, %dma_wait3A_55] : memref<8192x1024xf32, #tpu.memory_space<hbm>> -> memref<64x1024xf32, #tpu.memory_space<hbm>>
      tpu.wait_dma2 semaphore(%run_scoped3A : memref<!tpu.dma_semaphore, #tpu.memory_space<semaphore_mem>>) src(%dma_wait3A_56 : memref<64x1024xf32, #tpu.memory_space<hbm>>) dst(%arg8 : memref<64x1024xf32, #tpu.memory_space<vmem>>)
      tpu.yield
    }) : () -> ()
    "tpu.region"() ({
      %run_scoped3A = tpu.sem_alloc : memref<!tpu.dma_semaphore, #tpu.memory_space<semaphore_mem>>
      %dma_start3A_49 = tpu.memref_slice %arg3[%add3A_26] : memref<8192xi32, #tpu.memory_space<hbm>> -> memref<64xi32, #tpu.memory_space<hbm>>
      %dma_start3A_50 = tpu.memref_slice %arg3[%add3A_26] : memref<8192xi32, #tpu.memory_space<hbm>> -> memref<64xi32, #tpu.memory_space<hbm>>
      tpu.enqueue_dma source(%dma_start3A_50 : memref<64xi32, #tpu.memory_space<hbm>>) target(%arg9 : memref<64xi32, #tpu.memory_space<vmem>>) target_semaphore(%run_scoped3A : memref<!tpu.dma_semaphore, #tpu.memory_space<semaphore_mem>>)
      %dma_wait3A_51 = tpu.memref_slice %arg3[%add3A_26] : memref<8192xi32, #tpu.memory_space<hbm>> -> memref<64xi32, #tpu.memory_space<hbm>>
      %dma_wait3A_52 = tpu.memref_slice %arg3[%add3A_26] : memref<8192xi32, #tpu.memory_space<hbm>> -> memref<64xi32, #tpu.memory_space<hbm>>
      tpu.wait_dma2 semaphore(%run_scoped3A : memref<!tpu.dma_semaphore, #tpu.memory_space<semaphore_mem>>) src(%dma_wait3A_52 : memref<64xi32, #tpu.memory_space<hbm>>) dst(%arg9 : memref<64xi32, #tpu.memory_space<vmem>>)
      tpu.yield
    }) : () -> ()
    %dma_start3A_27 = arith.constant 0 : i32
    %dma_start3A_28 = arith.constant 0 : i32
    %dma_start3A_29 = tpu.memref_slice %arg5[%dma_start3A_27, %dma_start3A_28] : memref<8192x1024xf32, #tpu.memory_space<hbm>> -> memref<8192x1024xf32, #tpu.memory_space<hbm>>
    tpu.enqueue_indirect_dma source(%arg8 : memref<64x1024xf32, #tpu.memory_space<vmem>>) target(%dma_start3A_29 : memref<8192x1024xf32, #tpu.memory_space<hbm>>) offsets(%arg7 : memref<64xi32, #tpu.memory_space<vmem>>) semaphore(%arg10 : memref<!tpu.dma_semaphore, #tpu.memory_space<semaphore_mem>>)
    %dma_wait3A_30 = arith.constant 0 : i32
    %dma_wait3A_31 = arith.constant 0 : i32
    %dma_wait3A_32 = tpu.memref_slice %arg5[%dma_wait3A_30, %dma_wait3A_31] : memref<8192x1024xf32, #tpu.memory_space<hbm>> -> memref<8192x1024xf32, #tpu.memory_space<hbm>>
    tpu.wait_indirect_dma semaphore(%arg10 : memref<!tpu.dma_semaphore, #tpu.memory_space<semaphore_mem>>) src(%arg8 : memref<64x1024xf32, #tpu.memory_space<vmem>>) dst(%dma_wait3A_32 : memref<8192x1024xf32, #tpu.memory_space<hbm>>)
    %dma_start3A_33 = arith.constant 0 : i32
    %dma_start3A_34 = tpu.memref_slice %arg6[%dma_start3A_33] : memref<8192xi32, #tpu.memory_space<hbm>> -> memref<8192xi32, #tpu.memory_space<hbm>>
    tpu.enqueue_indirect_dma source(%arg9 : memref<64xi32, #tpu.memory_space<vmem>>) target(%dma_start3A_34 : memref<8192xi32, #tpu.memory_space<hbm>>) offsets(%arg7 : memref<64xi32, #tpu.memory_space<vmem>>) semaphore(%arg11 : memref<!tpu.dma_semaphore, #tpu.memory_space<semaphore_mem>>)
    %dma_wait3A_35 = arith.constant 0 : i32
    %dma_wait3A_36 = tpu.memref_slice %arg6[%dma_wait3A_35] : memref<8192xi32, #tpu.memory_space<hbm>> -> memref<8192xi32, #tpu.memory_space<hbm>>
    tpu.wait_indirect_dma semaphore(%arg11 : memref<!tpu.dma_semaphore, #tpu.memory_space<semaphore_mem>>) src(%arg9 : memref<64xi32, #tpu.memory_space<vmem>>) dst(%dma_wait3A_36 : memref<8192xi32, #tpu.memory_space<hbm>>)
    %add3A_37 = arith.constant 192 : i32
    %add3A_38 = arith.addi %mul3A_2, %add3A_37 : i32
    "tpu.region"() ({
      %run_scoped3A = tpu.sem_alloc : memref<!tpu.dma_semaphore, #tpu.memory_space<semaphore_mem>>
      %dma_start3A_49 = tpu.memref_slice %arg4[%add3A_38] : memref<8192xi32, #tpu.memory_space<hbm>> -> memref<64xi32, #tpu.memory_space<hbm>>
      %dma_start3A_50 = tpu.memref_slice %arg4[%add3A_38] : memref<8192xi32, #tpu.memory_space<hbm>> -> memref<64xi32, #tpu.memory_space<hbm>>
      tpu.enqueue_dma source(%dma_start3A_50 : memref<64xi32, #tpu.memory_space<hbm>>) target(%arg7 : memref<64xi32, #tpu.memory_space<vmem>>) target_semaphore(%run_scoped3A : memref<!tpu.dma_semaphore, #tpu.memory_space<semaphore_mem>>)
      %dma_wait3A_51 = tpu.memref_slice %arg4[%add3A_38] : memref<8192xi32, #tpu.memory_space<hbm>> -> memref<64xi32, #tpu.memory_space<hbm>>
      %dma_wait3A_52 = tpu.memref_slice %arg4[%add3A_38] : memref<8192xi32, #tpu.memory_space<hbm>> -> memref<64xi32, #tpu.memory_space<hbm>>
      tpu.wait_dma2 semaphore(%run_scoped3A : memref<!tpu.dma_semaphore, #tpu.memory_space<semaphore_mem>>) src(%dma_wait3A_52 : memref<64xi32, #tpu.memory_space<hbm>>) dst(%arg7 : memref<64xi32, #tpu.memory_space<vmem>>)
      tpu.yield
    }) : () -> ()
    "tpu.region"() ({
      %run_scoped3A = tpu.sem_alloc : memref<!tpu.dma_semaphore, #tpu.memory_space<semaphore_mem>>
      %dma_start3A_49 = arith.constant 0 : i32
      %dma_start3A_50 = tpu.memref_slice %arg2[%add3A_38, %dma_start3A_49] : memref<8192x1024xf32, #tpu.memory_space<hbm>> -> memref<64x1024xf32, #tpu.memory_space<hbm>>
      %dma_start3A_51 = arith.constant 0 : i32
      %dma_start3A_52 = tpu.memref_slice %arg2[%add3A_38, %dma_start3A_51] : memref<8192x1024xf32, #tpu.memory_space<hbm>> -> memref<64x1024xf32, #tpu.memory_space<hbm>>
      tpu.enqueue_dma source(%dma_start3A_52 : memref<64x1024xf32, #tpu.memory_space<hbm>>) target(%arg8 : memref<64x1024xf32, #tpu.memory_space<vmem>>) target_semaphore(%run_scoped3A : memref<!tpu.dma_semaphore, #tpu.memory_space<semaphore_mem>>)
      %dma_wait3A_53 = arith.constant 0 : i32
      %dma_wait3A_54 = tpu.memref_slice %arg2[%add3A_38, %dma_wait3A_53] : memref<8192x1024xf32, #tpu.memory_space<hbm>> -> memref<64x1024xf32, #tpu.memory_space<hbm>>
      %dma_wait3A_55 = arith.constant 0 : i32
      %dma_wait3A_56 = tpu.memref_slice %arg2[%add3A_38, %dma_wait3A_55] : memref<8192x1024xf32, #tpu.memory_space<hbm>> -> memref<64x1024xf32, #tpu.memory_space<hbm>>
      tpu.wait_dma2 semaphore(%run_scoped3A : memref<!tpu.dma_semaphore, #tpu.memory_space<semaphore_mem>>) src(%dma_wait3A_56 : memref<64x1024xf32, #tpu.memory_space<hbm>>) dst(%arg8 : memref<64x1024xf32, #tpu.memory_space<vmem>>)
      tpu.yield
    }) : () -> ()
    "tpu.region"() ({
      %run_scoped3A = tpu.sem_alloc : memref<!tpu.dma_semaphore, #tpu.memory_space<semaphore_mem>>
      %dma_start3A_49 = tpu.memref_slice %arg3[%add3A_38] : memref<8192xi32, #tpu.memory_space<hbm>> -> memref<64xi32, #tpu.memory_space<hbm>>
      %dma_start3A_50 = tpu.memref_slice %arg3[%add3A_38] : memref<8192xi32, #tpu.memory_space<hbm>> -> memref<64xi32, #tpu.memory_space<hbm>>
      tpu.enqueue_dma source(%dma_start3A_50 : memref<64xi32, #tpu.memory_space<hbm>>) target(%arg9 : memref<64xi32, #tpu.memory_space<vmem>>) target_semaphore(%run_scoped3A : memref<!tpu.dma_semaphore, #tpu.memory_space<semaphore_mem>>)
      %dma_wait3A_51 = tpu.memref_slice %arg3[%add3A_38] : memref<8192xi32, #tpu.memory_space<hbm>> -> memref<64xi32, #tpu.memory_space<hbm>>
      %dma_wait3A_52 = tpu.memref_slice %arg3[%add3A_38] : memref<8192xi32, #tpu.memory_space<hbm>> -> memref<64xi32, #tpu.memory_space<hbm>>
      tpu.wait_dma2 semaphore(%run_scoped3A : memref<!tpu.dma_semaphore, #tpu.memory_space<semaphore_mem>>) src(%dma_wait3A_52 : memref<64xi32, #tpu.memory_space<hbm>>) dst(%arg9 : memref<64xi32, #tpu.memory_space<vmem>>)
      tpu.yield
    }) : () -> ()
    %dma_start3A_39 = arith.constant 0 : i32
    %dma_start3A_40 = arith.constant 0 : i32
    %dma_start3A_41 = tpu.memref_slice %arg5[%dma_start3A_39, %dma_start3A_40] : memref<8192x1024xf32, #tpu.memory_space<hbm>> -> memref<8192x1024xf32, #tpu.memory_space<hbm>>
    tpu.enqueue_indirect_dma source(%arg8 : memref<64x1024xf32, #tpu.memory_space<vmem>>) target(%dma_start3A_41 : memref<8192x1024xf32, #tpu.memory_space<hbm>>) offsets(%arg7 : memref<64xi32, #tpu.memory_space<vmem>>) semaphore(%arg10 : memref<!tpu.dma_semaphore, #tpu.memory_space<semaphore_mem>>)
    %dma_wait3A_42 = arith.constant 0 : i32
    %dma_wait3A_43 = arith.constant 0 : i32
    %dma_wait3A_44 = tpu.memref_slice %arg5[%dma_wait3A_42, %dma_wait3A_43] : memref<8192x1024xf32, #tpu.memory_space<hbm>> -> memref<8192x1024xf32, #tpu.memory_space<hbm>>
    tpu.wait_indirect_dma semaphore(%arg10 : memref<!tpu.dma_semaphore, #tpu.memory_space<semaphore_mem>>) src(%arg8 : memref<64x1024xf32, #tpu.memory_space<vmem>>) dst(%dma_wait3A_44 : memref<8192x1024xf32, #tpu.memory_space<hbm>>)
    %dma_start3A_45 = arith.constant 0 : i32
    %dma_start3A_46 = tpu.memref_slice %arg6[%dma_start3A_45] : memref<8192xi32, #tpu.memory_space<hbm>> -> memref<8192xi32, #tpu.memory_space<hbm>>
    tpu.enqueue_indirect_dma source(%arg9 : memref<64xi32, #tpu.memory_space<vmem>>) target(%dma_start3A_46 : memref<8192xi32, #tpu.memory_space<hbm>>) offsets(%arg7 : memref<64xi32, #tpu.memory_space<vmem>>) semaphore(%arg11 : memref<!tpu.dma_semaphore, #tpu.memory_space<semaphore_mem>>)
    %dma_wait3A_47 = arith.constant 0 : i32
    %dma_wait3A_48 = tpu.memref_slice %arg6[%dma_wait3A_47] : memref<8192xi32, #tpu.memory_space<hbm>> -> memref<8192xi32, #tpu.memory_space<hbm>>
    tpu.wait_indirect_dma semaphore(%arg11 : memref<!tpu.dma_semaphore, #tpu.memory_space<semaphore_mem>>) src(%arg9 : memref<64xi32, #tpu.memory_space<vmem>>) dst(%dma_wait3A_48 : memref<8192xi32, #tpu.memory_space<hbm>>)
    return
  }
}

module attributes {stable_mosaic.version = 14 : i64} {
  func.func @body(%arg0: memref<64x128xi32, #tpu.memory_space<vmem>>, %arg1: memref<128x128xf32, #tpu.memory_space<vmem>>, %arg2: memref<64x64xf32, #tpu.memory_space<vmem>>, %arg3: memref<64x128xi32, #tpu.memory_space<vmem>>, %arg4: memref<1x128xi32, #tpu.memory_space<vmem>>) attributes {dimension_semantics = [], scalar_prefetch = 0 : i64, scratch_operands = 0 : i64, tpu.core_type = #tpu.core_type<tc>} {
    %get3A = arith.constant 0 : index
    %get3A_0 = arith.constant 0 : index
    %get3A_1 = vector.load %arg0[%get3A, %get3A_0] : memref<64x128xi32, #tpu.memory_space<vmem>>, vector<64x128xi32>
    %lt3A = arith.constant 20000 : i32
    %lt3A_2 = vector.broadcast %lt3A : i32 to vector<64x128xi32>
    %lt3A_3 = arith.cmpi slt, %get3A_1, %lt3A_2 : vector<64x128xi32>
    %lt3A_4 = arith.constant 60000 : i32
    %lt3A_5 = vector.broadcast %lt3A_4 : i32 to vector<64x128xi32>
    %lt3A_6 = arith.cmpi slt, %get3A_1, %lt3A_5 : vector<64x128xi32>
    %broadcast_in_dim3A = arith.constant 1.000000e+00 : f32
    %broadcast_in_dim3A_7 = vector.broadcast %broadcast_in_dim3A : f32 to vector<64x128xf32>
    %broadcast_in_dim3A_8 = arith.constant 0.000000e+00 : f32
    %broadcast_in_dim3A_9 = vector.broadcast %broadcast_in_dim3A_8 : f32 to vector<64x128xf32>
    %select_n3A = arith.select %lt3A_3, %broadcast_in_dim3A_7, %broadcast_in_dim3A_9 : vector<64x128xi1>, vector<64x128xf32>
    %select_n3A_10 = arith.select %lt3A_6, %broadcast_in_dim3A_7, %broadcast_in_dim3A_9 : vector<64x128xi1>, vector<64x128xf32>
    %sub3A = arith.subf %select_n3A_10, %select_n3A : vector<64x128xf32>
    %sub3A_11 = arith.subf %broadcast_in_dim3A_7, %select_n3A_10 : vector<64x128xf32>
    %get3A_12 = arith.constant 0 : index
    %get3A_13 = arith.constant 0 : index
    %get3A_14 = vector.load %arg1[%get3A_12, %get3A_13] : memref<128x128xf32, #tpu.memory_space<vmem>>, vector<128x128xf32>
    %dot_general3A = arith.constant dense<0.000000e+00> : vector<64x128xf32>
    %dot_general3A_15 = tpu.matmul %select_n3A, %get3A_14, %dot_general3A {dimension_numbers = #tpu.dot_dimension_numbers<[1], [0], [0], [1], [0, 0, 1, 1], [], []>, transpose_lhs_hint = false} : vector<64x128xf32>, vector<128x128xf32>, vector<64x128xf32> -> vector<64x128xf32>
    %slice3A = vector.extract_strided_slice %dot_general3A_15 {offsets = [0, 127], sizes = [64, 1], strides = [1, 1]} : vector<64x128xf32> to vector<64x1xf32>
    %get3A_16 = arith.constant 0 : index
    %get3A_17 = arith.constant 0 : index
    %get3A_18 = vector.load %arg2[%get3A_16, %get3A_17] : memref<64x64xf32, #tpu.memory_space<vmem>>, vector<64x64xf32>
    %dot_general3A_19 = arith.constant dense<0.000000e+00> : vector<64x1xf32>
    %dot_general3A_20 = tpu.matmul %get3A_18, %slice3A, %dot_general3A_19 {dimension_numbers = #tpu.dot_dimension_numbers<[1], [0], [0], [1], [0, 0, 1, 1], [], []>, transpose_lhs_hint = false} : vector<64x64xf32>, vector<64x1xf32>, vector<64x1xf32> -> vector<64x1xf32>
    %sub3A_21 = arith.subf %dot_general3A_15, %select_n3A : vector<64x128xf32>
    %add3A = vector.broadcast %dot_general3A_20 : vector<64x1xf32> to vector<64x128xf32>
    %add3A_22 = arith.addf %sub3A_21, %add3A : vector<64x128xf32>
    %get3A_23 = arith.constant 0 : index
    %get3A_24 = arith.constant 0 : index
    %get3A_25 = vector.load %arg1[%get3A_23, %get3A_24] : memref<128x128xf32, #tpu.memory_space<vmem>>, vector<128x128xf32>
    %dot_general3A_26 = arith.constant dense<0.000000e+00> : vector<64x128xf32>
    %dot_general3A_27 = tpu.matmul %sub3A, %get3A_25, %dot_general3A_26 {dimension_numbers = #tpu.dot_dimension_numbers<[1], [0], [0], [1], [0, 0, 1, 1], [], []>, transpose_lhs_hint = false} : vector<64x128xf32>, vector<128x128xf32>, vector<64x128xf32> -> vector<64x128xf32>
    %slice3A_28 = vector.extract_strided_slice %dot_general3A_27 {offsets = [0, 127], sizes = [64, 1], strides = [1, 1]} : vector<64x128xf32> to vector<64x1xf32>
    %get3A_29 = arith.constant 0 : index
    %get3A_30 = arith.constant 0 : index
    %get3A_31 = vector.load %arg2[%get3A_29, %get3A_30] : memref<64x64xf32, #tpu.memory_space<vmem>>, vector<64x64xf32>
    %dot_general3A_32 = arith.constant dense<0.000000e+00> : vector<64x1xf32>
    %dot_general3A_33 = tpu.matmul %get3A_31, %slice3A_28, %dot_general3A_32 {dimension_numbers = #tpu.dot_dimension_numbers<[1], [0], [0], [1], [0, 0, 1, 1], [], []>, transpose_lhs_hint = false} : vector<64x64xf32>, vector<64x1xf32>, vector<64x1xf32> -> vector<64x1xf32>
    %sub3A_34 = arith.subf %dot_general3A_27, %sub3A : vector<64x128xf32>
    %add3A_35 = vector.broadcast %dot_general3A_33 : vector<64x1xf32> to vector<64x128xf32>
    %add3A_36 = arith.addf %sub3A_34, %add3A_35 : vector<64x128xf32>
    %get3A_37 = arith.constant 0 : index
    %get3A_38 = arith.constant 0 : index
    %get3A_39 = vector.load %arg1[%get3A_37, %get3A_38] : memref<128x128xf32, #tpu.memory_space<vmem>>, vector<128x128xf32>
    %dot_general3A_40 = arith.constant dense<0.000000e+00> : vector<64x128xf32>
    %dot_general3A_41 = tpu.matmul %sub3A_11, %get3A_39, %dot_general3A_40 {dimension_numbers = #tpu.dot_dimension_numbers<[1], [0], [0], [1], [0, 0, 1, 1], [], []>, transpose_lhs_hint = false} : vector<64x128xf32>, vector<128x128xf32>, vector<64x128xf32> -> vector<64x128xf32>
    %slice3A_42 = vector.extract_strided_slice %dot_general3A_41 {offsets = [0, 127], sizes = [64, 1], strides = [1, 1]} : vector<64x128xf32> to vector<64x1xf32>
    %get3A_43 = arith.constant 0 : index
    %get3A_44 = arith.constant 0 : index
    %get3A_45 = vector.load %arg2[%get3A_43, %get3A_44] : memref<64x64xf32, #tpu.memory_space<vmem>>, vector<64x64xf32>
    %dot_general3A_46 = arith.constant dense<0.000000e+00> : vector<64x1xf32>
    %dot_general3A_47 = tpu.matmul %get3A_45, %slice3A_42, %dot_general3A_46 {dimension_numbers = #tpu.dot_dimension_numbers<[1], [0], [0], [1], [0, 0, 1, 1], [], []>, transpose_lhs_hint = false} : vector<64x64xf32>, vector<64x1xf32>, vector<64x1xf32> -> vector<64x1xf32>
    %sub3A_48 = arith.subf %dot_general3A_41, %sub3A_11 : vector<64x128xf32>
    %add3A_49 = vector.broadcast %dot_general3A_47 : vector<64x1xf32> to vector<64x128xf32>
    %add3A_50 = arith.addf %sub3A_48, %add3A_49 : vector<64x128xf32>
    %reduce_sum3A = vector.shape_cast %select_n3A : vector<64x128xf32> to vector<1x64x128xf32>
    %reduce_sum3A_51 = arith.constant dense<0.000000e+00> : vector<1xf32>
    %reduce_sum3A_52 = vector.multi_reduction <add>, %reduce_sum3A, %reduce_sum3A_51 [1, 2] : vector<1x64x128xf32> to vector<1xf32>
    %reduce_sum3A_53 = vector.shape_cast %reduce_sum3A_52 : vector<1xf32> to vector<1x1x1xf32>
    %reduce_sum3A_54 = vector.extract %reduce_sum3A_53[0, 0, 0] : f32 from vector<1x1x1xf32>
    %broadcast_in_dim3A_55 = vector.broadcast %reduce_sum3A_54 : f32 to vector<1x1xf32>
    %reduce_sum3A_56 = vector.shape_cast %sub3A : vector<64x128xf32> to vector<1x64x128xf32>
    %reduce_sum3A_57 = arith.constant dense<0.000000e+00> : vector<1xf32>
    %reduce_sum3A_58 = vector.multi_reduction <add>, %reduce_sum3A_56, %reduce_sum3A_57 [1, 2] : vector<1x64x128xf32> to vector<1xf32>
    %reduce_sum3A_59 = vector.shape_cast %reduce_sum3A_58 : vector<1xf32> to vector<1x1x1xf32>
    %reduce_sum3A_60 = vector.extract %reduce_sum3A_59[0, 0, 0] : f32 from vector<1x1x1xf32>
    %broadcast_in_dim3A_61 = vector.broadcast %reduce_sum3A_60 : f32 to vector<1x1xf32>
    %add3A_62 = arith.addf %broadcast_in_dim3A_55, %broadcast_in_dim3A_61 : vector<1x1xf32>
    %add3A_63 = vector.broadcast %broadcast_in_dim3A_55 : vector<1x1xf32> to vector<64x128xf32>
    %add3A_64 = arith.addf %add3A_36, %add3A_63 : vector<64x128xf32>
    %add3A_65 = vector.broadcast %add3A_62 : vector<1x1xf32> to vector<64x128xf32>
    %add3A_66 = arith.addf %add3A_50, %add3A_65 : vector<64x128xf32>
    %select_n3A_67 = arith.select %lt3A_6, %add3A_64, %add3A_66 : vector<64x128xi1>, vector<64x128xf32>
    %select_n3A_68 = arith.select %lt3A_3, %add3A_22, %select_n3A_67 : vector<64x128xi1>, vector<64x128xf32>
    %convert_element_type3A = arith.fptosi %select_n3A_68 : vector<64x128xf32> to vector<64x128xi32>
    %swap3A = arith.constant 0 : index
    %swap3A_69 = arith.constant 0 : index
    %swap3A_70 = vector.load %arg3[%swap3A, %swap3A_69] : memref<64x128xi32, #tpu.memory_space<vmem>>, vector<64x128xi32>
    tpu.vector_store %arg3[%swap3A, %swap3A_69], %convert_element_type3A {strides = array<i32>} : memref<64x128xi32, #tpu.memory_space<vmem>>, vector<64x128xi32>,
    %iota3A = tpu.iota {dimensions = array<i32: 1>} : vector<1x128xi32>
    %eq3A = arith.constant 0 : i32
    %eq3A_71 = vector.broadcast %eq3A : i32 to vector<1x128xi32>
    %eq3A_72 = arith.cmpi eq, %iota3A, %eq3A_71 : vector<1x128xi32>
    %convert_element_type3A_73 = arith.fptosi %broadcast_in_dim3A_55 : vector<1x1xf32> to vector<1x1xi32>
    %eq3A_74 = arith.constant 1 : i32
    %eq3A_75 = vector.broadcast %eq3A_74 : i32 to vector<1x128xi32>
    %eq3A_76 = arith.cmpi eq, %iota3A, %eq3A_75 : vector<1x128xi32>
    %convert_element_type3A_77 = arith.fptosi %add3A_62 : vector<1x1xf32> to vector<1x1xi32>
    %jit3A = arith.constant 0 : i32
    %broadcast_in_dim3A_78 = vector.shape_cast %convert_element_type3A_77 : vector<1x1xi32> to vector<1x1xi32>
    %broadcast_in_dim3A_79 = vector.broadcast %broadcast_in_dim3A_78 : vector<1x1xi32> to vector<1x128xi32>
    %broadcast_in_dim3A_80 = vector.broadcast %jit3A : i32 to vector<1x128xi32>
    %select_n3A_81 = arith.select %eq3A_76, %broadcast_in_dim3A_79, %broadcast_in_dim3A_80 : vector<1x128xi1>, vector<1x128xi32>
    %broadcast_in_dim3A_82 = vector.shape_cast %convert_element_type3A_73 : vector<1x1xi32> to vector<1x1xi32>
    %broadcast_in_dim3A_83 = vector.broadcast %broadcast_in_dim3A_82 : vector<1x1xi32> to vector<1x128xi32>
    %select_n3A_84 = arith.select %eq3A_72, %broadcast_in_dim3A_83, %select_n3A_81 : vector<1x128xi1>, vector<1x128xi32>
    %swap3A_85 = arith.constant 0 : index
    %swap3A_86 = arith.constant 0 : index
    %swap3A_87 = vector.load %arg4[%swap3A_85, %swap3A_86] : memref<1x128xi32, #tpu.memory_space<vmem>>, vector<1x128xi32>
    tpu.vector_store %arg4[%swap3A_85, %swap3A_86], %select_n3A_84 {strides = array<i32>} : memref<1x128xi32, #tpu.memory_space<vmem>>, vector<1x128xi32>,
    return
  }
}

module attributes {stable_mosaic.version = 14 : i64} {
  func.func @body(%arg0: i32, %arg1: i32, %arg2: memref<128xi32, #tpu.memory_space<smem>>, %arg3: memref<8192x1024xbf16, #tpu.memory_space<vmem>>, %arg4: memref<1x2048xi32, #tpu.memory_space<vmem>>, %arg5: memref<1024x1024xf32, #tpu.memory_space<vmem>>, %arg6: memref<1024x1024xf32, #tpu.memory_space<vmem>>, %arg7: memref<1024x1xf32, #tpu.memory_space<vmem>>, %arg8: memref<256x1024xf32, #tpu.memory_space<vmem>>, %arg9: memref<64x1024xf32, #tpu.memory_space<vmem>>, %arg10: memref<1024x256xf32, #tpu.memory_space<vmem>>, %arg11: memref<1024x256xf32, #tpu.memory_space<vmem>>, %arg12: memref<1024x1xf32, #tpu.memory_space<vmem>>, %arg13: memref<1024x64xf32, #tpu.memory_space<vmem>>, %arg14: memref<1024x64xf32, #tpu.memory_space<vmem>>, %arg15: memref<1024x1xf32, #tpu.memory_space<vmem>>, %arg16: memref<1x2048xf32, #tpu.memory_space<vmem>>, %arg17: memref<1x8192xf32, #tpu.memory_space<vmem>>, %arg18: memref<1x8192xf32, #tpu.memory_space<vmem>>, %arg19: memref<1x8192xf32, #tpu.memory_space<vmem>>, %arg20: memref<1x8192xf32, #tpu.memory_space<vmem>>, %arg21: memref<1x8192xf32, #tpu.memory_space<vmem>>, %arg22: memref<1x8192xf32, #tpu.memory_space<vmem>>, %arg23: memref<1x8192xf32, #tpu.memory_space<vmem>>, %arg24: memref<1x8192xf32, #tpu.memory_space<vmem>>, %arg25: memref<1x8192xf32, #tpu.memory_space<vmem>>, %arg26: memref<256x8192xbf16, #tpu.memory_space<vmem>>, %arg27: memref<64x8192xbf16, #tpu.memory_space<vmem>>) attributes {dimension_semantics = [#tpu.dimension_semantics<arbitrary>, #tpu.dimension_semantics<arbitrary>], iteration_bounds = array<i64: 100, 4>, scalar_prefetch = 1 : i64, scratch_operands = 11 : i64, tpu.core_type = #tpu.core_type<tc>, window_params = [{pipeline_mode = #tpu.pipeline_mode<synchronous>, transform_indices = @transform_0, window_bounds = array<i64: 8192, 1024>}, {transform_indices = @transform_1, window_bounds = array<i64: 1, 2048>}, {transform_indices = @transform_2, window_bounds = array<i64: 1024, 1024>}, {pipeline_mode = #tpu.pipeline_mode<synchronous>, transform_indices = @transform_3, window_bounds = array<i64: 1024, 1024>}, {pipeline_mode = #tpu.pipeline_mode<synchronous>, transform_indices = @transform_4, window_bounds = array<i64: 1024, 1>}, {pipeline_mode = #tpu.pipeline_mode<synchronous>, transform_indices = @transform_5, window_bounds = array<i64: 256, 1024>}, {pipeline_mode = #tpu.pipeline_mode<synchronous>, transform_indices = @transform_6, window_bounds = array<i64: 64, 1024>}, {transform_indices = @transform_7, window_bounds = array<i64: 1024, 256>}, {pipeline_mode = #tpu.pipeline_mode<synchronous>, transform_indices = @transform_8, window_bounds = array<i64: 1024, 256>}, {pipeline_mode = #tpu.pipeline_mode<synchronous>, transform_indices = @transform_9, window_bounds = array<i64: 1024, 1>}, {transform_indices = @transform_10, window_bounds = array<i64: 1024, 64>}, {pipeline_mode = #tpu.pipeline_mode<synchronous>, transform_indices = @transform_11, window_bounds = array<i64: 1024, 64>}, {pipeline_mode = #tpu.pipeline_mode<synchronous>, transform_indices = @transform_12, window_bounds = array<i64: 1024, 1>}, {transform_indices = @transform_13, window_bounds = array<i64: 1, 2048>}]} {
    %mul3A = arith.constant 2048 : i32
    %mul3A_0 = arith.muli %arg1, %mul3A : i32
    %get3A = arith.constant 0 : index
    %get3A_1 = arith.constant 0 : index
    %get3A_2 = vector.load %arg4[%get3A, %get3A_1] : memref<1x2048xi32, #tpu.memory_space<vmem>>, vector<1x2048xi32>
    %get3A_3 = arith.constant 0 : index
    %get3A_4 = memref.load %arg2[%get3A_3] : memref<128xi32, #tpu.memory_space<smem>>
    %get3A_5 = arith.constant 1 : index
    %get3A_6 = memref.load %arg2[%get3A_5] : memref<128xi32, #tpu.memory_space<smem>>
    %mul3A_7 = arith.constant 2048 : i32
    %mul3A_8 = arith.muli %arg1, %mul3A_7 : i32
    %add3A = arith.constant 0 : i32
    %add3A_9 = arith.addi %mul3A_8, %add3A : i32
    %mul3A_10 = arith.constant 2048 : i32
    %mul3A_11 = arith.muli %arg1, %mul3A_10 : i32
    %add3A_12 = arith.constant 1024 : i32
    %add3A_13 = arith.addi %mul3A_11, %add3A_12 : i32
    %lt3A = arith.constant 20 : i32
    %lt3A_14 = arith.cmpi slt, %arg0, %lt3A : i32
    %convert_element_type3A = arith.extui %lt3A_14 : i1 to i32
    %cond3A = arith.constant 0 : i32
    %cond3A_15 = arith.cmpi ne, %convert_element_type3A, %cond3A : i32
    scf.if %cond3A_15 {
      %get3A_27 = arith.index_cast %mul3A_0 : i32 to index
      %get3A_28 = arith.constant 0 : index
      %get3A_29 = vector.load %arg3[%get3A_27, %get3A_28] : memref<8192x1024xbf16, #tpu.memory_space<vmem>>, vector<2048x1024xbf16>
      %eq3A = arith.constant 0 : i32
      %eq3A_30 = arith.cmpi eq, %arg0, %eq3A : i32
      %convert_element_type3A_31 = arith.extui %eq3A_30 : i1 to i32
      %cond3A_32 = arith.constant 0 : i32
      %cond3A_33 = arith.cmpi ne, %convert_element_type3A_31, %cond3A_32 : i32
      scf.if %cond3A_33 {
        %broadcast_in_dim3A = arith.constant -1.000000e+30 : f32
        %broadcast_in_dim3A_44 = vector.broadcast %broadcast_in_dim3A : f32 to vector<1x2048xf32>
        %swap3A = arith.constant 0 : index
        %swap3A_45 = arith.index_cast %mul3A_0 : i32 to index
        %swap3A_46 = vector.load %arg17[%swap3A, %swap3A_45] : memref<1x8192xf32, #tpu.memory_space<vmem>>, vector<1x2048xf32>
        tpu.vector_store %arg17[%swap3A, %swap3A_45], %broadcast_in_dim3A_44 {strides = array<i32>} : memref<1x8192xf32, #tpu.memory_space<vmem>>, vector<1x2048xf32>,
        %broadcast_in_dim3A_47 = arith.constant 0.000000e+00 : f32
        %broadcast_in_dim3A_48 = vector.broadcast %broadcast_in_dim3A_47 : f32 to vector<1x2048xf32>
        %swap3A_49 = arith.constant 0 : index
        %swap3A_50 = arith.index_cast %mul3A_0 : i32 to index
        %swap3A_51 = vector.load %arg18[%swap3A_49, %swap3A_50] : memref<1x8192xf32, #tpu.memory_space<vmem>>, vector<1x2048xf32>
        tpu.vector_store %arg18[%swap3A_49, %swap3A_50], %broadcast_in_dim3A_48 {strides = array<i32>} : memref<1x8192xf32, #tpu.memory_space<vmem>>, vector<1x2048xf32>,
        %broadcast_in_dim3A_52 = arith.constant -1.000000e+30 : f32
        %broadcast_in_dim3A_53 = vector.broadcast %broadcast_in_dim3A_52 : f32 to vector<1x2048xf32>
        %swap3A_54 = arith.constant 0 : index
        %swap3A_55 = arith.index_cast %mul3A_0 : i32 to index
        %swap3A_56 = vector.load %arg19[%swap3A_54, %swap3A_55] : memref<1x8192xf32, #tpu.memory_space<vmem>>, vector<1x2048xf32>
        tpu.vector_store %arg19[%swap3A_54, %swap3A_55], %broadcast_in_dim3A_53 {strides = array<i32>} : memref<1x8192xf32, #tpu.memory_space<vmem>>, vector<1x2048xf32>,
        %get3A_57 = arith.constant 0 : index
        %get3A_58 = arith.constant 0 : index
        %get3A_59 = vector.load %arg8[%get3A_57, %get3A_58] : memref<256x1024xf32, #tpu.memory_space<vmem>>, vector<256x1024xf32>
        %convert_element_type3A_60 = arith.truncf %get3A_59 : vector<256x1024xf32> to vector<256x1024xbf16>
        %dot_general3A = arith.constant dense<0.000000e+00> : vector<256x2048xf32>
        %dot_general3A_61 = tpu.matmul %convert_element_type3A_60, %get3A_29, %dot_general3A {dimension_numbers = #tpu.dot_dimension_numbers<[1], [1], [0], [0], [0, 0, 1, 0], [], []>, transpose_lhs_hint = false} : vector<256x1024xbf16>, vector<2048x1024xbf16>, vector<256x2048xf32> -> vector<256x2048xf32>
        %convert_element_type3A_62 = arith.truncf %dot_general3A_61 : vector<256x2048xf32> to vector<256x2048xbf16>
        %swap3A_63 = arith.constant 0 : index
        %swap3A_64 = arith.index_cast %mul3A_0 : i32 to index
        %swap3A_65 = vector.load %arg26[%swap3A_63, %swap3A_64] : memref<256x8192xbf16, #tpu.memory_space<vmem>>, vector<256x2048xbf16>
        tpu.vector_store %arg26[%swap3A_63, %swap3A_64], %convert_element_type3A_62 {strides = array<i32>} : memref<256x8192xbf16, #tpu.memory_space<vmem>>, vector<256x2048xbf16>,
        %get3A_66 = arith.constant 0 : index
        %get3A_67 = arith.constant 0 : index
        %get3A_68 = vector.load %arg9[%get3A_66, %get3A_67] : memref<64x1024xf32, #tpu.memory_space<vmem>>, vector<64x1024xf32>
        %convert_element_type3A_69 = arith.truncf %get3A_68 : vector<64x1024xf32> to vector<64x1024xbf16>
        %dot_general3A_70 = arith.constant dense<0.000000e+00> : vector<64x2048xf32>
        %dot_general3A_71 = tpu.matmul %convert_element_type3A_69, %get3A_29, %dot_general3A_70 {dimension_numbers = #tpu.dot_dimension_numbers<[1], [1], [0], [0], [0, 0, 1, 0], [], []>, transpose_lhs_hint = false} : vector<64x1024xbf16>, vector<2048x1024xbf16>, vector<64x2048xf32> -> vector<64x2048xf32>
        %convert_element_type3A_72 = arith.truncf %dot_general3A_71 : vector<64x2048xf32> to vector<64x2048xbf16>
        %swap3A_73 = arith.constant 0 : index
        %swap3A_74 = arith.index_cast %mul3A_0 : i32 to index
        %swap3A_75 = vector.load %arg27[%swap3A_73, %swap3A_74] : memref<64x8192xbf16, #tpu.memory_space<vmem>>, vector<64x2048xbf16>
        tpu.vector_store %arg27[%swap3A_73, %swap3A_74], %convert_element_type3A_72 {strides = array<i32>} : memref<64x8192xbf16, #tpu.memory_space<vmem>>, vector<64x2048xbf16>,
      } else {
      }
      %lt3A_34 = arith.constant 19 : i32
      %lt3A_35 = arith.cmpi slt, %arg0, %lt3A_34 : i32
      %convert_element_type3A_36 = arith.extui %lt3A_35 : i1 to i32
      %cond3A_37 = arith.constant 0 : i32
      %cond3A_38 = arith.cmpi ne, %convert_element_type3A_36, %cond3A_37 : i32
      scf.if %cond3A_38 {
        %get3A_44 = arith.constant 0 : index
        %get3A_45 = arith.constant 0 : index
        %get3A_46 = vector.load %arg5[%get3A_44, %get3A_45] : memref<1024x1024xf32, #tpu.memory_space<vmem>>, vector<1024x1024xf32>
        %convert_element_type3A_47 = arith.truncf %get3A_46 : vector<1024x1024xf32> to vector<1024x1024xbf16>
        %slice3A = vector.extract_strided_slice %get3A_29 {offsets = [0, 0], sizes = [1024, 1024], strides = [1, 1]} : vector<2048x1024xbf16> to vector<1024x1024xbf16>
        %dot_general3A = arith.constant dense<0.000000e+00> : vector<1024x1024xf32>
        %dot_general3A_48 = tpu.matmul %convert_element_type3A_47, %slice3A, %dot_general3A {dimension_numbers = #tpu.dot_dimension_numbers<[1], [1], [0], [0], [0, 0, 1, 0], [], []>, transpose_lhs_hint = false} : vector<1024x1024xbf16>, vector<1024x1024xbf16>, vector<1024x1024xf32> -> vector<1024x1024xf32>
        %mul3A_49 = arith.constant 1024 : i32
        %mul3A_50 = arith.muli %arg0, %mul3A_49 : i32
        %slice3A_51 = vector.extract_strided_slice %get3A_2 {offsets = [0, 0], sizes = [1, 1024], strides = [1, 1]} : vector<1x2048xi32> to vector<1x1024xi32>
        %get3A_52 = arith.constant 0 : index
        %get3A_53 = arith.index_cast %add3A_9 : i32 to index
        %get3A_54 = vector.load %arg17[%get3A_52, %get3A_53] : memref<1x8192xf32, #tpu.memory_space<vmem>>, vector<1x1024xf32>
        %get3A_55 = arith.constant 0 : index
        %get3A_56 = arith.index_cast %add3A_9 : i32 to index
        %get3A_57 = vector.load %arg18[%get3A_55, %get3A_56] : memref<1x8192xf32, #tpu.memory_space<vmem>>, vector<1x1024xf32>
        %reduce_max3A = arith.constant dense<0xFF800000> : vector<1024xf32>
        %reduce_max3A_58 = vector.multi_reduction <maximumf>, %dot_general3A_48, %reduce_max3A [0] : vector<1024x1024xf32> to vector<1024xf32>
        %broadcast_in_dim3A = vector.shape_cast %reduce_max3A_58 : vector<1024xf32> to vector<1x1024xf32>
        %max3A = arith.maximumf %get3A_54, %broadcast_in_dim3A : vector<1x1024xf32>
        %sub3A = vector.broadcast %max3A : vector<1x1024xf32> to vector<1024x1024xf32>
        %sub3A_59 = arith.subf %dot_general3A_48, %sub3A : vector<1024x1024xf32>
        %exp23A = math.exp2 %sub3A_59 : vector<1024x1024xf32>
        %sub3A_60 = arith.subf %get3A_54, %max3A : vector<1x1024xf32>
        %exp23A_61 = math.exp2 %sub3A_60 : vector<1x1024xf32>
        %mul3A_62 = arith.mulf %get3A_57, %exp23A_61 : vector<1x1024xf32>
        %reduce_sum3A = arith.constant dense<0.000000e+00> : vector<1024xf32>
        %reduce_sum3A_63 = vector.multi_reduction <add>, %exp23A, %reduce_sum3A [0] : vector<1024x1024xf32> to vector<1024xf32>
        %broadcast_in_dim3A_64 = vector.shape_cast %reduce_sum3A_63 : vector<1024xf32> to vector<1x1024xf32>
        %add3A_65 = arith.addf %mul3A_62, %broadcast_in_dim3A_64 : vector<1x1024xf32>
        %swap3A = arith.constant 0 : index
        %swap3A_66 = arith.index_cast %add3A_9 : i32 to index
        %swap3A_67 = vector.load %arg17[%swap3A, %swap3A_66] : memref<1x8192xf32, #tpu.memory_space<vmem>>, vector<1x1024xf32>
        tpu.vector_store %arg17[%swap3A, %swap3A_66], %max3A {strides = array<i32>} : memref<1x8192xf32, #tpu.memory_space<vmem>>, vector<1x1024xf32>,
        %swap3A_68 = arith.constant 0 : index
        %swap3A_69 = arith.index_cast %add3A_9 : i32 to index
        %swap3A_70 = vector.load %arg18[%swap3A_68, %swap3A_69] : memref<1x8192xf32, #tpu.memory_space<vmem>>, vector<1x1024xf32>
        tpu.vector_store %arg18[%swap3A_68, %swap3A_69], %add3A_65 {strides = array<i32>} : memref<1x8192xf32, #tpu.memory_space<vmem>>, vector<1x1024xf32>,
        %iota3A = tpu.iota {dimensions = array<i32: 0>} : vector<1024x1xi32>
        %add3A_71 = vector.broadcast %mul3A_50 : i32 to vector<1024x1xi32>
        %add3A_72 = arith.addi %add3A_71, %iota3A : vector<1024x1xi32>
        %eq3A_73 = vector.broadcast %slice3A_51 : vector<1x1024xi32> to vector<1024x1024xi32>
        %eq3A_74 = vector.broadcast %add3A_72 : vector<1024x1xi32> to vector<1024x1024xi32>
        %eq3A_75 = arith.cmpi eq, %eq3A_73, %eq3A_74 : vector<1024x1024xi32>
        %jit3A = arith.constant -1.000000e+30 : f32
        %broadcast_in_dim3A_76 = vector.broadcast %jit3A : f32 to vector<1024x1024xf32>
        %select_n3A = arith.select %eq3A_75, %dot_general3A_48, %broadcast_in_dim3A_76 : vector<1024x1024xi1>, vector<1024x1024xf32>
        %reduce_max3A_77 = arith.constant dense<0xFF800000> : vector<1024xf32>
        %reduce_max3A_78 = vector.multi_reduction <maximumf>, %select_n3A, %reduce_max3A_77 [0] : vector<1024x1024xf32> to vector<1024xf32>
        %broadcast_in_dim3A_79 = vector.shape_cast %reduce_max3A_78 : vector<1024xf32> to vector<1x1024xf32>
        %get3A_80 = arith.constant 0 : index
        %get3A_81 = arith.index_cast %add3A_9 : i32 to index
        %get3A_82 = vector.load %arg19[%get3A_80, %get3A_81] : memref<1x8192xf32, #tpu.memory_space<vmem>>, vector<1x1024xf32>
        %max3A_83 = arith.maximumf %get3A_82, %broadcast_in_dim3A_79 : vector<1x1024xf32>
        %swap3A_84 = arith.constant 0 : index
        %swap3A_85 = arith.index_cast %add3A_9 : i32 to index
        %swap3A_86 = vector.load %arg19[%swap3A_84, %swap3A_85] : memref<1x8192xf32, #tpu.memory_space<vmem>>, vector<1x1024xf32>
        tpu.vector_store %arg19[%swap3A_84, %swap3A_85], %max3A_83 {strides = array<i32>} : memref<1x8192xf32, #tpu.memory_space<vmem>>, vector<1x1024xf32>,
        %slice3A_87 = vector.extract_strided_slice %get3A_29 {offsets = [1024, 0], sizes = [1024, 1024], strides = [1, 1]} : vector<2048x1024xbf16> to vector<1024x1024xbf16>
        %dot_general3A_88 = arith.constant dense<0.000000e+00> : vector<1024x1024xf32>
        %dot_general3A_89 = tpu.matmul %convert_element_type3A_47, %slice3A_87, %dot_general3A_88 {dimension_numbers = #tpu.dot_dimension_numbers<[1], [1], [0], [0], [0, 0, 1, 0], [], []>, transpose_lhs_hint = false} : vector<1024x1024xbf16>, vector<1024x1024xbf16>, vector<1024x1024xf32> -> vector<1024x1024xf32>
        %mul3A_90 = arith.constant 1024 : i32
        %mul3A_91 = arith.muli %arg0, %mul3A_90 : i32
        %slice3A_92 = vector.extract_strided_slice %get3A_2 {offsets = [0, 1024], sizes = [1, 1024], strides = [1, 1]} : vector<1x2048xi32> to vector<1x1024xi32>
        %get3A_93 = arith.constant 0 : index
        %get3A_94 = arith.index_cast %add3A_13 : i32 to index
        %get3A_95 = vector.load %arg17[%get3A_93, %get3A_94] : memref<1x8192xf32, #tpu.memory_space<vmem>>, vector<1x1024xf32>
        %get3A_96 = arith.constant 0 : index
        %get3A_97 = arith.index_cast %add3A_13 : i32 to index
        %get3A_98 = vector.load %arg18[%get3A_96, %get3A_97] : memref<1x8192xf32, #tpu.memory_space<vmem>>, vector<1x1024xf32>
        %reduce_max3A_99 = arith.constant dense<0xFF800000> : vector<1024xf32>
        %reduce_max3A_100 = vector.multi_reduction <maximumf>, %dot_general3A_89, %reduce_max3A_99 [0] : vector<1024x1024xf32> to vector<1024xf32>
        %broadcast_in_dim3A_101 = vector.shape_cast %reduce_max3A_100 : vector<1024xf32> to vector<1x1024xf32>
        %max3A_102 = arith.maximumf %get3A_95, %broadcast_in_dim3A_101 : vector<1x1024xf32>
        %sub3A_103 = vector.broadcast %max3A_102 : vector<1x1024xf32> to vector<1024x1024xf32>
        %sub3A_104 = arith.subf %dot_general3A_89, %sub3A_103 : vector<1024x1024xf32>
        %exp23A_105 = math.exp2 %sub3A_104 : vector<1024x1024xf32>
        %sub3A_106 = arith.subf %get3A_95, %max3A_102 : vector<1x1024xf32>
        %exp23A_107 = math.exp2 %sub3A_106 : vector<1x1024xf32>
        %mul3A_108 = arith.mulf %get3A_98, %exp23A_107 : vector<1x1024xf32>
        %reduce_sum3A_109 = arith.constant dense<0.000000e+00> : vector<1024xf32>
        %reduce_sum3A_110 = vector.multi_reduction <add>, %exp23A_105, %reduce_sum3A_109 [0] : vector<1024x1024xf32> to vector<1024xf32>
        %broadcast_in_dim3A_111 = vector.shape_cast %reduce_sum3A_110 : vector<1024xf32> to vector<1x1024xf32>
        %add3A_112 = arith.addf %mul3A_108, %broadcast_in_dim3A_111 : vector<1x1024xf32>
        %swap3A_113 = arith.constant 0 : index
        %swap3A_114 = arith.index_cast %add3A_13 : i32 to index
        %swap3A_115 = vector.load %arg17[%swap3A_113, %swap3A_114] : memref<1x8192xf32, #tpu.memory_space<vmem>>, vector<1x1024xf32>
        tpu.vector_store %arg17[%swap3A_113, %swap3A_114], %max3A_102 {strides = array<i32>} : memref<1x8192xf32, #tpu.memory_space<vmem>>, vector<1x1024xf32>,
        %swap3A_116 = arith.constant 0 : index
        %swap3A_117 = arith.index_cast %add3A_13 : i32 to index
        %swap3A_118 = vector.load %arg18[%swap3A_116, %swap3A_117] : memref<1x8192xf32, #tpu.memory_space<vmem>>, vector<1x1024xf32>
        tpu.vector_store %arg18[%swap3A_116, %swap3A_117], %add3A_112 {strides = array<i32>} : memref<1x8192xf32, #tpu.memory_space<vmem>>, vector<1x1024xf32>,
        %iota3A_119 = tpu.iota {dimensions = array<i32: 0>} : vector<1024x1xi32>
        %add3A_120 = vector.broadcast %mul3A_91 : i32 to vector<1024x1xi32>
        %add3A_121 = arith.addi %add3A_120, %iota3A_119 : vector<1024x1xi32>
        %eq3A_122 = vector.broadcast %slice3A_92 : vector<1x1024xi32> to vector<1024x1024xi32>
        %eq3A_123 = vector.broadcast %add3A_121 : vector<1024x1xi32> to vector<1024x1024xi32>
        %eq3A_124 = arith.cmpi eq, %eq3A_122, %eq3A_123 : vector<1024x1024xi32>
        %jit3A_125 = arith.constant -1.000000e+30 : f32
        %broadcast_in_dim3A_126 = vector.broadcast %jit3A_125 : f32 to vector<1024x1024xf32>
        %select_n3A_127 = arith.select %eq3A_124, %dot_general3A_89, %broadcast_in_dim3A_126 : vector<1024x1024xi1>, vector<1024x1024xf32>
        %reduce_max3A_128 = arith.constant dense<0xFF800000> : vector<1024xf32>
        %reduce_max3A_129 = vector.multi_reduction <maximumf>, %select_n3A_127, %reduce_max3A_128 [0] : vector<1024x1024xf32> to vector<1024xf32>
        %broadcast_in_dim3A_130 = vector.shape_cast %reduce_max3A_129 : vector<1024xf32> to vector<1x1024xf32>
        %get3A_131 = arith.constant 0 : index
        %get3A_132 = arith.index_cast %add3A_13 : i32 to index
        %get3A_133 = vector.load %arg19[%get3A_131, %get3A_132] : memref<1x8192xf32, #tpu.memory_space<vmem>>, vector<1x1024xf32>
        %max3A_134 = arith.maximumf %get3A_133, %broadcast_in_dim3A_130 : vector<1x1024xf32>
        %swap3A_135 = arith.constant 0 : index
        %swap3A_136 = arith.index_cast %add3A_13 : i32 to index
        %swap3A_137 = vector.load %arg19[%swap3A_135, %swap3A_136] : memref<1x8192xf32, #tpu.memory_space<vmem>>, vector<1x1024xf32>
        tpu.vector_store %arg19[%swap3A_135, %swap3A_136], %max3A_134 {strides = array<i32>} : memref<1x8192xf32, #tpu.memory_space<vmem>>, vector<1x1024xf32>,
      } else {
      }
      %eq3A_39 = arith.constant 19 : i32
      %eq3A_40 = arith.cmpi eq, %arg0, %eq3A_39 : i32
      %convert_element_type3A_41 = arith.extui %eq3A_40 : i1 to i32
      %cond3A_42 = arith.constant 0 : i32
      %cond3A_43 = arith.cmpi ne, %convert_element_type3A_41, %cond3A_42 : i32
      scf.if %cond3A_43 {
        %get3A_44 = arith.constant 0 : index
        %get3A_45 = arith.constant 0 : index
        %get3A_46 = vector.load %arg6[%get3A_44, %get3A_45] : memref<1024x1024xf32, #tpu.memory_space<vmem>>, vector<1024x1024xf32>
        %convert_element_type3A_47 = arith.truncf %get3A_46 : vector<1024x1024xf32> to vector<1024x1024xbf16>
        %slice3A = vector.extract_strided_slice %get3A_29 {offsets = [0, 0], sizes = [1024, 1024], strides = [1, 1]} : vector<2048x1024xbf16> to vector<1024x1024xbf16>
        %dot_general3A = arith.constant dense<0.000000e+00> : vector<1024x1024xf32>
        %dot_general3A_48 = tpu.matmul %convert_element_type3A_47, %slice3A, %dot_general3A {dimension_numbers = #tpu.dot_dimension_numbers<[1], [1], [0], [0], [0, 0, 1, 0], [], []>, transpose_lhs_hint = false} : vector<1024x1024xbf16>, vector<1024x1024xbf16>, vector<1024x1024xf32> -> vector<1024x1024xf32>
        %get3A_49 = arith.constant 0 : index
        %get3A_50 = arith.constant 0 : index
        %get3A_51 = vector.load %arg7[%get3A_49, %get3A_50] : memref<1024x1xf32, #tpu.memory_space<vmem>>, vector<1024x1xf32>
        %add3A_52 = vector.broadcast %get3A_51 : vector<1024x1xf32> to vector<1024x1024xf32>
        %add3A_53 = arith.addf %dot_general3A_48, %add3A_52 : vector<1024x1024xf32>
        %slice3A_54 = vector.extract_strided_slice %get3A_2 {offsets = [0, 0], sizes = [1, 1024], strides = [1, 1]} : vector<1x2048xi32> to vector<1x1024xi32>
        %get3A_55 = arith.constant 0 : index
        %get3A_56 = arith.index_cast %add3A_9 : i32 to index
        %get3A_57 = vector.load %arg17[%get3A_55, %get3A_56] : memref<1x8192xf32, #tpu.memory_space<vmem>>, vector<1x1024xf32>
        %get3A_58 = arith.constant 0 : index
        %get3A_59 = arith.index_cast %add3A_9 : i32 to index
        %get3A_60 = vector.load %arg18[%get3A_58, %get3A_59] : memref<1x8192xf32, #tpu.memory_space<vmem>>, vector<1x1024xf32>
        %reduce_max3A = arith.constant dense<0xFF800000> : vector<1024xf32>
        %reduce_max3A_61 = vector.multi_reduction <maximumf>, %add3A_53, %reduce_max3A [0] : vector<1024x1024xf32> to vector<1024xf32>
        %broadcast_in_dim3A = vector.shape_cast %reduce_max3A_61 : vector<1024xf32> to vector<1x1024xf32>
        %max3A = arith.maximumf %get3A_57, %broadcast_in_dim3A : vector<1x1024xf32>
        %sub3A = vector.broadcast %max3A : vector<1x1024xf32> to vector<1024x1024xf32>
        %sub3A_62 = arith.subf %add3A_53, %sub3A : vector<1024x1024xf32>
        %exp23A = math.exp2 %sub3A_62 : vector<1024x1024xf32>
        %sub3A_63 = arith.subf %get3A_57, %max3A : vector<1x1024xf32>
        %exp23A_64 = math.exp2 %sub3A_63 : vector<1x1024xf32>
        %mul3A_65 = arith.mulf %get3A_60, %exp23A_64 : vector<1x1024xf32>
        %reduce_sum3A = arith.constant dense<0.000000e+00> : vector<1024xf32>
        %reduce_sum3A_66 = vector.multi_reduction <add>, %exp23A, %reduce_sum3A [0] : vector<1024x1024xf32> to vector<1024xf32>
        %broadcast_in_dim3A_67 = vector.shape_cast %reduce_sum3A_66 : vector<1024xf32> to vector<1x1024xf32>
        %add3A_68 = arith.addf %mul3A_65, %broadcast_in_dim3A_67 : vector<1x1024xf32>
        %swap3A = arith.constant 0 : index
        %swap3A_69 = arith.index_cast %add3A_9 : i32 to index
        %swap3A_70 = vector.load %arg17[%swap3A, %swap3A_69] : memref<1x8192xf32, #tpu.memory_space<vmem>>, vector<1x1024xf32>
        tpu.vector_store %arg17[%swap3A, %swap3A_69], %max3A {strides = array<i32>} : memref<1x8192xf32, #tpu.memory_space<vmem>>, vector<1x1024xf32>,
        %swap3A_71 = arith.constant 0 : index
        %swap3A_72 = arith.index_cast %add3A_9 : i32 to index
        %swap3A_73 = vector.load %arg18[%swap3A_71, %swap3A_72] : memref<1x8192xf32, #tpu.memory_space<vmem>>, vector<1x1024xf32>
        tpu.vector_store %arg18[%swap3A_71, %swap3A_72], %add3A_68 {strides = array<i32>} : memref<1x8192xf32, #tpu.memory_space<vmem>>, vector<1x1024xf32>,
        %iota3A = tpu.iota {dimensions = array<i32: 0>} : vector<1024x1xi32>
        %add3A_74 = arith.constant 19456 : i32
        %add3A_75 = vector.broadcast %add3A_74 : i32 to vector<1024x1xi32>
        %add3A_76 = arith.addi %add3A_75, %iota3A : vector<1024x1xi32>
        %eq3A_77 = vector.broadcast %slice3A_54 : vector<1x1024xi32> to vector<1024x1024xi32>
        %eq3A_78 = vector.broadcast %add3A_76 : vector<1024x1xi32> to vector<1024x1024xi32>
        %eq3A_79 = arith.cmpi eq, %eq3A_77, %eq3A_78 : vector<1024x1024xi32>
        %jit3A = arith.constant -1.000000e+30 : f32
        %broadcast_in_dim3A_80 = vector.broadcast %jit3A : f32 to vector<1024x1024xf32>
        %select_n3A = arith.select %eq3A_79, %add3A_53, %broadcast_in_dim3A_80 : vector<1024x1024xi1>, vector<1024x1024xf32>
        %reduce_max3A_81 = arith.constant dense<0xFF800000> : vector<1024xf32>
        %reduce_max3A_82 = vector.multi_reduction <maximumf>, %select_n3A, %reduce_max3A_81 [0] : vector<1024x1024xf32> to vector<1024xf32>
        %broadcast_in_dim3A_83 = vector.shape_cast %reduce_max3A_82 : vector<1024xf32> to vector<1x1024xf32>
        %get3A_84 = arith.constant 0 : index
        %get3A_85 = arith.index_cast %add3A_9 : i32 to index
        %get3A_86 = vector.load %arg19[%get3A_84, %get3A_85] : memref<1x8192xf32, #tpu.memory_space<vmem>>, vector<1x1024xf32>
        %max3A_87 = arith.maximumf %get3A_86, %broadcast_in_dim3A_83 : vector<1x1024xf32>
        %swap3A_88 = arith.constant 0 : index
        %swap3A_89 = arith.index_cast %add3A_9 : i32 to index
        %swap3A_90 = vector.load %arg19[%swap3A_88, %swap3A_89] : memref<1x8192xf32, #tpu.memory_space<vmem>>, vector<1x1024xf32>
        tpu.vector_store %arg19[%swap3A_88, %swap3A_89], %max3A_87 {strides = array<i32>} : memref<1x8192xf32, #tpu.memory_space<vmem>>, vector<1x1024xf32>,
        %slice3A_91 = vector.extract_strided_slice %add3A_53 {offsets = [544, 0], sizes = [1, 1024], strides = [1, 1]} : vector<1024x1024xf32> to vector<1x1024xf32>
        %squeeze3A = vector.shape_cast %slice3A_91 : vector<1x1024xf32> to vector<1024xf32>
        %broadcast_in_dim3A_92 = vector.shape_cast %squeeze3A : vector<1024xf32> to vector<1x1024xf32>
        %swap3A_93 = arith.constant 0 : index
        %swap3A_94 = arith.index_cast %add3A_9 : i32 to index
        %swap3A_95 = vector.load %arg23[%swap3A_93, %swap3A_94] : memref<1x8192xf32, #tpu.memory_space<vmem>>, vector<1x1024xf32>
        tpu.vector_store %arg23[%swap3A_93, %swap3A_94], %broadcast_in_dim3A_92 {strides = array<i32>} : memref<1x8192xf32, #tpu.memory_space<vmem>>, vector<1x1024xf32>,
        %slice3A_96 = vector.extract_strided_slice %add3A_53 {offsets = [545, 0], sizes = [1, 1024], strides = [1, 1]} : vector<1024x1024xf32> to vector<1x1024xf32>
        %squeeze3A_97 = vector.shape_cast %slice3A_96 : vector<1x1024xf32> to vector<1024xf32>
        %broadcast_in_dim3A_98 = vector.shape_cast %squeeze3A_97 : vector<1024xf32> to vector<1x1024xf32>
        %swap3A_99 = arith.constant 0 : index
        %swap3A_100 = arith.index_cast %add3A_9 : i32 to index
        %swap3A_101 = vector.load %arg22[%swap3A_99, %swap3A_100] : memref<1x8192xf32, #tpu.memory_space<vmem>>, vector<1x1024xf32>
        tpu.vector_store %arg22[%swap3A_99, %swap3A_100], %broadcast_in_dim3A_98 {strides = array<i32>} : memref<1x8192xf32, #tpu.memory_space<vmem>>, vector<1x1024xf32>,
        %slice3A_102 = vector.extract_strided_slice %get3A_29 {offsets = [1024, 0], sizes = [1024, 1024], strides = [1, 1]} : vector<2048x1024xbf16> to vector<1024x1024xbf16>
        %dot_general3A_103 = arith.constant dense<0.000000e+00> : vector<1024x1024xf32>
        %dot_general3A_104 = tpu.matmul %convert_element_type3A_47, %slice3A_102, %dot_general3A_103 {dimension_numbers = #tpu.dot_dimension_numbers<[1], [1], [0], [0], [0, 0, 1, 0], [], []>, transpose_lhs_hint = false} : vector<1024x1024xbf16>, vector<1024x1024xbf16>, vector<1024x1024xf32> -> vector<1024x1024xf32>
        %get3A_105 = arith.constant 0 : index
        %get3A_106 = arith.constant 0 : index
        %get3A_107 = vector.load %arg7[%get3A_105, %get3A_106] : memref<1024x1xf32, #tpu.memory_space<vmem>>, vector<1024x1xf32>
        %add3A_108 = vector.broadcast %get3A_107 : vector<1024x1xf32> to vector<1024x1024xf32>
        %add3A_109 = arith.addf %dot_general3A_104, %add3A_108 : vector<1024x1024xf32>
        %slice3A_110 = vector.extract_strided_slice %get3A_2 {offsets = [0, 1024], sizes = [1, 1024], strides = [1, 1]} : vector<1x2048xi32> to vector<1x1024xi32>
        %get3A_111 = arith.constant 0 : index
        %get3A_112 = arith.index_cast %add3A_13 : i32 to index
        %get3A_113 = vector.load %arg17[%get3A_111, %get3A_112] : memref<1x8192xf32, #tpu.memory_space<vmem>>, vector<1x1024xf32>
        %get3A_114 = arith.constant 0 : index
        %get3A_115 = arith.index_cast %add3A_13 : i32 to index
        %get3A_116 = vector.load %arg18[%get3A_114, %get3A_115] : memref<1x8192xf32, #tpu.memory_space<vmem>>, vector<1x1024xf32>
        %reduce_max3A_117 = arith.constant dense<0xFF800000> : vector<1024xf32>
        %reduce_max3A_118 = vector.multi_reduction <maximumf>, %add3A_109, %reduce_max3A_117 [0] : vector<1024x1024xf32> to vector<1024xf32>
        %broadcast_in_dim3A_119 = vector.shape_cast %reduce_max3A_118 : vector<1024xf32> to vector<1x1024xf32>
        %max3A_120 = arith.maximumf %get3A_113, %broadcast_in_dim3A_119 : vector<1x1024xf32>
        %sub3A_121 = vector.broadcast %max3A_120 : vector<1x1024xf32> to vector<1024x1024xf32>
        %sub3A_122 = arith.subf %add3A_109, %sub3A_121 : vector<1024x1024xf32>
        %exp23A_123 = math.exp2 %sub3A_122 : vector<1024x1024xf32>
        %sub3A_124 = arith.subf %get3A_113, %max3A_120 : vector<1x1024xf32>
        %exp23A_125 = math.exp2 %sub3A_124 : vector<1x1024xf32>
        %mul3A_126 = arith.mulf %get3A_116, %exp23A_125 : vector<1x1024xf32>
        %reduce_sum3A_127 = arith.constant dense<0.000000e+00> : vector<1024xf32>
        %reduce_sum3A_128 = vector.multi_reduction <add>, %exp23A_123, %reduce_sum3A_127 [0] : vector<1024x1024xf32> to vector<1024xf32>
        %broadcast_in_dim3A_129 = vector.shape_cast %reduce_sum3A_128 : vector<1024xf32> to vector<1x1024xf32>
        %add3A_130 = arith.addf %mul3A_126, %broadcast_in_dim3A_129 : vector<1x1024xf32>
        %swap3A_131 = arith.constant 0 : index
        %swap3A_132 = arith.index_cast %add3A_13 : i32 to index
        %swap3A_133 = vector.load %arg17[%swap3A_131, %swap3A_132] : memref<1x8192xf32, #tpu.memory_space<vmem>>, vector<1x1024xf32>
        tpu.vector_store %arg17[%swap3A_131, %swap3A_132], %max3A_120 {strides = array<i32>} : memref<1x8192xf32, #tpu.memory_space<vmem>>, vector<1x1024xf32>,
        %swap3A_134 = arith.constant 0 : index
        %swap3A_135 = arith.index_cast %add3A_13 : i32 to index
        %swap3A_136 = vector.load %arg18[%swap3A_134, %swap3A_135] : memref<1x8192xf32, #tpu.memory_space<vmem>>, vector<1x1024xf32>
        tpu.vector_store %arg18[%swap3A_134, %swap3A_135], %add3A_130 {strides = array<i32>} : memref<1x8192xf32, #tpu.memory_space<vmem>>, vector<1x1024xf32>,
        %iota3A_137 = tpu.iota {dimensions = array<i32: 0>} : vector<1024x1xi32>
        %add3A_138 = arith.constant 19456 : i32
        %add3A_139 = vector.broadcast %add3A_138 : i32 to vector<1024x1xi32>
        %add3A_140 = arith.addi %add3A_139, %iota3A_137 : vector<1024x1xi32>
        %eq3A_141 = vector.broadcast %slice3A_110 : vector<1x1024xi32> to vector<1024x1024xi32>
        %eq3A_142 = vector.broadcast %add3A_140 : vector<1024x1xi32> to vector<1024x1024xi32>
        %eq3A_143 = arith.cmpi eq, %eq3A_141, %eq3A_142 : vector<1024x1024xi32>
        %jit3A_144 = arith.constant -1.000000e+30 : f32
        %broadcast_in_dim3A_145 = vector.broadcast %jit3A_144 : f32 to vector<1024x1024xf32>
        %select_n3A_146 = arith.select %eq3A_143, %add3A_109, %broadcast_in_dim3A_145 : vector<1024x1024xi1>, vector<1024x1024xf32>
        %reduce_max3A_147 = arith.constant dense<0xFF800000> : vector<1024xf32>
        %reduce_max3A_148 = vector.multi_reduction <maximumf>, %select_n3A_146, %reduce_max3A_147 [0] : vector<1024x1024xf32> to vector<1024xf32>
        %broadcast_in_dim3A_149 = vector.shape_cast %reduce_max3A_148 : vector<1024xf32> to vector<1x1024xf32>
        %get3A_150 = arith.constant 0 : index
        %get3A_151 = arith.index_cast %add3A_13 : i32 to index
        %get3A_152 = vector.load %arg19[%get3A_150, %get3A_151] : memref<1x8192xf32, #tpu.memory_space<vmem>>, vector<1x1024xf32>
        %max3A_153 = arith.maximumf %get3A_152, %broadcast_in_dim3A_149 : vector<1x1024xf32>
        %swap3A_154 = arith.constant 0 : index
        %swap3A_155 = arith.index_cast %add3A_13 : i32 to index
        %swap3A_156 = vector.load %arg19[%swap3A_154, %swap3A_155] : memref<1x8192xf32, #tpu.memory_space<vmem>>, vector<1x1024xf32>
        tpu.vector_store %arg19[%swap3A_154, %swap3A_155], %max3A_153 {strides = array<i32>} : memref<1x8192xf32, #tpu.memory_space<vmem>>, vector<1x1024xf32>,
        %slice3A_157 = vector.extract_strided_slice %add3A_109 {offsets = [544, 0], sizes = [1, 1024], strides = [1, 1]} : vector<1024x1024xf32> to vector<1x1024xf32>
        %squeeze3A_158 = vector.shape_cast %slice3A_157 : vector<1x1024xf32> to vector<1024xf32>
        %broadcast_in_dim3A_159 = vector.shape_cast %squeeze3A_158 : vector<1024xf32> to vector<1x1024xf32>
        %swap3A_160 = arith.constant 0 : index
        %swap3A_161 = arith.index_cast %add3A_13 : i32 to index
        %swap3A_162 = vector.load %arg23[%swap3A_160, %swap3A_161] : memref<1x8192xf32, #tpu.memory_space<vmem>>, vector<1x1024xf32>
        tpu.vector_store %arg23[%swap3A_160, %swap3A_161], %broadcast_in_dim3A_159 {strides = array<i32>} : memref<1x8192xf32, #tpu.memory_space<vmem>>, vector<1x1024xf32>,
        %slice3A_163 = vector.extract_strided_slice %add3A_109 {offsets = [545, 0], sizes = [1, 1024], strides = [1, 1]} : vector<1024x1024xf32> to vector<1x1024xf32>
        %squeeze3A_164 = vector.shape_cast %slice3A_163 : vector<1x1024xf32> to vector<1024xf32>
        %broadcast_in_dim3A_165 = vector.shape_cast %squeeze3A_164 : vector<1024xf32> to vector<1x1024xf32>
        %swap3A_166 = arith.constant 0 : index
        %swap3A_167 = arith.index_cast %add3A_13 : i32 to index
        %swap3A_168 = vector.load %arg22[%swap3A_166, %swap3A_167] : memref<1x8192xf32, #tpu.memory_space<vmem>>, vector<1x1024xf32>
        tpu.vector_store %arg22[%swap3A_166, %swap3A_167], %broadcast_in_dim3A_165 {strides = array<i32>} : memref<1x8192xf32, #tpu.memory_space<vmem>>, vector<1x1024xf32>,
        %get3A_169 = arith.constant 0 : index
        %get3A_170 = arith.index_cast %mul3A_0 : i32 to index
        %get3A_171 = vector.load %arg17[%get3A_169, %get3A_170] : memref<1x8192xf32, #tpu.memory_space<vmem>>, vector<1x2048xf32>
        %get3A_172 = arith.constant 0 : index
        %get3A_173 = arith.index_cast %mul3A_0 : i32 to index
        %get3A_174 = vector.load %arg18[%get3A_172, %get3A_173] : memref<1x8192xf32, #tpu.memory_space<vmem>>, vector<1x2048xf32>
        %log3A = math.log %get3A_174 : vector<1x2048xf32>
        %log3A_175 = arith.constant 2.000000e+00 : f32
        %log3A_176 = math.log %log3A_175 : f32
        %div3A = vector.broadcast %log3A_176 : f32 to vector<1x2048xf32>
        %div3A_177 = arith.divf %log3A, %div3A : vector<1x2048xf32>
        %add3A_178 = arith.addf %get3A_171, %div3A_177 : vector<1x2048xf32>
        %swap3A_179 = arith.constant 0 : index
        %swap3A_180 = arith.index_cast %mul3A_0 : i32 to index
        %swap3A_181 = vector.load %arg20[%swap3A_179, %swap3A_180] : memref<1x8192xf32, #tpu.memory_space<vmem>>, vector<1x2048xf32>
        tpu.vector_store %arg20[%swap3A_179, %swap3A_180], %add3A_178 {strides = array<i32>} : memref<1x8192xf32, #tpu.memory_space<vmem>>, vector<1x2048xf32>,
        %get3A_182 = arith.constant 0 : index
        %get3A_183 = arith.index_cast %mul3A_0 : i32 to index
        %get3A_184 = vector.load %arg19[%get3A_182, %get3A_183] : memref<1x8192xf32, #tpu.memory_space<vmem>>, vector<1x2048xf32>
        %swap3A_185 = arith.constant 0 : index
        %swap3A_186 = arith.index_cast %mul3A_0 : i32 to index
        %swap3A_187 = vector.load %arg21[%swap3A_185, %swap3A_186] : memref<1x8192xf32, #tpu.memory_space<vmem>>, vector<1x2048xf32>
        tpu.vector_store %arg21[%swap3A_185, %swap3A_186], %get3A_184 {strides = array<i32>} : memref<1x8192xf32, #tpu.memory_space<vmem>>, vector<1x2048xf32>,
      } else {
      }
    } else {
    }
    %ge3A = arith.constant 20 : i32
    %ge3A_16 = arith.cmpi sge, %arg0, %ge3A : i32
    %lt3A_17 = arith.constant 60 : i32
    %lt3A_18 = arith.cmpi slt, %arg0, %lt3A_17 : i32
    %and3A = arith.andi %ge3A_16, %lt3A_18 : i1
    %convert_element_type3A_19 = arith.extui %and3A : i1 to i32
    %cond3A_20 = arith.constant 0 : i32
    %cond3A_21 = arith.cmpi ne, %convert_element_type3A_19, %cond3A_20 : i32
    scf.if %cond3A_21 {
      %sub3A = arith.constant 20 : i32
      %sub3A_27 = arith.subi %arg0, %sub3A : i32
      %add3A_28 = arith.constant 1 : i32
      %add3A_29 = arith.addi %arg1, %add3A_28 : i32
      %mul3A_30 = arith.constant 2048 : i32
      %mul3A_31 = arith.muli %add3A_29, %mul3A_30 : i32
      %gt3A = arith.cmpi sgt, %mul3A_31, %get3A_4 : i32
      %mul3A_32 = arith.constant 2048 : i32
      %mul3A_33 = arith.muli %arg1, %mul3A_32 : i32
      %lt3A_34 = arith.cmpi slt, %mul3A_33, %get3A_6 : i32
      %and3A_35 = arith.andi %gt3A, %lt3A_34 : i1
      %eq3A = arith.constant 0 : i32
      %eq3A_36 = arith.cmpi eq, %sub3A_27, %eq3A : i32
      %convert_element_type3A_37 = arith.extui %eq3A_36 : i1 to i32
      %cond3A_38 = arith.constant 0 : i32
      %cond3A_39 = arith.cmpi ne, %convert_element_type3A_37, %cond3A_38 : i32
      scf.if %cond3A_39 {
        %broadcast_in_dim3A = arith.constant -1.000000e+30 : f32
        %broadcast_in_dim3A_48 = vector.broadcast %broadcast_in_dim3A : f32 to vector<1x2048xf32>
        %swap3A = arith.constant 0 : index
        %swap3A_49 = arith.index_cast %mul3A_0 : i32 to index
        %swap3A_50 = vector.load %arg17[%swap3A, %swap3A_49] : memref<1x8192xf32, #tpu.memory_space<vmem>>, vector<1x2048xf32>
        tpu.vector_store %arg17[%swap3A, %swap3A_49], %broadcast_in_dim3A_48 {strides = array<i32>} : memref<1x8192xf32, #tpu.memory_space<vmem>>, vector<1x2048xf32>,
        %broadcast_in_dim3A_51 = arith.constant 0.000000e+00 : f32
        %broadcast_in_dim3A_52 = vector.broadcast %broadcast_in_dim3A_51 : f32 to vector<1x2048xf32>
        %swap3A_53 = arith.constant 0 : index
        %swap3A_54 = arith.index_cast %mul3A_0 : i32 to index
        %swap3A_55 = vector.load %arg18[%swap3A_53, %swap3A_54] : memref<1x8192xf32, #tpu.memory_space<vmem>>, vector<1x2048xf32>
        tpu.vector_store %arg18[%swap3A_53, %swap3A_54], %broadcast_in_dim3A_52 {strides = array<i32>} : memref<1x8192xf32, #tpu.memory_space<vmem>>, vector<1x2048xf32>,
        %broadcast_in_dim3A_56 = arith.constant -1.000000e+30 : f32
        %broadcast_in_dim3A_57 = vector.broadcast %broadcast_in_dim3A_56 : f32 to vector<1x2048xf32>
        %swap3A_58 = arith.constant 0 : index
        %swap3A_59 = arith.index_cast %mul3A_0 : i32 to index
        %swap3A_60 = vector.load %arg19[%swap3A_58, %swap3A_59] : memref<1x8192xf32, #tpu.memory_space<vmem>>, vector<1x2048xf32>
        tpu.vector_store %arg19[%swap3A_58, %swap3A_59], %broadcast_in_dim3A_57 {strides = array<i32>} : memref<1x8192xf32, #tpu.memory_space<vmem>>, vector<1x2048xf32>,
      } else {
      }
      %convert_element_type3A_40 = arith.extui %and3A_35 : i1 to i32
      %cond3A_41 = arith.constant 0 : i32
      %cond3A_42 = arith.cmpi ne, %convert_element_type3A_40, %cond3A_41 : i32
      scf.if %cond3A_42 {
        %get3A_48 = arith.constant 0 : index
        %get3A_49 = arith.index_cast %mul3A_0 : i32 to index
        %get3A_50 = vector.load %arg26[%get3A_48, %get3A_49] : memref<256x8192xbf16, #tpu.memory_space<vmem>>, vector<256x2048xbf16>
        %lt3A_51 = arith.constant 39 : i32
        %lt3A_52 = arith.cmpi slt, %sub3A_27, %lt3A_51 : i32
        %convert_element_type3A_53 = arith.extui %lt3A_52 : i1 to i32
        %cond3A_54 = arith.constant 0 : i32
        %cond3A_55 = arith.cmpi ne, %convert_element_type3A_53, %cond3A_54 : i32
        scf.if %cond3A_55 {
          %get3A_61 = arith.constant 0 : index
          %get3A_62 = arith.constant 0 : index
          %get3A_63 = vector.load %arg10[%get3A_61, %get3A_62] : memref<1024x256xf32, #tpu.memory_space<vmem>>, vector<1024x256xf32>
          %convert_element_type3A_64 = arith.truncf %get3A_63 : vector<1024x256xf32> to vector<1024x256xbf16>
          %slice3A = vector.extract_strided_slice %get3A_50 {offsets = [0, 0], sizes = [256, 1024], strides = [1, 1]} : vector<256x2048xbf16> to vector<256x1024xbf16>
          %dot_general3A = arith.constant dense<0.000000e+00> : vector<1024x1024xf32>
          %dot_general3A_65 = tpu.matmul %convert_element_type3A_64, %slice3A, %dot_general3A {dimension_numbers = #tpu.dot_dimension_numbers<[1], [0], [0], [1], [0, 0, 1, 1], [], []>, transpose_lhs_hint = false} : vector<1024x256xbf16>, vector<256x1024xbf16>, vector<1024x1024xf32> -> vector<1024x1024xf32>
          %mul3A_66 = arith.constant 1024 : i32
          %mul3A_67 = arith.muli %sub3A_27, %mul3A_66 : i32
          %add3A_68 = arith.constant 20000 : i32
          %add3A_69 = arith.addi %add3A_68, %mul3A_67 : i32
          %slice3A_70 = vector.extract_strided_slice %get3A_2 {offsets = [0, 0], sizes = [1, 1024], strides = [1, 1]} : vector<1x2048xi32> to vector<1x1024xi32>
          %get3A_71 = arith.constant 0 : index
          %get3A_72 = arith.index_cast %add3A_9 : i32 to index
          %get3A_73 = vector.load %arg17[%get3A_71, %get3A_72] : memref<1x8192xf32, #tpu.memory_space<vmem>>, vector<1x1024xf32>
          %get3A_74 = arith.constant 0 : index
          %get3A_75 = arith.index_cast %add3A_9 : i32 to index
          %get3A_76 = vector.load %arg18[%get3A_74, %get3A_75] : memref<1x8192xf32, #tpu.memory_space<vmem>>, vector<1x1024xf32>
          %reduce_max3A = arith.constant dense<0xFF800000> : vector<1024xf32>
          %reduce_max3A_77 = vector.multi_reduction <maximumf>, %dot_general3A_65, %reduce_max3A [0] : vector<1024x1024xf32> to vector<1024xf32>
          %broadcast_in_dim3A = vector.shape_cast %reduce_max3A_77 : vector<1024xf32> to vector<1x1024xf32>
          %max3A = arith.maximumf %get3A_73, %broadcast_in_dim3A : vector<1x1024xf32>
          %sub3A_78 = vector.broadcast %max3A : vector<1x1024xf32> to vector<1024x1024xf32>
          %sub3A_79 = arith.subf %dot_general3A_65, %sub3A_78 : vector<1024x1024xf32>
          %exp23A = math.exp2 %sub3A_79 : vector<1024x1024xf32>
          %sub3A_80 = arith.subf %get3A_73, %max3A : vector<1x1024xf32>
          %exp23A_81 = math.exp2 %sub3A_80 : vector<1x1024xf32>
          %mul3A_82 = arith.mulf %get3A_76, %exp23A_81 : vector<1x1024xf32>
          %reduce_sum3A = arith.constant dense<0.000000e+00> : vector<1024xf32>
          %reduce_sum3A_83 = vector.multi_reduction <add>, %exp23A, %reduce_sum3A [0] : vector<1024x1024xf32> to vector<1024xf32>
          %broadcast_in_dim3A_84 = vector.shape_cast %reduce_sum3A_83 : vector<1024xf32> to vector<1x1024xf32>
          %add3A_85 = arith.addf %mul3A_82, %broadcast_in_dim3A_84 : vector<1x1024xf32>
          %swap3A = arith.constant 0 : index
          %swap3A_86 = arith.index_cast %add3A_9 : i32 to index
          %swap3A_87 = vector.load %arg17[%swap3A, %swap3A_86] : memref<1x8192xf32, #tpu.memory_space<vmem>>, vector<1x1024xf32>
          tpu.vector_store %arg17[%swap3A, %swap3A_86], %max3A {strides = array<i32>} : memref<1x8192xf32, #tpu.memory_space<vmem>>, vector<1x1024xf32>,
          %swap3A_88 = arith.constant 0 : index
          %swap3A_89 = arith.index_cast %add3A_9 : i32 to index
          %swap3A_90 = vector.load %arg18[%swap3A_88, %swap3A_89] : memref<1x8192xf32, #tpu.memory_space<vmem>>, vector<1x1024xf32>
          tpu.vector_store %arg18[%swap3A_88, %swap3A_89], %add3A_85 {strides = array<i32>} : memref<1x8192xf32, #tpu.memory_space<vmem>>, vector<1x1024xf32>,
          %iota3A = tpu.iota {dimensions = array<i32: 0>} : vector<1024x1xi32>
          %add3A_91 = vector.broadcast %add3A_69 : i32 to vector<1024x1xi32>
          %add3A_92 = arith.addi %add3A_91, %iota3A : vector<1024x1xi32>
          %eq3A_93 = vector.broadcast %slice3A_70 : vector<1x1024xi32> to vector<1024x1024xi32>
          %eq3A_94 = vector.broadcast %add3A_92 : vector<1024x1xi32> to vector<1024x1024xi32>
          %eq3A_95 = arith.cmpi eq, %eq3A_93, %eq3A_94 : vector<1024x1024xi32>
          %jit3A = arith.constant -1.000000e+30 : f32
          %broadcast_in_dim3A_96 = vector.broadcast %jit3A : f32 to vector<1024x1024xf32>
          %select_n3A = arith.select %eq3A_95, %dot_general3A_65, %broadcast_in_dim3A_96 : vector<1024x1024xi1>, vector<1024x1024xf32>
          %reduce_max3A_97 = arith.constant dense<0xFF800000> : vector<1024xf32>
          %reduce_max3A_98 = vector.multi_reduction <maximumf>, %select_n3A, %reduce_max3A_97 [0] : vector<1024x1024xf32> to vector<1024xf32>
          %broadcast_in_dim3A_99 = vector.shape_cast %reduce_max3A_98 : vector<1024xf32> to vector<1x1024xf32>
          %get3A_100 = arith.constant 0 : index
          %get3A_101 = arith.index_cast %add3A_9 : i32 to index
          %get3A_102 = vector.load %arg19[%get3A_100, %get3A_101] : memref<1x8192xf32, #tpu.memory_space<vmem>>, vector<1x1024xf32>
          %max3A_103 = arith.maximumf %get3A_102, %broadcast_in_dim3A_99 : vector<1x1024xf32>
          %swap3A_104 = arith.constant 0 : index
          %swap3A_105 = arith.index_cast %add3A_9 : i32 to index
          %swap3A_106 = vector.load %arg19[%swap3A_104, %swap3A_105] : memref<1x8192xf32, #tpu.memory_space<vmem>>, vector<1x1024xf32>
          tpu.vector_store %arg19[%swap3A_104, %swap3A_105], %max3A_103 {strides = array<i32>} : memref<1x8192xf32, #tpu.memory_space<vmem>>, vector<1x1024xf32>,
          %slice3A_107 = vector.extract_strided_slice %get3A_50 {offsets = [0, 1024], sizes = [256, 1024], strides = [1, 1]} : vector<256x2048xbf16> to vector<256x1024xbf16>
          %dot_general3A_108 = arith.constant dense<0.000000e+00> : vector<1024x1024xf32>
          %dot_general3A_109 = tpu.matmul %convert_element_type3A_64, %slice3A_107, %dot_general3A_108 {dimension_numbers = #tpu.dot_dimension_numbers<[1], [0], [0], [1], [0, 0, 1, 1], [], []>, transpose_lhs_hint = false} : vector<1024x256xbf16>, vector<256x1024xbf16>, vector<1024x1024xf32> -> vector<1024x1024xf32>
          %mul3A_110 = arith.constant 1024 : i32
          %mul3A_111 = arith.muli %sub3A_27, %mul3A_110 : i32
          %add3A_112 = arith.constant 20000 : i32
          %add3A_113 = arith.addi %add3A_112, %mul3A_111 : i32
          %slice3A_114 = vector.extract_strided_slice %get3A_2 {offsets = [0, 1024], sizes = [1, 1024], strides = [1, 1]} : vector<1x2048xi32> to vector<1x1024xi32>
          %get3A_115 = arith.constant 0 : index
          %get3A_116 = arith.index_cast %add3A_13 : i32 to index
          %get3A_117 = vector.load %arg17[%get3A_115, %get3A_116] : memref<1x8192xf32, #tpu.memory_space<vmem>>, vector<1x1024xf32>
          %get3A_118 = arith.constant 0 : index
          %get3A_119 = arith.index_cast %add3A_13 : i32 to index
          %get3A_120 = vector.load %arg18[%get3A_118, %get3A_119] : memref<1x8192xf32, #tpu.memory_space<vmem>>, vector<1x1024xf32>
          %reduce_max3A_121 = arith.constant dense<0xFF800000> : vector<1024xf32>
          %reduce_max3A_122 = vector.multi_reduction <maximumf>, %dot_general3A_109, %reduce_max3A_121 [0] : vector<1024x1024xf32> to vector<1024xf32>
          %broadcast_in_dim3A_123 = vector.shape_cast %reduce_max3A_122 : vector<1024xf32> to vector<1x1024xf32>
          %max3A_124 = arith.maximumf %get3A_117, %broadcast_in_dim3A_123 : vector<1x1024xf32>
          %sub3A_125 = vector.broadcast %max3A_124 : vector<1x1024xf32> to vector<1024x1024xf32>
          %sub3A_126 = arith.subf %dot_general3A_109, %sub3A_125 : vector<1024x1024xf32>
          %exp23A_127 = math.exp2 %sub3A_126 : vector<1024x1024xf32>
          %sub3A_128 = arith.subf %get3A_117, %max3A_124 : vector<1x1024xf32>
          %exp23A_129 = math.exp2 %sub3A_128 : vector<1x1024xf32>
          %mul3A_130 = arith.mulf %get3A_120, %exp23A_129 : vector<1x1024xf32>
          %reduce_sum3A_131 = arith.constant dense<0.000000e+00> : vector<1024xf32>
          %reduce_sum3A_132 = vector.multi_reduction <add>, %exp23A_127, %reduce_sum3A_131 [0] : vector<1024x1024xf32> to vector<1024xf32>
          %broadcast_in_dim3A_133 = vector.shape_cast %reduce_sum3A_132 : vector<1024xf32> to vector<1x1024xf32>
          %add3A_134 = arith.addf %mul3A_130, %broadcast_in_dim3A_133 : vector<1x1024xf32>
          %swap3A_135 = arith.constant 0 : index
          %swap3A_136 = arith.index_cast %add3A_13 : i32 to index
          %swap3A_137 = vector.load %arg17[%swap3A_135, %swap3A_136] : memref<1x8192xf32, #tpu.memory_space<vmem>>, vector<1x1024xf32>
          tpu.vector_store %arg17[%swap3A_135, %swap3A_136], %max3A_124 {strides = array<i32>} : memref<1x8192xf32, #tpu.memory_space<vmem>>, vector<1x1024xf32>,
          %swap3A_138 = arith.constant 0 : index
          %swap3A_139 = arith.index_cast %add3A_13 : i32 to index
          %swap3A_140 = vector.load %arg18[%swap3A_138, %swap3A_139] : memref<1x8192xf32, #tpu.memory_space<vmem>>, vector<1x1024xf32>
          tpu.vector_store %arg18[%swap3A_138, %swap3A_139], %add3A_134 {strides = array<i32>} : memref<1x8192xf32, #tpu.memory_space<vmem>>, vector<1x1024xf32>,
          %iota3A_141 = tpu.iota {dimensions = array<i32: 0>} : vector<1024x1xi32>
          %add3A_142 = vector.broadcast %add3A_113 : i32 to vector<1024x1xi32>
          %add3A_143 = arith.addi %add3A_142, %iota3A_141 : vector<1024x1xi32>
          %eq3A_144 = vector.broadcast %slice3A_114 : vector<1x1024xi32> to vector<1024x1024xi32>
          %eq3A_145 = vector.broadcast %add3A_143 : vector<1024x1xi32> to vector<1024x1024xi32>
          %eq3A_146 = arith.cmpi eq, %eq3A_144, %eq3A_145 : vector<1024x1024xi32>
          %jit3A_147 = arith.constant -1.000000e+30 : f32
          %broadcast_in_dim3A_148 = vector.broadcast %jit3A_147 : f32 to vector<1024x1024xf32>
          %select_n3A_149 = arith.select %eq3A_146, %dot_general3A_109, %broadcast_in_dim3A_148 : vector<1024x1024xi1>, vector<1024x1024xf32>
          %reduce_max3A_150 = arith.constant dense<0xFF800000> : vector<1024xf32>
          %reduce_max3A_151 = vector.multi_reduction <maximumf>, %select_n3A_149, %reduce_max3A_150 [0] : vector<1024x1024xf32> to vector<1024xf32>
          %broadcast_in_dim3A_152 = vector.shape_cast %reduce_max3A_151 : vector<1024xf32> to vector<1x1024xf32>
          %get3A_153 = arith.constant 0 : index
          %get3A_154 = arith.index_cast %add3A_13 : i32 to index
          %get3A_155 = vector.load %arg19[%get3A_153, %get3A_154] : memref<1x8192xf32, #tpu.memory_space<vmem>>, vector<1x1024xf32>
          %max3A_156 = arith.maximumf %get3A_155, %broadcast_in_dim3A_152 : vector<1x1024xf32>
          %swap3A_157 = arith.constant 0 : index
          %swap3A_158 = arith.index_cast %add3A_13 : i32 to index
          %swap3A_159 = vector.load %arg19[%swap3A_157, %swap3A_158] : memref<1x8192xf32, #tpu.memory_space<vmem>>, vector<1x1024xf32>
          tpu.vector_store %arg19[%swap3A_157, %swap3A_158], %max3A_156 {strides = array<i32>} : memref<1x8192xf32, #tpu.memory_space<vmem>>, vector<1x1024xf32>,
        } else {
        }
        %eq3A_56 = arith.constant 39 : i32
        %eq3A_57 = arith.cmpi eq, %sub3A_27, %eq3A_56 : i32
        %convert_element_type3A_58 = arith.extui %eq3A_57 : i1 to i32
        %cond3A_59 = arith.constant 0 : i32
        %cond3A_60 = arith.cmpi ne, %convert_element_type3A_58, %cond3A_59 : i32
        scf.if %cond3A_60 {
          %get3A_61 = arith.constant 0 : index
          %get3A_62 = arith.constant 0 : index
          %get3A_63 = vector.load %arg11[%get3A_61, %get3A_62] : memref<1024x256xf32, #tpu.memory_space<vmem>>, vector<1024x256xf32>
          %convert_element_type3A_64 = arith.truncf %get3A_63 : vector<1024x256xf32> to vector<1024x256xbf16>
          %slice3A = vector.extract_strided_slice %get3A_50 {offsets = [0, 0], sizes = [256, 1024], strides = [1, 1]} : vector<256x2048xbf16> to vector<256x1024xbf16>
          %dot_general3A = arith.constant dense<0.000000e+00> : vector<1024x1024xf32>
          %dot_general3A_65 = tpu.matmul %convert_element_type3A_64, %slice3A, %dot_general3A {dimension_numbers = #tpu.dot_dimension_numbers<[1], [0], [0], [1], [0, 0, 1, 1], [], []>, transpose_lhs_hint = false} : vector<1024x256xbf16>, vector<256x1024xbf16>, vector<1024x1024xf32> -> vector<1024x1024xf32>
          %get3A_66 = arith.constant 0 : index
          %get3A_67 = arith.constant 0 : index
          %get3A_68 = vector.load %arg12[%get3A_66, %get3A_67] : memref<1024x1xf32, #tpu.memory_space<vmem>>, vector<1024x1xf32>
          %add3A_69 = vector.broadcast %get3A_68 : vector<1024x1xf32> to vector<1024x1024xf32>
          %add3A_70 = arith.addf %dot_general3A_65, %add3A_69 : vector<1024x1024xf32>
          %slice3A_71 = vector.extract_strided_slice %get3A_2 {offsets = [0, 0], sizes = [1, 1024], strides = [1, 1]} : vector<1x2048xi32> to vector<1x1024xi32>
          %get3A_72 = arith.constant 0 : index
          %get3A_73 = arith.index_cast %add3A_9 : i32 to index
          %get3A_74 = vector.load %arg17[%get3A_72, %get3A_73] : memref<1x8192xf32, #tpu.memory_space<vmem>>, vector<1x1024xf32>
          %get3A_75 = arith.constant 0 : index
          %get3A_76 = arith.index_cast %add3A_9 : i32 to index
          %get3A_77 = vector.load %arg18[%get3A_75, %get3A_76] : memref<1x8192xf32, #tpu.memory_space<vmem>>, vector<1x1024xf32>
          %reduce_max3A = arith.constant dense<0xFF800000> : vector<1024xf32>
          %reduce_max3A_78 = vector.multi_reduction <maximumf>, %add3A_70, %reduce_max3A [0] : vector<1024x1024xf32> to vector<1024xf32>
          %broadcast_in_dim3A = vector.shape_cast %reduce_max3A_78 : vector<1024xf32> to vector<1x1024xf32>
          %max3A = arith.maximumf %get3A_74, %broadcast_in_dim3A : vector<1x1024xf32>
          %sub3A_79 = vector.broadcast %max3A : vector<1x1024xf32> to vector<1024x1024xf32>
          %sub3A_80 = arith.subf %add3A_70, %sub3A_79 : vector<1024x1024xf32>
          %exp23A = math.exp2 %sub3A_80 : vector<1024x1024xf32>
          %sub3A_81 = arith.subf %get3A_74, %max3A : vector<1x1024xf32>
          %exp23A_82 = math.exp2 %sub3A_81 : vector<1x1024xf32>
          %mul3A_83 = arith.mulf %get3A_77, %exp23A_82 : vector<1x1024xf32>
          %reduce_sum3A = arith.constant dense<0.000000e+00> : vector<1024xf32>
          %reduce_sum3A_84 = vector.multi_reduction <add>, %exp23A, %reduce_sum3A [0] : vector<1024x1024xf32> to vector<1024xf32>
          %broadcast_in_dim3A_85 = vector.shape_cast %reduce_sum3A_84 : vector<1024xf32> to vector<1x1024xf32>
          %add3A_86 = arith.addf %mul3A_83, %broadcast_in_dim3A_85 : vector<1x1024xf32>
          %swap3A = arith.constant 0 : index
          %swap3A_87 = arith.index_cast %add3A_9 : i32 to index
          %swap3A_88 = vector.load %arg17[%swap3A, %swap3A_87] : memref<1x8192xf32, #tpu.memory_space<vmem>>, vector<1x1024xf32>
          tpu.vector_store %arg17[%swap3A, %swap3A_87], %max3A {strides = array<i32>} : memref<1x8192xf32, #tpu.memory_space<vmem>>, vector<1x1024xf32>,
          %swap3A_89 = arith.constant 0 : index
          %swap3A_90 = arith.index_cast %add3A_9 : i32 to index
          %swap3A_91 = vector.load %arg18[%swap3A_89, %swap3A_90] : memref<1x8192xf32, #tpu.memory_space<vmem>>, vector<1x1024xf32>
          tpu.vector_store %arg18[%swap3A_89, %swap3A_90], %add3A_86 {strides = array<i32>} : memref<1x8192xf32, #tpu.memory_space<vmem>>, vector<1x1024xf32>,
          %iota3A = tpu.iota {dimensions = array<i32: 0>} : vector<1024x1xi32>
          %add3A_92 = arith.constant 59936 : i32
          %add3A_93 = vector.broadcast %add3A_92 : i32 to vector<1024x1xi32>
          %add3A_94 = arith.addi %add3A_93, %iota3A : vector<1024x1xi32>
          %eq3A_95 = vector.broadcast %slice3A_71 : vector<1x1024xi32> to vector<1024x1024xi32>
          %eq3A_96 = vector.broadcast %add3A_94 : vector<1024x1xi32> to vector<1024x1024xi32>
          %eq3A_97 = arith.cmpi eq, %eq3A_95, %eq3A_96 : vector<1024x1024xi32>
          %jit3A = arith.constant -1.000000e+30 : f32
          %broadcast_in_dim3A_98 = vector.broadcast %jit3A : f32 to vector<1024x1024xf32>
          %select_n3A = arith.select %eq3A_97, %add3A_70, %broadcast_in_dim3A_98 : vector<1024x1024xi1>, vector<1024x1024xf32>
          %reduce_max3A_99 = arith.constant dense<0xFF800000> : vector<1024xf32>
          %reduce_max3A_100 = vector.multi_reduction <maximumf>, %select_n3A, %reduce_max3A_99 [0] : vector<1024x1024xf32> to vector<1024xf32>
          %broadcast_in_dim3A_101 = vector.shape_cast %reduce_max3A_100 : vector<1024xf32> to vector<1x1024xf32>
          %get3A_102 = arith.constant 0 : index
          %get3A_103 = arith.index_cast %add3A_9 : i32 to index
          %get3A_104 = vector.load %arg19[%get3A_102, %get3A_103] : memref<1x8192xf32, #tpu.memory_space<vmem>>, vector<1x1024xf32>
          %max3A_105 = arith.maximumf %get3A_104, %broadcast_in_dim3A_101 : vector<1x1024xf32>
          %swap3A_106 = arith.constant 0 : index
          %swap3A_107 = arith.index_cast %add3A_9 : i32 to index
          %swap3A_108 = vector.load %arg19[%swap3A_106, %swap3A_107] : memref<1x8192xf32, #tpu.memory_space<vmem>>, vector<1x1024xf32>
          tpu.vector_store %arg19[%swap3A_106, %swap3A_107], %max3A_105 {strides = array<i32>} : memref<1x8192xf32, #tpu.memory_space<vmem>>, vector<1x1024xf32>,
          %slice3A_109 = vector.extract_strided_slice %get3A_50 {offsets = [0, 1024], sizes = [256, 1024], strides = [1, 1]} : vector<256x2048xbf16> to vector<256x1024xbf16>
          %dot_general3A_110 = arith.constant dense<0.000000e+00> : vector<1024x1024xf32>
          %dot_general3A_111 = tpu.matmul %convert_element_type3A_64, %slice3A_109, %dot_general3A_110 {dimension_numbers = #tpu.dot_dimension_numbers<[1], [0], [0], [1], [0, 0, 1, 1], [], []>, transpose_lhs_hint = false} : vector<1024x256xbf16>, vector<256x1024xbf16>, vector<1024x1024xf32> -> vector<1024x1024xf32>
          %get3A_112 = arith.constant 0 : index
          %get3A_113 = arith.constant 0 : index
          %get3A_114 = vector.load %arg12[%get3A_112, %get3A_113] : memref<1024x1xf32, #tpu.memory_space<vmem>>, vector<1024x1xf32>
          %add3A_115 = vector.broadcast %get3A_114 : vector<1024x1xf32> to vector<1024x1024xf32>
          %add3A_116 = arith.addf %dot_general3A_111, %add3A_115 : vector<1024x1024xf32>
          %slice3A_117 = vector.extract_strided_slice %get3A_2 {offsets = [0, 1024], sizes = [1, 1024], strides = [1, 1]} : vector<1x2048xi32> to vector<1x1024xi32>
          %get3A_118 = arith.constant 0 : index
          %get3A_119 = arith.index_cast %add3A_13 : i32 to index
          %get3A_120 = vector.load %arg17[%get3A_118, %get3A_119] : memref<1x8192xf32, #tpu.memory_space<vmem>>, vector<1x1024xf32>
          %get3A_121 = arith.constant 0 : index
          %get3A_122 = arith.index_cast %add3A_13 : i32 to index
          %get3A_123 = vector.load %arg18[%get3A_121, %get3A_122] : memref<1x8192xf32, #tpu.memory_space<vmem>>, vector<1x1024xf32>
          %reduce_max3A_124 = arith.constant dense<0xFF800000> : vector<1024xf32>
          %reduce_max3A_125 = vector.multi_reduction <maximumf>, %add3A_116, %reduce_max3A_124 [0] : vector<1024x1024xf32> to vector<1024xf32>
          %broadcast_in_dim3A_126 = vector.shape_cast %reduce_max3A_125 : vector<1024xf32> to vector<1x1024xf32>
          %max3A_127 = arith.maximumf %get3A_120, %broadcast_in_dim3A_126 : vector<1x1024xf32>
          %sub3A_128 = vector.broadcast %max3A_127 : vector<1x1024xf32> to vector<1024x1024xf32>
          %sub3A_129 = arith.subf %add3A_116, %sub3A_128 : vector<1024x1024xf32>
          %exp23A_130 = math.exp2 %sub3A_129 : vector<1024x1024xf32>
          %sub3A_131 = arith.subf %get3A_120, %max3A_127 : vector<1x1024xf32>
          %exp23A_132 = math.exp2 %sub3A_131 : vector<1x1024xf32>
          %mul3A_133 = arith.mulf %get3A_123, %exp23A_132 : vector<1x1024xf32>
          %reduce_sum3A_134 = arith.constant dense<0.000000e+00> : vector<1024xf32>
          %reduce_sum3A_135 = vector.multi_reduction <add>, %exp23A_130, %reduce_sum3A_134 [0] : vector<1024x1024xf32> to vector<1024xf32>
          %broadcast_in_dim3A_136 = vector.shape_cast %reduce_sum3A_135 : vector<1024xf32> to vector<1x1024xf32>
          %add3A_137 = arith.addf %mul3A_133, %broadcast_in_dim3A_136 : vector<1x1024xf32>
          %swap3A_138 = arith.constant 0 : index
          %swap3A_139 = arith.index_cast %add3A_13 : i32 to index
          %swap3A_140 = vector.load %arg17[%swap3A_138, %swap3A_139] : memref<1x8192xf32, #tpu.memory_space<vmem>>, vector<1x1024xf32>
          tpu.vector_store %arg17[%swap3A_138, %swap3A_139], %max3A_127 {strides = array<i32>} : memref<1x8192xf32, #tpu.memory_space<vmem>>, vector<1x1024xf32>,
          %swap3A_141 = arith.constant 0 : index
          %swap3A_142 = arith.index_cast %add3A_13 : i32 to index
          %swap3A_143 = vector.load %arg18[%swap3A_141, %swap3A_142] : memref<1x8192xf32, #tpu.memory_space<vmem>>, vector<1x1024xf32>
          tpu.vector_store %arg18[%swap3A_141, %swap3A_142], %add3A_137 {strides = array<i32>} : memref<1x8192xf32, #tpu.memory_space<vmem>>, vector<1x1024xf32>,
          %iota3A_144 = tpu.iota {dimensions = array<i32: 0>} : vector<1024x1xi32>
          %add3A_145 = arith.constant 59936 : i32
          %add3A_146 = vector.broadcast %add3A_145 : i32 to vector<1024x1xi32>
          %add3A_147 = arith.addi %add3A_146, %iota3A_144 : vector<1024x1xi32>
          %eq3A_148 = vector.broadcast %slice3A_117 : vector<1x1024xi32> to vector<1024x1024xi32>
          %eq3A_149 = vector.broadcast %add3A_147 : vector<1024x1xi32> to vector<1024x1024xi32>
          %eq3A_150 = arith.cmpi eq, %eq3A_148, %eq3A_149 : vector<1024x1024xi32>
          %jit3A_151 = arith.constant -1.000000e+30 : f32
          %broadcast_in_dim3A_152 = vector.broadcast %jit3A_151 : f32 to vector<1024x1024xf32>
          %select_n3A_153 = arith.select %eq3A_150, %add3A_116, %broadcast_in_dim3A_152 : vector<1024x1024xi1>, vector<1024x1024xf32>
          %reduce_max3A_154 = arith.constant dense<0xFF800000> : vector<1024xf32>
          %reduce_max3A_155 = vector.multi_reduction <maximumf>, %select_n3A_153, %reduce_max3A_154 [0] : vector<1024x1024xf32> to vector<1024xf32>
          %broadcast_in_dim3A_156 = vector.shape_cast %reduce_max3A_155 : vector<1024xf32> to vector<1x1024xf32>
          %get3A_157 = arith.constant 0 : index
          %get3A_158 = arith.index_cast %add3A_13 : i32 to index
          %get3A_159 = vector.load %arg19[%get3A_157, %get3A_158] : memref<1x8192xf32, #tpu.memory_space<vmem>>, vector<1x1024xf32>
          %max3A_160 = arith.maximumf %get3A_159, %broadcast_in_dim3A_156 : vector<1x1024xf32>
          %swap3A_161 = arith.constant 0 : index
          %swap3A_162 = arith.index_cast %add3A_13 : i32 to index
          %swap3A_163 = vector.load %arg19[%swap3A_161, %swap3A_162] : memref<1x8192xf32, #tpu.memory_space<vmem>>, vector<1x1024xf32>
          tpu.vector_store %arg19[%swap3A_161, %swap3A_162], %max3A_160 {strides = array<i32>} : memref<1x8192xf32, #tpu.memory_space<vmem>>, vector<1x1024xf32>,
        } else {
        }
      } else {
      }
      %eq3A_43 = arith.constant 39 : i32
      %eq3A_44 = arith.cmpi eq, %sub3A_27, %eq3A_43 : i32
      %convert_element_type3A_45 = arith.extui %eq3A_44 : i1 to i32
      %cond3A_46 = arith.constant 0 : i32
      %cond3A_47 = arith.cmpi ne, %convert_element_type3A_45, %cond3A_46 : i32
      scf.if %cond3A_47 {
        %get3A_48 = arith.constant 0 : index
        %get3A_49 = arith.index_cast %mul3A_0 : i32 to index
        %get3A_50 = vector.load %arg17[%get3A_48, %get3A_49] : memref<1x8192xf32, #tpu.memory_space<vmem>>, vector<1x2048xf32>
        %get3A_51 = arith.constant 0 : index
        %get3A_52 = arith.index_cast %mul3A_0 : i32 to index
        %get3A_53 = vector.load %arg18[%get3A_51, %get3A_52] : memref<1x8192xf32, #tpu.memory_space<vmem>>, vector<1x2048xf32>
        %log3A = math.log %get3A_53 : vector<1x2048xf32>
        %log3A_54 = arith.constant 2.000000e+00 : f32
        %log3A_55 = math.log %log3A_54 : f32
        %div3A = vector.broadcast %log3A_55 : f32 to vector<1x2048xf32>
        %div3A_56 = arith.divf %log3A, %div3A : vector<1x2048xf32>
        %add3A_57 = arith.addf %get3A_50, %div3A_56 : vector<1x2048xf32>
        %swap3A = arith.constant 0 : index
        %swap3A_58 = arith.index_cast %mul3A_0 : i32 to index
        %swap3A_59 = vector.load %arg24[%swap3A, %swap3A_58] : memref<1x8192xf32, #tpu.memory_space<vmem>>, vector<1x2048xf32>
        tpu.vector_store %arg24[%swap3A, %swap3A_58], %add3A_57 {strides = array<i32>} : memref<1x8192xf32, #tpu.memory_space<vmem>>, vector<1x2048xf32>,
        %get3A_60 = arith.constant 0 : index
        %get3A_61 = arith.index_cast %mul3A_0 : i32 to index
        %get3A_62 = vector.load %arg19[%get3A_60, %get3A_61] : memref<1x8192xf32, #tpu.memory_space<vmem>>, vector<1x2048xf32>
        %swap3A_63 = arith.constant 0 : index
        %swap3A_64 = arith.index_cast %mul3A_0 : i32 to index
        %swap3A_65 = vector.load %arg25[%swap3A_63, %swap3A_64] : memref<1x8192xf32, #tpu.memory_space<vmem>>, vector<1x2048xf32>
        tpu.vector_store %arg25[%swap3A_63, %swap3A_64], %get3A_62 {strides = array<i32>} : memref<1x8192xf32, #tpu.memory_space<vmem>>, vector<1x2048xf32>,
      } else {
      }
    } else {
    }
    %ge3A_22 = arith.constant 60 : i32
    %ge3A_23 = arith.cmpi sge, %arg0, %ge3A_22 : i32
    %convert_element_type3A_24 = arith.extui %ge3A_23 : i1 to i32
    %cond3A_25 = arith.constant 0 : i32
    %cond3A_26 = arith.cmpi ne, %convert_element_type3A_24, %cond3A_25 : i32
    scf.if %cond3A_26 {
      %sub3A = arith.constant 20 : i32
      %sub3A_27 = arith.subi %arg0, %sub3A : i32
      %sub3A_28 = arith.constant 40 : i32
      %sub3A_29 = arith.subi %sub3A_27, %sub3A_28 : i32
      %add3A_30 = arith.constant 1 : i32
      %add3A_31 = arith.addi %arg1, %add3A_30 : i32
      %mul3A_32 = arith.constant 2048 : i32
      %mul3A_33 = arith.muli %add3A_31, %mul3A_32 : i32
      %gt3A = arith.cmpi sgt, %mul3A_33, %get3A_6 : i32
      %eq3A = arith.constant 0 : i32
      %eq3A_34 = arith.cmpi eq, %sub3A_29, %eq3A : i32
      %convert_element_type3A_35 = arith.extui %eq3A_34 : i1 to i32
      %cond3A_36 = arith.constant 0 : i32
      %cond3A_37 = arith.cmpi ne, %convert_element_type3A_35, %cond3A_36 : i32
      scf.if %cond3A_37 {
        %broadcast_in_dim3A = arith.constant -1.000000e+30 : f32
        %broadcast_in_dim3A_46 = vector.broadcast %broadcast_in_dim3A : f32 to vector<1x2048xf32>
        %swap3A = arith.constant 0 : index
        %swap3A_47 = arith.index_cast %mul3A_0 : i32 to index
        %swap3A_48 = vector.load %arg17[%swap3A, %swap3A_47] : memref<1x8192xf32, #tpu.memory_space<vmem>>, vector<1x2048xf32>
        tpu.vector_store %arg17[%swap3A, %swap3A_47], %broadcast_in_dim3A_46 {strides = array<i32>} : memref<1x8192xf32, #tpu.memory_space<vmem>>, vector<1x2048xf32>,
        %broadcast_in_dim3A_49 = arith.constant 0.000000e+00 : f32
        %broadcast_in_dim3A_50 = vector.broadcast %broadcast_in_dim3A_49 : f32 to vector<1x2048xf32>
        %swap3A_51 = arith.constant 0 : index
        %swap3A_52 = arith.index_cast %mul3A_0 : i32 to index
        %swap3A_53 = vector.load %arg18[%swap3A_51, %swap3A_52] : memref<1x8192xf32, #tpu.memory_space<vmem>>, vector<1x2048xf32>
        tpu.vector_store %arg18[%swap3A_51, %swap3A_52], %broadcast_in_dim3A_50 {strides = array<i32>} : memref<1x8192xf32, #tpu.memory_space<vmem>>, vector<1x2048xf32>,
        %broadcast_in_dim3A_54 = arith.constant -1.000000e+30 : f32
        %broadcast_in_dim3A_55 = vector.broadcast %broadcast_in_dim3A_54 : f32 to vector<1x2048xf32>
        %swap3A_56 = arith.constant 0 : index
        %swap3A_57 = arith.index_cast %mul3A_0 : i32 to index
        %swap3A_58 = vector.load %arg19[%swap3A_56, %swap3A_57] : memref<1x8192xf32, #tpu.memory_space<vmem>>, vector<1x2048xf32>
        tpu.vector_store %arg19[%swap3A_56, %swap3A_57], %broadcast_in_dim3A_55 {strides = array<i32>} : memref<1x8192xf32, #tpu.memory_space<vmem>>, vector<1x2048xf32>,
      } else {
      }
      %convert_element_type3A_38 = arith.extui %gt3A : i1 to i32
      %cond3A_39 = arith.constant 0 : i32
      %cond3A_40 = arith.cmpi ne, %convert_element_type3A_38, %cond3A_39 : i32
      scf.if %cond3A_40 {
        %get3A_46 = arith.constant 0 : index
        %get3A_47 = arith.index_cast %mul3A_0 : i32 to index
        %get3A_48 = vector.load %arg27[%get3A_46, %get3A_47] : memref<64x8192xbf16, #tpu.memory_space<vmem>>, vector<64x2048xbf16>
        %lt3A_49 = arith.constant 39 : i32
        %lt3A_50 = arith.cmpi slt, %sub3A_29, %lt3A_49 : i32
        %convert_element_type3A_51 = arith.extui %lt3A_50 : i1 to i32
        %cond3A_52 = arith.constant 0 : i32
        %cond3A_53 = arith.cmpi ne, %convert_element_type3A_51, %cond3A_52 : i32
        scf.if %cond3A_53 {
          %get3A_59 = arith.constant 0 : index
          %get3A_60 = arith.constant 0 : index
          %get3A_61 = vector.load %arg13[%get3A_59, %get3A_60] : memref<1024x64xf32, #tpu.memory_space<vmem>>, vector<1024x64xf32>
          %convert_element_type3A_62 = arith.truncf %get3A_61 : vector<1024x64xf32> to vector<1024x64xbf16>
          %slice3A = vector.extract_strided_slice %get3A_48 {offsets = [0, 0], sizes = [64, 1024], strides = [1, 1]} : vector<64x2048xbf16> to vector<64x1024xbf16>
          %dot_general3A = arith.constant dense<0.000000e+00> : vector<1024x1024xf32>
          %dot_general3A_63 = tpu.matmul %convert_element_type3A_62, %slice3A, %dot_general3A {dimension_numbers = #tpu.dot_dimension_numbers<[1], [0], [0], [1], [0, 0, 1, 1], [], []>, transpose_lhs_hint = false} : vector<1024x64xbf16>, vector<64x1024xbf16>, vector<1024x1024xf32> -> vector<1024x1024xf32>
          %mul3A_64 = arith.constant 1024 : i32
          %mul3A_65 = arith.muli %sub3A_29, %mul3A_64 : i32
          %add3A_66 = arith.constant 60000 : i32
          %add3A_67 = arith.addi %add3A_66, %mul3A_65 : i32
          %slice3A_68 = vector.extract_strided_slice %get3A_2 {offsets = [0, 0], sizes = [1, 1024], strides = [1, 1]} : vector<1x2048xi32> to vector<1x1024xi32>
          %get3A_69 = arith.constant 0 : index
          %get3A_70 = arith.index_cast %add3A_9 : i32 to index
          %get3A_71 = vector.load %arg17[%get3A_69, %get3A_70] : memref<1x8192xf32, #tpu.memory_space<vmem>>, vector<1x1024xf32>
          %get3A_72 = arith.constant 0 : index
          %get3A_73 = arith.index_cast %add3A_9 : i32 to index
          %get3A_74 = vector.load %arg18[%get3A_72, %get3A_73] : memref<1x8192xf32, #tpu.memory_space<vmem>>, vector<1x1024xf32>
          %reduce_max3A = arith.constant dense<0xFF800000> : vector<1024xf32>
          %reduce_max3A_75 = vector.multi_reduction <maximumf>, %dot_general3A_63, %reduce_max3A [0] : vector<1024x1024xf32> to vector<1024xf32>
          %broadcast_in_dim3A = vector.shape_cast %reduce_max3A_75 : vector<1024xf32> to vector<1x1024xf32>
          %max3A = arith.maximumf %get3A_71, %broadcast_in_dim3A : vector<1x1024xf32>
          %sub3A_76 = vector.broadcast %max3A : vector<1x1024xf32> to vector<1024x1024xf32>
          %sub3A_77 = arith.subf %dot_general3A_63, %sub3A_76 : vector<1024x1024xf32>
          %exp23A = math.exp2 %sub3A_77 : vector<1024x1024xf32>
          %sub3A_78 = arith.subf %get3A_71, %max3A : vector<1x1024xf32>
          %exp23A_79 = math.exp2 %sub3A_78 : vector<1x1024xf32>
          %mul3A_80 = arith.mulf %get3A_74, %exp23A_79 : vector<1x1024xf32>
          %reduce_sum3A = arith.constant dense<0.000000e+00> : vector<1024xf32>
          %reduce_sum3A_81 = vector.multi_reduction <add>, %exp23A, %reduce_sum3A [0] : vector<1024x1024xf32> to vector<1024xf32>
          %broadcast_in_dim3A_82 = vector.shape_cast %reduce_sum3A_81 : vector<1024xf32> to vector<1x1024xf32>
          %add3A_83 = arith.addf %mul3A_80, %broadcast_in_dim3A_82 : vector<1x1024xf32>
          %swap3A = arith.constant 0 : index
          %swap3A_84 = arith.index_cast %add3A_9 : i32 to index
          %swap3A_85 = vector.load %arg17[%swap3A, %swap3A_84] : memref<1x8192xf32, #tpu.memory_space<vmem>>, vector<1x1024xf32>
          tpu.vector_store %arg17[%swap3A, %swap3A_84], %max3A {strides = array<i32>} : memref<1x8192xf32, #tpu.memory_space<vmem>>, vector<1x1024xf32>,
          %swap3A_86 = arith.constant 0 : index
          %swap3A_87 = arith.index_cast %add3A_9 : i32 to index
          %swap3A_88 = vector.load %arg18[%swap3A_86, %swap3A_87] : memref<1x8192xf32, #tpu.memory_space<vmem>>, vector<1x1024xf32>
          tpu.vector_store %arg18[%swap3A_86, %swap3A_87], %add3A_83 {strides = array<i32>} : memref<1x8192xf32, #tpu.memory_space<vmem>>, vector<1x1024xf32>,
          %iota3A = tpu.iota {dimensions = array<i32: 0>} : vector<1024x1xi32>
          %add3A_89 = vector.broadcast %add3A_67 : i32 to vector<1024x1xi32>
          %add3A_90 = arith.addi %add3A_89, %iota3A : vector<1024x1xi32>
          %eq3A_91 = vector.broadcast %slice3A_68 : vector<1x1024xi32> to vector<1024x1024xi32>
          %eq3A_92 = vector.broadcast %add3A_90 : vector<1024x1xi32> to vector<1024x1024xi32>
          %eq3A_93 = arith.cmpi eq, %eq3A_91, %eq3A_92 : vector<1024x1024xi32>
          %jit3A = arith.constant -1.000000e+30 : f32
          %broadcast_in_dim3A_94 = vector.broadcast %jit3A : f32 to vector<1024x1024xf32>
          %select_n3A = arith.select %eq3A_93, %dot_general3A_63, %broadcast_in_dim3A_94 : vector<1024x1024xi1>, vector<1024x1024xf32>
          %reduce_max3A_95 = arith.constant dense<0xFF800000> : vector<1024xf32>
          %reduce_max3A_96 = vector.multi_reduction <maximumf>, %select_n3A, %reduce_max3A_95 [0] : vector<1024x1024xf32> to vector<1024xf32>
          %broadcast_in_dim3A_97 = vector.shape_cast %reduce_max3A_96 : vector<1024xf32> to vector<1x1024xf32>
          %get3A_98 = arith.constant 0 : index
          %get3A_99 = arith.index_cast %add3A_9 : i32 to index
          %get3A_100 = vector.load %arg19[%get3A_98, %get3A_99] : memref<1x8192xf32, #tpu.memory_space<vmem>>, vector<1x1024xf32>
          %max3A_101 = arith.maximumf %get3A_100, %broadcast_in_dim3A_97 : vector<1x1024xf32>
          %swap3A_102 = arith.constant 0 : index
          %swap3A_103 = arith.index_cast %add3A_9 : i32 to index
          %swap3A_104 = vector.load %arg19[%swap3A_102, %swap3A_103] : memref<1x8192xf32, #tpu.memory_space<vmem>>, vector<1x1024xf32>
          tpu.vector_store %arg19[%swap3A_102, %swap3A_103], %max3A_101 {strides = array<i32>} : memref<1x8192xf32, #tpu.memory_space<vmem>>, vector<1x1024xf32>,
          %slice3A_105 = vector.extract_strided_slice %get3A_48 {offsets = [0, 1024], sizes = [64, 1024], strides = [1, 1]} : vector<64x2048xbf16> to vector<64x1024xbf16>
          %dot_general3A_106 = arith.constant dense<0.000000e+00> : vector<1024x1024xf32>
          %dot_general3A_107 = tpu.matmul %convert_element_type3A_62, %slice3A_105, %dot_general3A_106 {dimension_numbers = #tpu.dot_dimension_numbers<[1], [0], [0], [1], [0, 0, 1, 1], [], []>, transpose_lhs_hint = false} : vector<1024x64xbf16>, vector<64x1024xbf16>, vector<1024x1024xf32> -> vector<1024x1024xf32>
          %mul3A_108 = arith.constant 1024 : i32
          %mul3A_109 = arith.muli %sub3A_29, %mul3A_108 : i32
          %add3A_110 = arith.constant 60000 : i32
          %add3A_111 = arith.addi %add3A_110, %mul3A_109 : i32
          %slice3A_112 = vector.extract_strided_slice %get3A_2 {offsets = [0, 1024], sizes = [1, 1024], strides = [1, 1]} : vector<1x2048xi32> to vector<1x1024xi32>
          %get3A_113 = arith.constant 0 : index
          %get3A_114 = arith.index_cast %add3A_13 : i32 to index
          %get3A_115 = vector.load %arg17[%get3A_113, %get3A_114] : memref<1x8192xf32, #tpu.memory_space<vmem>>, vector<1x1024xf32>
          %get3A_116 = arith.constant 0 : index
          %get3A_117 = arith.index_cast %add3A_13 : i32 to index
          %get3A_118 = vector.load %arg18[%get3A_116, %get3A_117] : memref<1x8192xf32, #tpu.memory_space<vmem>>, vector<1x1024xf32>
          %reduce_max3A_119 = arith.constant dense<0xFF800000> : vector<1024xf32>
          %reduce_max3A_120 = vector.multi_reduction <maximumf>, %dot_general3A_107, %reduce_max3A_119 [0] : vector<1024x1024xf32> to vector<1024xf32>
          %broadcast_in_dim3A_121 = vector.shape_cast %reduce_max3A_120 : vector<1024xf32> to vector<1x1024xf32>
          %max3A_122 = arith.maximumf %get3A_115, %broadcast_in_dim3A_121 : vector<1x1024xf32>
          %sub3A_123 = vector.broadcast %max3A_122 : vector<1x1024xf32> to vector<1024x1024xf32>
          %sub3A_124 = arith.subf %dot_general3A_107, %sub3A_123 : vector<1024x1024xf32>
          %exp23A_125 = math.exp2 %sub3A_124 : vector<1024x1024xf32>
          %sub3A_126 = arith.subf %get3A_115, %max3A_122 : vector<1x1024xf32>
          %exp23A_127 = math.exp2 %sub3A_126 : vector<1x1024xf32>
          %mul3A_128 = arith.mulf %get3A_118, %exp23A_127 : vector<1x1024xf32>
          %reduce_sum3A_129 = arith.constant dense<0.000000e+00> : vector<1024xf32>
          %reduce_sum3A_130 = vector.multi_reduction <add>, %exp23A_125, %reduce_sum3A_129 [0] : vector<1024x1024xf32> to vector<1024xf32>
          %broadcast_in_dim3A_131 = vector.shape_cast %reduce_sum3A_130 : vector<1024xf32> to vector<1x1024xf32>
          %add3A_132 = arith.addf %mul3A_128, %broadcast_in_dim3A_131 : vector<1x1024xf32>
          %swap3A_133 = arith.constant 0 : index
          %swap3A_134 = arith.index_cast %add3A_13 : i32 to index
          %swap3A_135 = vector.load %arg17[%swap3A_133, %swap3A_134] : memref<1x8192xf32, #tpu.memory_space<vmem>>, vector<1x1024xf32>
          tpu.vector_store %arg17[%swap3A_133, %swap3A_134], %max3A_122 {strides = array<i32>} : memref<1x8192xf32, #tpu.memory_space<vmem>>, vector<1x1024xf32>,
          %swap3A_136 = arith.constant 0 : index
          %swap3A_137 = arith.index_cast %add3A_13 : i32 to index
          %swap3A_138 = vector.load %arg18[%swap3A_136, %swap3A_137] : memref<1x8192xf32, #tpu.memory_space<vmem>>, vector<1x1024xf32>
          tpu.vector_store %arg18[%swap3A_136, %swap3A_137], %add3A_132 {strides = array<i32>} : memref<1x8192xf32, #tpu.memory_space<vmem>>, vector<1x1024xf32>,
          %iota3A_139 = tpu.iota {dimensions = array<i32: 0>} : vector<1024x1xi32>
          %add3A_140 = vector.broadcast %add3A_111 : i32 to vector<1024x1xi32>
          %add3A_141 = arith.addi %add3A_140, %iota3A_139 : vector<1024x1xi32>
          %eq3A_142 = vector.broadcast %slice3A_112 : vector<1x1024xi32> to vector<1024x1024xi32>
          %eq3A_143 = vector.broadcast %add3A_141 : vector<1024x1xi32> to vector<1024x1024xi32>
          %eq3A_144 = arith.cmpi eq, %eq3A_142, %eq3A_143 : vector<1024x1024xi32>
          %jit3A_145 = arith.constant -1.000000e+30 : f32
          %broadcast_in_dim3A_146 = vector.broadcast %jit3A_145 : f32 to vector<1024x1024xf32>
          %select_n3A_147 = arith.select %eq3A_144, %dot_general3A_107, %broadcast_in_dim3A_146 : vector<1024x1024xi1>, vector<1024x1024xf32>
          %reduce_max3A_148 = arith.constant dense<0xFF800000> : vector<1024xf32>
          %reduce_max3A_149 = vector.multi_reduction <maximumf>, %select_n3A_147, %reduce_max3A_148 [0] : vector<1024x1024xf32> to vector<1024xf32>
          %broadcast_in_dim3A_150 = vector.shape_cast %reduce_max3A_149 : vector<1024xf32> to vector<1x1024xf32>
          %get3A_151 = arith.constant 0 : index
          %get3A_152 = arith.index_cast %add3A_13 : i32 to index
          %get3A_153 = vector.load %arg19[%get3A_151, %get3A_152] : memref<1x8192xf32, #tpu.memory_space<vmem>>, vector<1x1024xf32>
          %max3A_154 = arith.maximumf %get3A_153, %broadcast_in_dim3A_150 : vector<1x1024xf32>
          %swap3A_155 = arith.constant 0 : index
          %swap3A_156 = arith.index_cast %add3A_13 : i32 to index
          %swap3A_157 = vector.load %arg19[%swap3A_155, %swap3A_156] : memref<1x8192xf32, #tpu.memory_space<vmem>>, vector<1x1024xf32>
          tpu.vector_store %arg19[%swap3A_155, %swap3A_156], %max3A_154 {strides = array<i32>} : memref<1x8192xf32, #tpu.memory_space<vmem>>, vector<1x1024xf32>,
        } else {
        }
        %eq3A_54 = arith.constant 39 : i32
        %eq3A_55 = arith.cmpi eq, %sub3A_29, %eq3A_54 : i32
        %convert_element_type3A_56 = arith.extui %eq3A_55 : i1 to i32
        %cond3A_57 = arith.constant 0 : i32
        %cond3A_58 = arith.cmpi ne, %convert_element_type3A_56, %cond3A_57 : i32
        scf.if %cond3A_58 {
          %get3A_59 = arith.constant 0 : index
          %get3A_60 = arith.constant 0 : index
          %get3A_61 = vector.load %arg14[%get3A_59, %get3A_60] : memref<1024x64xf32, #tpu.memory_space<vmem>>, vector<1024x64xf32>
          %convert_element_type3A_62 = arith.truncf %get3A_61 : vector<1024x64xf32> to vector<1024x64xbf16>
          %slice3A = vector.extract_strided_slice %get3A_48 {offsets = [0, 0], sizes = [64, 1024], strides = [1, 1]} : vector<64x2048xbf16> to vector<64x1024xbf16>
          %dot_general3A = arith.constant dense<0.000000e+00> : vector<1024x1024xf32>
          %dot_general3A_63 = tpu.matmul %convert_element_type3A_62, %slice3A, %dot_general3A {dimension_numbers = #tpu.dot_dimension_numbers<[1], [0], [0], [1], [0, 0, 1, 1], [], []>, transpose_lhs_hint = false} : vector<1024x64xbf16>, vector<64x1024xbf16>, vector<1024x1024xf32> -> vector<1024x1024xf32>
          %get3A_64 = arith.constant 0 : index
          %get3A_65 = arith.constant 0 : index
          %get3A_66 = vector.load %arg15[%get3A_64, %get3A_65] : memref<1024x1xf32, #tpu.memory_space<vmem>>, vector<1024x1xf32>
          %add3A_67 = vector.broadcast %get3A_66 : vector<1024x1xf32> to vector<1024x1024xf32>
          %add3A_68 = arith.addf %dot_general3A_63, %add3A_67 : vector<1024x1024xf32>
          %slice3A_69 = vector.extract_strided_slice %get3A_2 {offsets = [0, 0], sizes = [1, 1024], strides = [1, 1]} : vector<1x2048xi32> to vector<1x1024xi32>
          %get3A_70 = arith.constant 0 : index
          %get3A_71 = arith.index_cast %add3A_9 : i32 to index
          %get3A_72 = vector.load %arg17[%get3A_70, %get3A_71] : memref<1x8192xf32, #tpu.memory_space<vmem>>, vector<1x1024xf32>
          %get3A_73 = arith.constant 0 : index
          %get3A_74 = arith.index_cast %add3A_9 : i32 to index
          %get3A_75 = vector.load %arg18[%get3A_73, %get3A_74] : memref<1x8192xf32, #tpu.memory_space<vmem>>, vector<1x1024xf32>
          %reduce_max3A = arith.constant dense<0xFF800000> : vector<1024xf32>
          %reduce_max3A_76 = vector.multi_reduction <maximumf>, %add3A_68, %reduce_max3A [0] : vector<1024x1024xf32> to vector<1024xf32>
          %broadcast_in_dim3A = vector.shape_cast %reduce_max3A_76 : vector<1024xf32> to vector<1x1024xf32>
          %max3A = arith.maximumf %get3A_72, %broadcast_in_dim3A : vector<1x1024xf32>
          %sub3A_77 = vector.broadcast %max3A : vector<1x1024xf32> to vector<1024x1024xf32>
          %sub3A_78 = arith.subf %add3A_68, %sub3A_77 : vector<1024x1024xf32>
          %exp23A = math.exp2 %sub3A_78 : vector<1024x1024xf32>
          %sub3A_79 = arith.subf %get3A_72, %max3A : vector<1x1024xf32>
          %exp23A_80 = math.exp2 %sub3A_79 : vector<1x1024xf32>
          %mul3A_81 = arith.mulf %get3A_75, %exp23A_80 : vector<1x1024xf32>
          %reduce_sum3A = arith.constant dense<0.000000e+00> : vector<1024xf32>
          %reduce_sum3A_82 = vector.multi_reduction <add>, %exp23A, %reduce_sum3A [0] : vector<1024x1024xf32> to vector<1024xf32>
          %broadcast_in_dim3A_83 = vector.shape_cast %reduce_sum3A_82 : vector<1024xf32> to vector<1x1024xf32>
          %add3A_84 = arith.addf %mul3A_81, %broadcast_in_dim3A_83 : vector<1x1024xf32>
          %swap3A = arith.constant 0 : index
          %swap3A_85 = arith.index_cast %add3A_9 : i32 to index
          %swap3A_86 = vector.load %arg17[%swap3A, %swap3A_85] : memref<1x8192xf32, #tpu.memory_space<vmem>>, vector<1x1024xf32>
          tpu.vector_store %arg17[%swap3A, %swap3A_85], %max3A {strides = array<i32>} : memref<1x8192xf32, #tpu.memory_space<vmem>>, vector<1x1024xf32>,
          %swap3A_87 = arith.constant 0 : index
          %swap3A_88 = arith.index_cast %add3A_9 : i32 to index
          %swap3A_89 = vector.load %arg18[%swap3A_87, %swap3A_88] : memref<1x8192xf32, #tpu.memory_space<vmem>>, vector<1x1024xf32>
          tpu.vector_store %arg18[%swap3A_87, %swap3A_88], %add3A_84 {strides = array<i32>} : memref<1x8192xf32, #tpu.memory_space<vmem>>, vector<1x1024xf32>,
          %iota3A = tpu.iota {dimensions = array<i32: 0>} : vector<1024x1xi32>
          %add3A_90 = arith.constant 99936 : i32
          %add3A_91 = vector.broadcast %add3A_90 : i32 to vector<1024x1xi32>
          %add3A_92 = arith.addi %add3A_91, %iota3A : vector<1024x1xi32>
          %eq3A_93 = vector.broadcast %slice3A_69 : vector<1x1024xi32> to vector<1024x1024xi32>
          %eq3A_94 = vector.broadcast %add3A_92 : vector<1024x1xi32> to vector<1024x1024xi32>
          %eq3A_95 = arith.cmpi eq, %eq3A_93, %eq3A_94 : vector<1024x1024xi32>
          %jit3A = arith.constant -1.000000e+30 : f32
          %broadcast_in_dim3A_96 = vector.broadcast %jit3A : f32 to vector<1024x1024xf32>
          %select_n3A = arith.select %eq3A_95, %add3A_68, %broadcast_in_dim3A_96 : vector<1024x1024xi1>, vector<1024x1024xf32>
          %reduce_max3A_97 = arith.constant dense<0xFF800000> : vector<1024xf32>
          %reduce_max3A_98 = vector.multi_reduction <maximumf>, %select_n3A, %reduce_max3A_97 [0] : vector<1024x1024xf32> to vector<1024xf32>
          %broadcast_in_dim3A_99 = vector.shape_cast %reduce_max3A_98 : vector<1024xf32> to vector<1x1024xf32>
          %get3A_100 = arith.constant 0 : index
          %get3A_101 = arith.index_cast %add3A_9 : i32 to index
          %get3A_102 = vector.load %arg19[%get3A_100, %get3A_101] : memref<1x8192xf32, #tpu.memory_space<vmem>>, vector<1x1024xf32>
          %max3A_103 = arith.maximumf %get3A_102, %broadcast_in_dim3A_99 : vector<1x1024xf32>
          %swap3A_104 = arith.constant 0 : index
          %swap3A_105 = arith.index_cast %add3A_9 : i32 to index
          %swap3A_106 = vector.load %arg19[%swap3A_104, %swap3A_105] : memref<1x8192xf32, #tpu.memory_space<vmem>>, vector<1x1024xf32>
          tpu.vector_store %arg19[%swap3A_104, %swap3A_105], %max3A_103 {strides = array<i32>} : memref<1x8192xf32, #tpu.memory_space<vmem>>, vector<1x1024xf32>,
          %slice3A_107 = vector.extract_strided_slice %get3A_48 {offsets = [0, 1024], sizes = [64, 1024], strides = [1, 1]} : vector<64x2048xbf16> to vector<64x1024xbf16>
          %dot_general3A_108 = arith.constant dense<0.000000e+00> : vector<1024x1024xf32>
          %dot_general3A_109 = tpu.matmul %convert_element_type3A_62, %slice3A_107, %dot_general3A_108 {dimension_numbers = #tpu.dot_dimension_numbers<[1], [0], [0], [1], [0, 0, 1, 1], [], []>, transpose_lhs_hint = false} : vector<1024x64xbf16>, vector<64x1024xbf16>, vector<1024x1024xf32> -> vector<1024x1024xf32>
          %get3A_110 = arith.constant 0 : index
          %get3A_111 = arith.constant 0 : index
          %get3A_112 = vector.load %arg15[%get3A_110, %get3A_111] : memref<1024x1xf32, #tpu.memory_space<vmem>>, vector<1024x1xf32>
          %add3A_113 = vector.broadcast %get3A_112 : vector<1024x1xf32> to vector<1024x1024xf32>
          %add3A_114 = arith.addf %dot_general3A_109, %add3A_113 : vector<1024x1024xf32>
          %slice3A_115 = vector.extract_strided_slice %get3A_2 {offsets = [0, 1024], sizes = [1, 1024], strides = [1, 1]} : vector<1x2048xi32> to vector<1x1024xi32>
          %get3A_116 = arith.constant 0 : index
          %get3A_117 = arith.index_cast %add3A_13 : i32 to index
          %get3A_118 = vector.load %arg17[%get3A_116, %get3A_117] : memref<1x8192xf32, #tpu.memory_space<vmem>>, vector<1x1024xf32>
          %get3A_119 = arith.constant 0 : index
          %get3A_120 = arith.index_cast %add3A_13 : i32 to index
          %get3A_121 = vector.load %arg18[%get3A_119, %get3A_120] : memref<1x8192xf32, #tpu.memory_space<vmem>>, vector<1x1024xf32>
          %reduce_max3A_122 = arith.constant dense<0xFF800000> : vector<1024xf32>
          %reduce_max3A_123 = vector.multi_reduction <maximumf>, %add3A_114, %reduce_max3A_122 [0] : vector<1024x1024xf32> to vector<1024xf32>
          %broadcast_in_dim3A_124 = vector.shape_cast %reduce_max3A_123 : vector<1024xf32> to vector<1x1024xf32>
          %max3A_125 = arith.maximumf %get3A_118, %broadcast_in_dim3A_124 : vector<1x1024xf32>
          %sub3A_126 = vector.broadcast %max3A_125 : vector<1x1024xf32> to vector<1024x1024xf32>
          %sub3A_127 = arith.subf %add3A_114, %sub3A_126 : vector<1024x1024xf32>
          %exp23A_128 = math.exp2 %sub3A_127 : vector<1024x1024xf32>
          %sub3A_129 = arith.subf %get3A_118, %max3A_125 : vector<1x1024xf32>
          %exp23A_130 = math.exp2 %sub3A_129 : vector<1x1024xf32>
          %mul3A_131 = arith.mulf %get3A_121, %exp23A_130 : vector<1x1024xf32>
          %reduce_sum3A_132 = arith.constant dense<0.000000e+00> : vector<1024xf32>
          %reduce_sum3A_133 = vector.multi_reduction <add>, %exp23A_128, %reduce_sum3A_132 [0] : vector<1024x1024xf32> to vector<1024xf32>
          %broadcast_in_dim3A_134 = vector.shape_cast %reduce_sum3A_133 : vector<1024xf32> to vector<1x1024xf32>
          %add3A_135 = arith.addf %mul3A_131, %broadcast_in_dim3A_134 : vector<1x1024xf32>
          %swap3A_136 = arith.constant 0 : index
          %swap3A_137 = arith.index_cast %add3A_13 : i32 to index
          %swap3A_138 = vector.load %arg17[%swap3A_136, %swap3A_137] : memref<1x8192xf32, #tpu.memory_space<vmem>>, vector<1x1024xf32>
          tpu.vector_store %arg17[%swap3A_136, %swap3A_137], %max3A_125 {strides = array<i32>} : memref<1x8192xf32, #tpu.memory_space<vmem>>, vector<1x1024xf32>,
          %swap3A_139 = arith.constant 0 : index
          %swap3A_140 = arith.index_cast %add3A_13 : i32 to index
          %swap3A_141 = vector.load %arg18[%swap3A_139, %swap3A_140] : memref<1x8192xf32, #tpu.memory_space<vmem>>, vector<1x1024xf32>
          tpu.vector_store %arg18[%swap3A_139, %swap3A_140], %add3A_135 {strides = array<i32>} : memref<1x8192xf32, #tpu.memory_space<vmem>>, vector<1x1024xf32>,
          %iota3A_142 = tpu.iota {dimensions = array<i32: 0>} : vector<1024x1xi32>
          %add3A_143 = arith.constant 99936 : i32
          %add3A_144 = vector.broadcast %add3A_143 : i32 to vector<1024x1xi32>
          %add3A_145 = arith.addi %add3A_144, %iota3A_142 : vector<1024x1xi32>
          %eq3A_146 = vector.broadcast %slice3A_115 : vector<1x1024xi32> to vector<1024x1024xi32>
          %eq3A_147 = vector.broadcast %add3A_145 : vector<1024x1xi32> to vector<1024x1024xi32>
          %eq3A_148 = arith.cmpi eq, %eq3A_146, %eq3A_147 : vector<1024x1024xi32>
          %jit3A_149 = arith.constant -1.000000e+30 : f32
          %broadcast_in_dim3A_150 = vector.broadcast %jit3A_149 : f32 to vector<1024x1024xf32>
          %select_n3A_151 = arith.select %eq3A_148, %add3A_114, %broadcast_in_dim3A_150 : vector<1024x1024xi1>, vector<1024x1024xf32>
          %reduce_max3A_152 = arith.constant dense<0xFF800000> : vector<1024xf32>
          %reduce_max3A_153 = vector.multi_reduction <maximumf>, %select_n3A_151, %reduce_max3A_152 [0] : vector<1024x1024xf32> to vector<1024xf32>
          %broadcast_in_dim3A_154 = vector.shape_cast %reduce_max3A_153 : vector<1024xf32> to vector<1x1024xf32>
          %get3A_155 = arith.constant 0 : index
          %get3A_156 = arith.index_cast %add3A_13 : i32 to index
          %get3A_157 = vector.load %arg19[%get3A_155, %get3A_156] : memref<1x8192xf32, #tpu.memory_space<vmem>>, vector<1x1024xf32>
          %max3A_158 = arith.maximumf %get3A_157, %broadcast_in_dim3A_154 : vector<1x1024xf32>
          %swap3A_159 = arith.constant 0 : index
          %swap3A_160 = arith.index_cast %add3A_13 : i32 to index
          %swap3A_161 = vector.load %arg19[%swap3A_159, %swap3A_160] : memref<1x8192xf32, #tpu.memory_space<vmem>>, vector<1x1024xf32>
          tpu.vector_store %arg19[%swap3A_159, %swap3A_160], %max3A_158 {strides = array<i32>} : memref<1x8192xf32, #tpu.memory_space<vmem>>, vector<1x1024xf32>,
        } else {
        }
      } else {
      }
      %eq3A_41 = arith.constant 39 : i32
      %eq3A_42 = arith.cmpi eq, %sub3A_29, %eq3A_41 : i32
      %convert_element_type3A_43 = arith.extui %eq3A_42 : i1 to i32
      %cond3A_44 = arith.constant 0 : i32
      %cond3A_45 = arith.cmpi ne, %convert_element_type3A_43, %cond3A_44 : i32
      scf.if %cond3A_45 {
        %get3A_46 = arith.constant 0 : index
        %get3A_47 = arith.index_cast %mul3A_0 : i32 to index
        %get3A_48 = vector.load %arg17[%get3A_46, %get3A_47] : memref<1x8192xf32, #tpu.memory_space<vmem>>, vector<1x2048xf32>
        %get3A_49 = arith.constant 0 : index
        %get3A_50 = arith.index_cast %mul3A_0 : i32 to index
        %get3A_51 = vector.load %arg18[%get3A_49, %get3A_50] : memref<1x8192xf32, #tpu.memory_space<vmem>>, vector<1x2048xf32>
        %log3A = math.log %get3A_51 : vector<1x2048xf32>
        %log3A_52 = arith.constant 2.000000e+00 : f32
        %log3A_53 = math.log %log3A_52 : f32
        %div3A = vector.broadcast %log3A_53 : f32 to vector<1x2048xf32>
        %div3A_54 = arith.divf %log3A, %div3A : vector<1x2048xf32>
        %add3A_55 = arith.addf %get3A_48, %div3A_54 : vector<1x2048xf32>
        %get3A_56 = arith.constant 0 : index
        %get3A_57 = arith.index_cast %mul3A_0 : i32 to index
        %get3A_58 = vector.load %arg19[%get3A_56, %get3A_57] : memref<1x8192xf32, #tpu.memory_space<vmem>>, vector<1x2048xf32>
        %get3A_59 = arith.constant 0 : index
        %get3A_60 = arith.index_cast %mul3A_0 : i32 to index
        %get3A_61 = vector.load %arg20[%get3A_59, %get3A_60] : memref<1x8192xf32, #tpu.memory_space<vmem>>, vector<1x2048xf32>
        %get3A_62 = arith.constant 0 : index
        %get3A_63 = arith.index_cast %mul3A_0 : i32 to index
        %get3A_64 = vector.load %arg21[%get3A_62, %get3A_63] : memref<1x8192xf32, #tpu.memory_space<vmem>>, vector<1x2048xf32>
        %sub3A_65 = arith.subf %get3A_64, %get3A_61 : vector<1x2048xf32>
        %get3A_66 = arith.constant 0 : index
        %get3A_67 = arith.index_cast %mul3A_0 : i32 to index
        %get3A_68 = vector.load %arg22[%get3A_66, %get3A_67] : memref<1x8192xf32, #tpu.memory_space<vmem>>, vector<1x2048xf32>
        %sub3A_69 = arith.subf %get3A_68, %get3A_61 : vector<1x2048xf32>
        %get3A_70 = arith.constant 0 : index
        %get3A_71 = arith.index_cast %mul3A_0 : i32 to index
        %get3A_72 = vector.load %arg25[%get3A_70, %get3A_71] : memref<1x8192xf32, #tpu.memory_space<vmem>>, vector<1x2048xf32>
        %get3A_73 = arith.constant 0 : index
        %get3A_74 = arith.index_cast %mul3A_0 : i32 to index
        %get3A_75 = vector.load %arg24[%get3A_73, %get3A_74] : memref<1x8192xf32, #tpu.memory_space<vmem>>, vector<1x2048xf32>
        %sub3A_76 = arith.subf %get3A_72, %get3A_75 : vector<1x2048xf32>
        %add3A_77 = arith.addf %sub3A_69, %sub3A_76 : vector<1x2048xf32>
        %get3A_78 = arith.constant 0 : index
        %get3A_79 = arith.index_cast %mul3A_0 : i32 to index
        %get3A_80 = vector.load %arg23[%get3A_78, %get3A_79] : memref<1x8192xf32, #tpu.memory_space<vmem>>, vector<1x2048xf32>
        %sub3A_81 = arith.subf %get3A_80, %get3A_61 : vector<1x2048xf32>
        %sub3A_82 = arith.subf %get3A_58, %add3A_55 : vector<1x2048xf32>
        %add3A_83 = arith.addf %sub3A_81, %sub3A_82 : vector<1x2048xf32>
        %lt3A_84 = arith.constant 20000 : i32
        %lt3A_85 = vector.broadcast %lt3A_84 : i32 to vector<1x2048xi32>
        %lt3A_86 = arith.cmpi slt, %get3A_2, %lt3A_85 : vector<1x2048xi32>
        %lt3A_87 = arith.constant 60000 : i32
        %lt3A_88 = vector.broadcast %lt3A_87 : i32 to vector<1x2048xi32>
        %lt3A_89 = arith.cmpi slt, %get3A_2, %lt3A_88 : vector<1x2048xi32>
        %select_n3A = arith.select %lt3A_89, %add3A_77, %add3A_83 : vector<1x2048xi1>, vector<1x2048xf32>
        %select_n3A_90 = arith.select %lt3A_86, %sub3A_65, %select_n3A : vector<1x2048xi1>, vector<1x2048xf32>
        %mul3A_91 = arith.constant -0.693147182 : f32
        %mul3A_92 = vector.broadcast %mul3A_91 : f32 to vector<1x2048xf32>
        %mul3A_93 = arith.mulf %select_n3A_90, %mul3A_92 : vector<1x2048xf32>
        %swap3A = arith.constant 0 : index
        %swap3A_94 = arith.constant 0 : index
        %swap3A_95 = vector.load %arg16[%swap3A, %swap3A_94] : memref<1x2048xf32, #tpu.memory_space<vmem>>, vector<1x2048xf32>
        tpu.vector_store %arg16[%swap3A, %swap3A_94], %mul3A_93 {strides = array<i32>} : memref<1x2048xf32, #tpu.memory_space<vmem>>, vector<1x2048xf32>,
      } else {
      }
    } else {
    }
    return
  }
  func.func @transform_0(%arg0: i32, %arg1: i32, %arg2: memref<128xi32, #tpu.memory_space<smem>>) -> (i32, i32) {
    %c0_i32 = arith.constant 0 : i32
    %c0_i32_0 = arith.constant 0 : i32
    %c0_i32_1 = arith.constant 0 : i32
    return %c0_i32, %c0_i32_0 : i32, i32
  }
  func.func @transform_1(%arg0: i32, %arg1: i32, %arg2: memref<128xi32, #tpu.memory_space<smem>>) -> (i32, i32) {
    %c0_i32 = arith.constant 0 : i32
    %c0_i32_0 = arith.constant 0 : i32
    return %c0_i32, %arg1 : i32, i32
  }
  func.func @transform_2(%arg0: i32, %arg1: i32, %arg2: memref<128xi32, #tpu.memory_space<smem>>) -> (i32, i32) {
    %min3A = arith.constant 18 : i32
    %min3A_0 = arith.minsi %arg0, %min3A : i32
    %c0_i32 = arith.constant 0 : i32
    %c0_i32_1 = arith.constant 0 : i32
    return %min3A_0, %c0_i32 : i32, i32
  }
  func.func @transform_3(%arg0: i32, %arg1: i32, %arg2: memref<128xi32, #tpu.memory_space<smem>>) -> (i32, i32) {
    %c0_i32 = arith.constant 0 : i32
    %c0_i32_0 = arith.constant 0 : i32
    %c0_i32_1 = arith.constant 0 : i32
    return %c0_i32, %c0_i32_0 : i32, i32
  }
  func.func @transform_4(%arg0: i32, %arg1: i32, %arg2: memref<128xi32, #tpu.memory_space<smem>>) -> (i32, i32) {
    %c0_i32 = arith.constant 0 : i32
    %c0_i32_0 = arith.constant 0 : i32
    %c0_i32_1 = arith.constant 0 : i32
    return %c0_i32, %c0_i32_0 : i32, i32
  }
  func.func @transform_5(%arg0: i32, %arg1: i32, %arg2: memref<128xi32, #tpu.memory_space<smem>>) -> (i32, i32) {
    %c0_i32 = arith.constant 0 : i32
    %c0_i32_0 = arith.constant 0 : i32
    %c0_i32_1 = arith.constant 0 : i32
    return %c0_i32, %c0_i32_0 : i32, i32
  }
  func.func @transform_6(%arg0: i32, %arg1: i32, %arg2: memref<128xi32, #tpu.memory_space<smem>>) -> (i32, i32) {
    %c0_i32 = arith.constant 0 : i32
    %c0_i32_0 = arith.constant 0 : i32
    %c0_i32_1 = arith.constant 0 : i32
    return %c0_i32, %c0_i32_0 : i32, i32
  }
  func.func @transform_7(%arg0: i32, %arg1: i32, %arg2: memref<128xi32, #tpu.memory_space<smem>>) -> (i32, i32) {
    %sub3A = arith.constant 20 : i32
    %sub3A_0 = arith.subi %arg0, %sub3A : i32
    %jit3A = arith.constant 0 : i32
    %jit3A_1 = arith.constant 38 : i32
    %max3A = arith.maxsi %jit3A, %sub3A_0 : i32
    %min3A = arith.minsi %jit3A_1, %max3A : i32
    %c0_i32 = arith.constant 0 : i32
    %c0_i32_2 = arith.constant 0 : i32
    return %min3A, %c0_i32 : i32, i32
  }
  func.func @transform_8(%arg0: i32, %arg1: i32, %arg2: memref<128xi32, #tpu.memory_space<smem>>) -> (i32, i32) {
    %c0_i32 = arith.constant 0 : i32
    %c0_i32_0 = arith.constant 0 : i32
    %c0_i32_1 = arith.constant 0 : i32
    return %c0_i32, %c0_i32_0 : i32, i32
  }
  func.func @transform_9(%arg0: i32, %arg1: i32, %arg2: memref<128xi32, #tpu.memory_space<smem>>) -> (i32, i32) {
    %c0_i32 = arith.constant 0 : i32
    %c0_i32_0 = arith.constant 0 : i32
    %c0_i32_1 = arith.constant 0 : i32
    return %c0_i32, %c0_i32_0 : i32, i32
  }
  func.func @transform_10(%arg0: i32, %arg1: i32, %arg2: memref<128xi32, #tpu.memory_space<smem>>) -> (i32, i32) {
    %sub3A = arith.constant 20 : i32
    %sub3A_0 = arith.subi %arg0, %sub3A : i32
    %sub3A_1 = arith.constant 40 : i32
    %sub3A_2 = arith.subi %sub3A_0, %sub3A_1 : i32
    %jit3A = arith.constant 0 : i32
    %jit3A_3 = arith.constant 38 : i32
    %max3A = arith.maxsi %jit3A, %sub3A_2 : i32
    %min3A = arith.minsi %jit3A_3, %max3A : i32
    %c0_i32 = arith.constant 0 : i32
    %c0_i32_4 = arith.constant 0 : i32
    return %min3A, %c0_i32 : i32, i32
  }
  func.func @transform_11(%arg0: i32, %arg1: i32, %arg2: memref<128xi32, #tpu.memory_space<smem>>) -> (i32, i32) {
    %c0_i32 = arith.constant 0 : i32
    %c0_i32_0 = arith.constant 0 : i32
    %c0_i32_1 = arith.constant 0 : i32
    return %c0_i32, %c0_i32_0 : i32, i32
  }
  func.func @transform_12(%arg0: i32, %arg1: i32, %arg2: memref<128xi32, #tpu.memory_space<smem>>) -> (i32, i32) {
    %c0_i32 = arith.constant 0 : i32
    %c0_i32_0 = arith.constant 0 : i32
    %c0_i32_1 = arith.constant 0 : i32
    return %c0_i32, %c0_i32_0 : i32, i32
  }
  func.func @transform_13(%arg0: i32, %arg1: i32, %arg2: memref<128xi32, #tpu.memory_space<smem>>) -> (i32, i32) {
    %c0_i32 = arith.constant 0 : i32
    %c0_i32_0 = arith.constant 0 : i32
    return %c0_i32, %arg1 : i32, i32
  }
}

</mosaic_0001>

<sc_bundles>
// kernel: kernel.6.cloned.1.call-start
scs
__scs_entry_jumppad:
0x0: {  	(pc) =	sbr.rel $0x88, $3  }
0x1: {  	(tag) =	ssettag $0x0;
	lr =	simm.s32 $0x1  }
0x2: {  	[smem:$0x3F95] =	sst lr;
	_ =	strace $0xD0000000  }
0x3: {  	_ = 	snop  }
0x4: {  	_ = 	snop  }
0x5: {  	_ = 	snop  }
0x6: {  	_ = 	snop  }
0x7: {  	_ = 	snop  }
__scs_overlays_trampoline_lowered:
0x8: {  	[smem:$0x3FA4] =	sst s0  }
0x9: {  	[smem:$0x3FA5] =	sst s1  }
0xa: {  	[smem:$0x3FA6] =	sst s2  }
0xb: {  	[smem:$0x3FA7] =	sst s3  }
0xc: {  	[smem:$0x3FA8] =	sst s4  }
0xd: {  	[smem:$0x3FA9] =	sst s5  }
0xe: {  	[smem:$0x3FAA] =	sst s6  }
0xf: {  	[smem:$0x3FAB] =	sst s7  }
0x10: {  	[smem:$0x3FAC] =	sst s8  }
0x11: {  	[smem:$0x3FAD] =	sst s9;
	s0 =	simm.s32 @!p0 $0x0  }
0x12: {  	s1 =	sld [smem:$0x3F93];
	s0 =	simm.s32 @p0 $0x1  }
0x13: {  	[smem:$0x3FAE] =	sst s0;
	s0 =	simm.s32 @!p1 $0x0  }
0x14: {  	s2 =	sld [smem:$0x3F92];
	s0 =	simm.s32 @p1 $0x1  }
0x15: {  	[smem:$0x3FAF] =	sst s0;
	s0 =	simm.s32 @!p2 $0x0  }
0x16: {  	s3 =	sld [smem:$0x3FDB];
	s0 =	simm.s32 @p2 $0x1  }
0x17: {  	s4 =	simm.s32 $0x1BF5;
	[smem:$0x3FB1] =	sst s0  }
0x18: {  	s0 =	sld [smem:$0x3F94];
	_ =	swait.ge [sflag:s4], $0x0  }
0x19: {  	s7 =	sld [smem:$0x3F95]  }
0x1a: {  	s8 =	sadd.s32 $0xFFFFE003, lr  }
0x1b: {  	s9 =	sadd.s32 $0xFFFFFEF7, lr;
	s5 =	simm.s32 $0xFFFFFFFF;
	p2 =	slt.u32 s8, $0xFFFFF086  }
0x1c: {  	p1 =	slt.u32 s9, $0xF7A;
	s5 =	simm.s32 @!p2 $0x0  }
0x1d: {  	s5 =	simm.s32 @p1 $0x1;
	p0 =	seq.s32 s7, s2  }
0x1e: {  	s7 =	smul.u32 @!p0 $0xF7A, s2;
	p2 =	seq.s32 @!p0 s5, $0x0  }
0x1f: {  	s9 =	smul.u32 $0xF7A, s1;
	s8 =	simm.s32 @!p0 $0x1BF5;
	p2 =	por !p2, p0  }
0x20: {  	[sflag:s8] =	ssyncset.s32 @!p0 $0xFFFFF086;
	s6 =	sadd.s32 @!p0 s3, s7;
	s7 =	simm.s32 @!p0 $0x108  }
0x21: {  	s3 =	sadd.s32 s3, s9;
	s6 =	sadd.s32 @!p0 $0x88, s6;
	s7 =	simm.s32 @p2 $0x1082  }
0x22: {  	[simem:s7], [sflag:s8] =	dma.local @!p0 [hbm:s6], $0xF7A  }
0x23: {  	s9 =	sor.u32 $0xD0000000, s2;
	s6 =	simm.s32 $0x108;
	_ =	swait.ge @!p0 [sflag:s8], $0x0  }
0x24: {  	s3 =	sadd.s32 $0x88, s3;
	s6 =	simm.s32 @!p1 $0x1082;
	[sflag:s4] =	ssyncset.s32 $0xFFFFF086  }
0x25: {  	[simem:s6], [sflag:s4] =	dma.local [hbm:s3], $0xF7A  }
0x26: {  	[smem:$0x3F95] =	sst s1;
	(tag) =	ssettag s2;
	_ =	strace s9  }
0x27: {  	s1 =	sld [smem:$0x3FA5]  }
0x28: {  	s2 =	sld [smem:$0x3FA6]  }
0x29: {  	s4 =	sld [smem:$0x3FA8]  }
0x2a: {  	p0 =	seq.s32 s5, $0x0;
	s5 =	sld [smem:$0x3FA9]  }
0x2b: {  	s6 =	sld [smem:$0x3FAA]  }
0x2c: {  	s7 =	sld [smem:$0x3FAB]  }
0x2d: {  	s3 =	simm.s32 $0x108;
	s8 =	sld [smem:$0x3FAC]  }
0x2e: {  	s3 =	simm.s32 @!p0 $0x1082;
	s9 =	sld [smem:$0x3FAD]  }
0x2f: {  	lr =	sadd.s32 s0, s3;
	s0 =	sld [smem:$0x3FA4]  }
0x30: {  	s3 =	sld [smem:$0x3FA7]  }
0x31: {  	[smem:$0x3FB0] =	sst s10  }
0x32: {  	s10 =	sld [smem:$0x3FAE];
	_ =	sdelay $0x3  }
0x33: {  	p0 =	seq.s32 s10, $0x1;
	s10 =	sld [smem:$0x3FB0];
	_ =	sdelay $0x3  }
0x34: {  	[smem:$0x3FB0] =	sst s10  }
0x35: {  	s10 =	sld [smem:$0x3FAF];
	_ =	sdelay $0x3  }
0x36: {  	p1 =	seq.s32 s10, $0x1;
	s10 =	sld [smem:$0x3FB0];
	_ =	sdelay $0x3  }
0x37: {  	[smem:$0x3FB0] =	sst s10  }
0x38: {  	s10 =	sld [smem:$0x3FB1]  }
0x39: {  	_ = 	snop;
	(pc) =	sbr.ind lr, $3  }
0x3a: {  	_ = 	snop  }
0x3b: {  	_ = 	snop  }
0x3c: {  	p2 =	seq.s32 s10, $0x1;
	s10 =	sld [smem:$0x3FB0]  }
0x3d: {  	_ =	shalt  }
0x3e: {  	_ =	shalt  }
0x3f: {  	_ =	shalt  }
0x40: {  	_ =	shalt  }
0x41: {  	_ =	shalt  }
0x42: {  	_ =	shalt  }
0x43: {  	_ =	shalt  }
0x44: {  	_ =	shalt  }
0x45: {  	_ =	shalt  }
0x46: {  	_ =	shalt  }
0x47: {  	_ =	shalt  }
0x48: {  	_ =	shalt  }
0x49: {  	_ =	shalt  }
0x4a: {  	_ =	shalt  }
0x4b: {  	_ =	shalt  }
0x4c: {  	_ =	shalt  }
0x4d: {  	_ =	shalt  }
0x4e: {  	_ =	shalt  }
0x4f: {  	_ =	shalt  }
0x50: {  	_ =	shalt  }
0x51: {  	_ =	shalt  }
0x52: {  	_ =	shalt  }
0x53: {  	_ =	shalt  }
0x54: {  	_ =	shalt  }
0x55: {  	_ =	shalt  }
0x56: {  	_ =	shalt  }
0x57: {  	_ =	shalt  }
0x58: {  	_ =	shalt  }
0x59: {  	_ =	shalt  }
0x5a: {  	_ =	shalt  }
0x5b: {  	_ =	shalt  }
0x5c: {  	_ =	shalt  }
0x5d: {  	_ =	shalt  }
0x5e: {  	_ =	shalt  }
0x5f: {  	_ =	shalt  }
0x60: {  	_ =	shalt  }
0x61: {  	_ =	shalt  }
0x62: {  	_ =	shalt  }
0x63: {  	_ =	shalt  }
0x64: {  	_ =	shalt  }
0x65: {  	_ =	shalt  }
0x66: {  	_ =	shalt  }
0x67: {  	_ =	shalt  }
0x68: {  	_ =	shalt  }
0x69: {  	_ =	shalt  }
0x6a: {  	_ =	shalt  }
0x6b: {  	_ =	shalt  }
0x6c: {  	_ =	shalt  }
0x6d: {  	_ =	shalt  }
0x6e: {  	_ =	shalt  }
0x6f: {  	_ =	shalt  }
0x70: {  	_ =	shalt  }
0x71: {  	_ =	shalt  }
0x72: {  	_ =	shalt  }
0x73: {  	_ =	shalt  }
0x74: {  	_ =	shalt  }
0x75: {  	_ =	shalt  }
0x76: {  	_ =	shalt  }
0x77: {  	_ =	shalt  }
0x78: {  	_ =	shalt  }
0x79: {  	_ =	shalt  }
0x7a: {  	_ =	shalt  }
0x7b: {  	_ =	shalt  }
0x7c: {  	_ =	shalt  }
0x7d: {  	_ =	shalt  }
0x7e: {  	_ =	shalt  }
0x7f: {  	_ =	shalt  }
0x80: {  	_ =	shalt  }
0x81: {  	_ =	shalt  }
0x82: {  	_ =	shalt  }
0x83: {  	_ =	shalt  }
0x84: {  	_ =	shalt  }
0x85: {  	_ =	shalt  }
0x86: {  	_ =	shalt  }
0x87: {  	_ =	shalt  }
.Lfunc_end0:
.L_simem_size_0:
called_computation_lowered:
.L_overlay_start_0:
0x88: {  	s2 =	sld [smem:$0x3FD9]  }
0x89: {  	s3 =	sld [smem:$0x3FFE];
	_ =	sdelay $0x1  }
0x8a: {  	s1 =	srdreg.scid  }
0x8b: {  	s0 =	sand.u32 $0x1, s1  }
0x8c: {  	s17 =	sshll.u32 s0, $0xA;
	s2 =	sadd.s32 s3, s2  }
0x8d: {  	s2 =	sadd.s32 s2, s17  }
0x8e: {  	[smem:$0x3FBC] =	sst s2  }
0x8f: {  	_ = 	snop  }
0x90: {  	s2 =	sld [smem:$0x3FC9]  }
0x91: {  	s18 =	sld [smem:$0x3FC8]  }
0x92: {  	s4 =	sld [smem:$0x3FD0];
	(tm) =	ssettm $0x1  }
0x93: {  	s5 =	sld [smem:$0x3FFB];
	_ =	sdelay $0x3  }
0x94: {  	_ =	strace s5  }
0x95: {  	s5 =	sld [smem:$0x3FFC];
	_ =	sdelay $0x3  }
0x96: {  	_ =	strace s5  }
0x97: {  	s5 =	sld [smem:$0x3FFD];
	_ =	sdelay $0x3  }
0x98: {  	_ =	strace s5  }
0x99: {  	_ =	strace $0x8FFFFFFF  }
0x9a: {  	s19 =	sld [smem:$0x3FDB];
	_ =	sdelay $0x1  }
0x9b: {  	s6 =	simm.s32 $_scs_section_size  }
0x9c: {  	s7 =	simm.s32 $_size__tile_overlayer_lowered;
	s8 =	simm.s32 $_tile_overlayer_lowered  }
0x9d: {  	s22 =	simm.s32 $0x1BFF;
	s21 =	sshll.u32 s8, $0x1;
	s5 =	sadd.s32 s6, s19  }
0x9e: {  	s9 =	simm.s32 $0x0;
	s20 =	sshll.u32 s7, $0x1;
	s7 =	sadd.s32 s21, s5  }
0x9f: {  	[timem:s9], [sflag:s22] =	dma.local [hbm:s7], s20  }
0xa0: {  	_ =	swait.ge [sflag:s22], s20  }
0xa1: {  	s6 =	ssub.s32 $0x0, s20;
	[sflag:s22] =	ssyncset.done $0x0  }
0xa2: {  	[sflag:s22] =	ssyncadd.s32 s6;
	_ =	sdelay $0x1  }
0xa3: {  	s23 =	simm.s32 $0x1B8B  }
0xa4: {  	_ =	swait.ge [sflag:s23], $0x1  }
0xa5: {  	[sflag:s23] =	ssyncset.done $0x0  }
0xa6: {  	s25 =	simm.s32 $0x1B8E;
	s24 =	sld [smem:$0x3FFE];
	[sflag:s23] =	ssyncadd.s32 $0xFFFFFFFF  }
0xa7: {  	s26 =	simm.s32 $execute0_lowered;
	[smem:$0x3FD2] =	sst s25  }
0xa8: {  	s7 =	sshll.u32 s26, $0x1;
	_ =	strace $0x80000046;
	[dreg:$0x1] =	wrdreg $0xFFFFFFFF  }
0xa9: {  	s28 =	simm.s32 $_size_execute0_lowered;
	s5 =	sadd.s32 s5, s7;
	[dreg:$0x0] =	wrdreg $0x0  }
0xaa: {  	s7 =	sshll.u32 s28, $0x1;
	[dreg:$0x2] =	wrdreg s5  }
0xab: {  	[dreg:$0x3] =	wrdreg s7  }
0xac: {  	[dreg:$0x4] =	wrdreg $0xC0  }
0xad: {  	_ =	task [dreg:s9], $0x5FFFF  }
0xae: {  	[dreg:$0x1] =	wrdreg $0xFFFFFFFF  }
0xaf: {  	[dreg:$0x0] =	wrdreg $0x60  }
0xb0: {  	[dreg:$0x2] =	wrdreg s2  }
0xb1: {  	[dreg:$0x3] =	wrdreg s18  }
0xb2: {  	[dreg:$0x4] =	wrdreg s24  }
0xb3: {  	[dreg:$0x5] =	wrdreg s4  }
0xb4: {  	[dreg:$0x6] =	wrdreg $0x9  }
0xb5: {  	_ =	task.clear_ibuf [dreg:s9], $0x7FFFF;
	_ =	strace $0x90000046  }
0xb6: {  	s29 =	simm.s32 $0x9;
	_ =	strace $0x80000048  }
0xb7: {  	_ =	swait.ge [sflag:s29], $0x1  }
0xb8: {  	[sflag:s29] =	ssyncadd.s32 $0xFFFFFFFF  }
0xb9: {  	_ =	strace $0x90000048  }
0xba: {  	_ =	sfence  }
0xbb: {  	s30 =	sld [smem:$0x0];
	_ =	sdelay $0x2  }
0xbc: {  	s31 =	sshll.u32 s1, $0xD;
	s1 =	sshrl.u32 s1, $0x2  }
0xbd: {  	s3 =	sand.u32 $0x4000, s31;
	s1 =	sadd.s32 s1, s30  }
0xbe: {  	s0 =	sor.u32 s3, s0;
	s1 =	sshll.u32 s1, $0x11  }
0xbf: {  	s0 =	sor.u32 s1, s0  }
0xc0: {  	s0 =	sadd.s32 $0x8F2B, s0  }
0xc1: {  	[sflag:s0] =	ssyncadd.remote.s32 $0x1  }
0xc2: {  	_ =	sfence.sel $0xFFFF  }
0xc3: {  	[dreg:$0x0] =	wrdreg $0xFFFFFFFF;
	(pc) =	sbr.abs _section_cstart, $3  }
0xc4: {  	[dreg:$0x1] =	wrdreg $0xFFFFFFFF  }
0xc5: {  	_ =	task.clear_ibuf [dreg:s9], $0x2FFFF;
	_ =	strace $0x9FFFFFFF  }
0xc6: {  	(tm) =	ssettm $0x7FFFFFFF  }
0xc7: {  	_ =	shalt  }
tec
execute0_lowered:
.L_overlay_start_1:
0x0: {  	(tag) =	ssettag $0x1  }
0x1: {  	s0 =	rddreg [dreg:$0x0]  }
0x2: {  	s1 =	rddreg [dreg:$0x1]  }
0x3: {  	s2 =	rddreg [dreg:$0x2]  }
0x4: {  	s4 =	srdreg.scid;
	s3 =	simm.s32 $0x0;
	s6 =	stileid.u32  }
0x5: {  	s5 =	sand.u32 $0x1, s4;
	[smem:$0x7FF] =	sst s3;
	s16 =	sshll.u32 s6, $0x9  }
0x6: {  	s7 =	sadd.s32 $0x2A00, s2;
	s4 =	sadd.s32 $0x3000, s2;
	s17 =	sshll.u32 s5, $0x8  }
0x7: {  	_ =	strace $0x80000047;
	s5 =	ssub.s32 $0x2, s5;
	s6 =	sor.u32 s17, s16  }
0x8: {  	s11 =	sshrl.u32 s5, $0x1;
	s8 =	sshrl.u32 s6, $0x3;
	s10 =	sshll.u32 s6, $0x7  }
0x9: {  	s19 =	sor.u32 $0x40, s6;
	s20 =	ssub.s32 s5, s11;
	s5 =	sadd.s32 $0x3100, s2  }
0xa: {  	s23 =	sor.u32 $0x80, s6;
	s6 =	sor.u32 $0xC0, s6;
	s9 =	sadd.s32 s7, s8  }
0xb: {  	s18 =	sadd.s32 s0, s10;
	s8 =	sadd.s32 s1, s8;
	[dreg:$0x5] =	wrdreg s9  }
0xc: {  	s21 =	sshrl.u32 s19, $0x3;
	s24 =	sshrl.u32 s23, $0x3;
	[dreg:$0x6] =	wrdreg s18  }
0xd: {  	s11 =	sshll.u32 s23, $0x7;
	[dreg:$0x7] =	wrdreg s8;
	s22 =	sadd.s32 s7, s21  }
0xe: {  	s29 =	sshrl.u32 s6, $0x3;
	s8 =	sadd.s32 s1, s21;
	[dreg:$0x8] =	wrdreg s22  }
0xf: {  	s30 =	sshll.u32 s6, $0x7;
	s25 =	sadd.s32 s7, s24;
	[dreg:$0xa] =	wrdreg s8  }
0x10: {  	s6 =	sadd.s32 $0x3200, s2;
	s26 =	sadd.s32 s0, s11;
	[dreg:$0xb] =	wrdreg s25  }
0x11: {  	s10 =	simm.s32 $0x1;
	s28 =	sadd.s32 s1, s24;
	[dreg:$0xc] =	wrdreg s26  }
0x12: {  	s23 =	simm.s32 $0x2;
	s7 =	sadd.s32 s7, s29;
	[dreg:$0xd] =	wrdreg s28  }
0x13: {  	s9 =	sshll.u32 s19, $0x7;
	s31 =	sadd.s32 s1, s29;
	[dreg:$0xe] =	wrdreg s7  }
0x14: {  	v2 =	vlaneseq.u32;
	s11 =	simm.s32 $0x80;
	s9 =	sadd.s32 s0, s9;
	[dreg:$0x10] =	wrdreg s31  }
0x15: {  	vm0 =	vmmov $0xffff;
	v1 =	vshrl.u32 v2, $0x3;
	s0 =	sadd.s32 s0, s30;
	s7 =	sadd.s32 $0x3300, s2;
	[dreg:$0x9] =	wrdreg s9  }
0x16: {  	v0 =	vand.u32 $0x7, v2;
	v2 =	vor.u32 $0x8, v2;
	v1 =	vmul.u32 $0x8, v1;
	s8 =	smax.u32 s20, $0x1;
	[dreg:$0xf] =	wrdreg s0;
	s9 =	simm.s32 $0x3  }
.LBB2_1:
0x17: {  	s24 =	rddreg [dreg:$0x5]  }
0x18: {  	[tilespmem:s3], [sflag:$0x3] =	stream.linear.gather [hbm4b:s24+s3], $0x40, $0x38;
	[tilespmem:$0x10100] =	vst v63  }
0x19: {  	_ =	swait.ge [sflag:s9], $0x40  }
0x1a: {  	[sflag:s9] =	ssyncset.done $0x0  }
0x1b: {  	s29 =	rddreg [dreg:$0x6];
	[sflag:s9] =	ssyncadd.s32 $0xFFFFFFC0  }
0x1c: {  	[tilespmem:s11], [sflag:$0x3] =	stream.linear.gather [hbm4b:s29+s3], $0x10000, $0x38;
	[tilespmem:$0x10100] =	vst v63  }
0x1d: {  	_ =	swait.ge [sflag:s9], $0x10000  }
0x1e: {  	[sflag:s9] =	ssyncset.done $0x0  }
0x1f: {  	s0 =	simm.s32 $0x10080;
	s30 =	rddreg [dreg:$0x7];
	[sflag:s9] =	ssyncadd.s32 $0xFFFF0000  }
0x20: {  	[tilespmem:s0], [sflag:$0x3] =	stream.linear.gather [hbm4b:s30+s3], $0x40, $0x38;
	[tilespmem:$0x10100] =	vst v63  }
0x21: {  	_ =	swait.ge [sflag:s9], $0x40  }
0x22: {  	[sflag:s9] =	ssyncset.done $0x0  }
0x23: {  	[sflag:s9] =	ssyncadd.s32 $0xFFFFFFC0  }
0x24: {  	v3 =	vld [tilespmem:$0x0];
	_ =	sdelay $0x4  }
0x25: {  	v4 =	vshll.u32 v3, $0x3  }
0x26: {  	v3 =	vand.u32 $0x7, v3;
	v4 =	vand.u32 $0xFFFFFFC0, v4  }
0x27: {  	v3 =	vor.u32 v3, v4  }
0x28: {  	v4 =	vperm.xlane v3, v0;
	_ =	sdelay $0x1  }
0x29: {  	v4 =	vadd.s32 v1, v4;
	_ =	sdelay $0x4  }
0x2a: {  	[hbm4b:s4+s3] =	stream.indirect_vreg.scatter [tilespmem:s11], [sflag:$0x1], $0x80, v4, vm0, $0xb8;
	[tilespmem:$0x10100] =	vst v63  }
0x2b: {  	s31 =	simm.s32 $0x880;
	v3 =	vperm.xlane v3, v2  }
0x2c: {  	[hbm4b:s5+s3] =	stream.indirect_vreg.scatter [tilespmem:s31], [sflag:$0x1], $0x80, v4, vm0, $0xb8;
	[tilespmem:$0x10100] =	vst v63  }
0x2d: {  	s1 =	simm.s32 $0x1080;
	v3 =	vadd.s32 v1, v3  }
0x2e: {  	[hbm4b:s6+s3] =	stream.indirect_vreg.scatter [tilespmem:s1], [sflag:$0x1], $0x80, v4, vm0, $0xb8;
	[tilespmem:$0x10100] =	vst v63  }
0x2f: {  	s2 =	simm.s32 $0x1880  }
0x30: {  	[hbm4b:s7+s3] =	stream.indirect_vreg.scatter [tilespmem:s2], [sflag:$0x1], $0x80, v4, vm0, $0xb8;
	[tilespmem:$0x10100] =	vst v63  }
0x31: {  	s12 =	simm.s32 $0x2080  }
0x32: {  	[hbm4b:s4+s3] =	stream.indirect_vreg.scatter [tilespmem:s12], [sflag:$0x1], $0x80, v3, vm0, $0xb8;
	[tilespmem:$0x10100] =	vst v63  }
0x33: {  	s13 =	simm.s32 $0x2880  }
0x34: {  	[hbm4b:s5+s3] =	stream.indirect_vreg.scatter [tilespmem:s13], [sflag:$0x1], $0x80, v3, vm0, $0xb8;
	[tilespmem:$0x10100] =	vst v63  }
0x35: {  	s14 =	simm.s32 $0x3080  }
0x36: {  	[hbm4b:s6+s3] =	stream.indirect_vreg.scatter [tilespmem:s14], [sflag:$0x1], $0x80, v3, vm0, $0xb8;
	[tilespmem:$0x10100] =	vst v63  }
0x37: {  	s15 =	simm.s32 $0x3880  }
0x38: {  	[hbm4b:s7+s3] =	stream.indirect_vreg.scatter [tilespmem:s15], [sflag:$0x1], $0x80, v3, vm0, $0xb8;
	[tilespmem:$0x10100] =	vst v63  }
0x39: {  	v3 =	vld [tilespmem:$0x10];
	_ =	sdelay $0x4  }
0x3a: {  	v49 =	vshll.u32 v3, $0x3  }
0x3b: {  	v3 =	vand.u32 $0x7, v3;
	v4 =	vand.u32 $0xFFFFFFC0, v49  }
0x3c: {  	v3 =	vor.u32 v3, v4  }
0x3d: {  	v4 =	vperm.xlane v3, v0;
	_ =	sdelay $0x1  }
0x3e: {  	v4 =	vadd.s32 v1, v4;
	_ =	sdelay $0x3  }
0x3f: {  	s16 =	simm.s32 $0x4080  }
0x40: {  	[hbm4b:s4+s3] =	stream.indirect_vreg.scatter [tilespmem:s16], [sflag:$0x1], $0x80, v4, vm0, $0xb8;
	[tilespmem:$0x10100] =	vst v63  }
0x41: {  	s17 =	simm.s32 $0x4880;
	v3 =	vperm.xlane v3, v2  }
0x42: {  	[hbm4b:s5+s3] =	stream.indirect_vreg.scatter [tilespmem:s17], [sflag:$0x1], $0x80, v4, vm0, $0xb8;
	[tilespmem:$0x10100] =	vst v63  }
0x43: {  	s18 =	simm.s32 $0x5080;
	v3 =	vadd.s32 v1, v3  }
0x44: {  	[hbm4b:s6+s3] =	stream.indirect_vreg.scatter [tilespmem:s18], [sflag:$0x1], $0x80, v4, vm0, $0xb8;
	[tilespmem:$0x10100] =	vst v63  }
0x45: {  	s21 =	simm.s32 $0x5880  }
0x46: {  	[hbm4b:s7+s3] =	stream.indirect_vreg.scatter [tilespmem:s21], [sflag:$0x1], $0x80, v4, vm0, $0xb8;
	[tilespmem:$0x10100] =	vst v63  }
0x47: {  	s22 =	simm.s32 $0x6080  }
0x48: {  	[hbm4b:s4+s3] =	stream.indirect_vreg.scatter [tilespmem:s22], [sflag:$0x1], $0x80, v3, vm0, $0xb8;
	[tilespmem:$0x10100] =	vst v63  }
0x49: {  	s24 =	simm.s32 $0x6880  }
0x4a: {  	[hbm4b:s5+s3] =	stream.indirect_vreg.scatter [tilespmem:s24], [sflag:$0x1], $0x80, v3, vm0, $0xb8;
	[tilespmem:$0x10100] =	vst v63  }
0x4b: {  	s25 =	simm.s32 $0x7080  }
0x4c: {  	[hbm4b:s6+s3] =	stream.indirect_vreg.scatter [tilespmem:s25], [sflag:$0x1], $0x80, v3, vm0, $0xb8;
	[tilespmem:$0x10100] =	vst v63  }
0x4d: {  	s26 =	simm.s32 $0x7880  }
0x4e: {  	[hbm4b:s7+s3] =	stream.indirect_vreg.scatter [tilespmem:s26], [sflag:$0x1], $0x80, v3, vm0, $0xb8;
	[tilespmem:$0x10100] =	vst v63  }
0x4f: {  	v3 =	vld [tilespmem:$0x20];
	_ =	sdelay $0x4  }
0x50: {  	v50 =	vshll.u32 v3, $0x3  }
0x51: {  	v3 =	vand.u32 $0x7, v3;
	v4 =	vand.u32 $0xFFFFFFC0, v50  }
0x52: {  	v3 =	vor.u32 v3, v4  }
0x53: {  	v4 =	vperm.xlane v3, v0;
	_ =	sdelay $0x1  }
0x54: {  	v4 =	vadd.s32 v1, v4;
	_ =	sdelay $0x3  }
0x55: {  	s28 =	simm.s32 $0x8080  }
0x56: {  	[hbm4b:s4+s3] =	stream.indirect_vreg.scatter [tilespmem:s28], [sflag:$0x1], $0x80, v4, vm0, $0xb8;
	[tilespmem:$0x10100] =	vst v63  }
0x57: {  	s29 =	simm.s32 $0x8880;
	v3 =	vperm.xlane v3, v2  }
0x58: {  	[hbm4b:s5+s3] =	stream.indirect_vreg.scatter [tilespmem:s29], [sflag:$0x1], $0x80, v4, vm0, $0xb8;
	[tilespmem:$0x10100] =	vst v63  }
0x59: {  	s30 =	simm.s32 $0x9080;
	v3 =	vadd.s32 v1, v3  }
0x5a: {  	[hbm4b:s6+s3] =	stream.indirect_vreg.scatter [tilespmem:s30], [sflag:$0x1], $0x80, v4, vm0, $0xb8;
	[tilespmem:$0x10100] =	vst v63  }
0x5b: {  	s31 =	simm.s32 $0x9880  }
0x5c: {  	[hbm4b:s7+s3] =	stream.indirect_vreg.scatter [tilespmem:s31], [sflag:$0x1], $0x80, v4, vm0, $0xb8;
	[tilespmem:$0x10100] =	vst v63  }
0x5d: {  	s12 =	simm.s32 $0xA080  }
0x5e: {  	[hbm4b:s4+s3] =	stream.indirect_vreg.scatter [tilespmem:s12], [sflag:$0x1], $0x80, v3, vm0, $0xb8;
	[tilespmem:$0x10100] =	vst v63  }
0x5f: {  	s21 =	simm.s32 $0xA880  }
0x60: {  	[hbm4b:s5+s3] =	stream.indirect_vreg.scatter [tilespmem:s21], [sflag:$0x1], $0x80, v3, vm0, $0xb8;
	[tilespmem:$0x10100] =	vst v63  }
0x61: {  	s22 =	simm.s32 $0xB080  }
0x62: {  	[hbm4b:s6+s3] =	stream.indirect_vreg.scatter [tilespmem:s22], [sflag:$0x1], $0x80, v3, vm0, $0xb8;
	[tilespmem:$0x10100] =	vst v63  }
0x63: {  	s24 =	simm.s32 $0xB880  }
0x64: {  	[hbm4b:s7+s3] =	stream.indirect_vreg.scatter [tilespmem:s24], [sflag:$0x1], $0x80, v3, vm0, $0xb8;
	[tilespmem:$0x10100] =	vst v63  }
0x65: {  	v3 =	vld [tilespmem:$0x30];
	_ =	sdelay $0x4  }
0x66: {  	v51 =	vshll.u32 v3, $0x3  }
0x67: {  	v3 =	vand.u32 $0x7, v3;
	v4 =	vand.u32 $0xFFFFFFC0, v51  }
0x68: {  	v3 =	vor.u32 v3, v4  }
0x69: {  	v4 =	vperm.xlane v3, v0;
	_ =	sdelay $0x1  }
0x6a: {  	v4 =	vadd.s32 v1, v4;
	_ =	sdelay $0x3  }
0x6b: {  	s25 =	simm.s32 $0xC080  }
0x6c: {  	[hbm4b:s4+s3] =	stream.indirect_vreg.scatter [tilespmem:s25], [sflag:$0x1], $0x80, v4, vm0, $0xb8;
	[tilespmem:$0x10100] =	vst v63  }
0x6d: {  	s26 =	simm.s32 $0xC880;
	v3 =	vperm.xlane v3, v2  }
0x6e: {  	[hbm4b:s5+s3] =	stream.indirect_vreg.scatter [tilespmem:s26], [sflag:$0x1], $0x80, v4, vm0, $0xb8;
	[tilespmem:$0x10100] =	vst v63  }
0x6f: {  	s28 =	simm.s32 $0xD080;
	v3 =	vadd.s32 v1, v3  }
0x70: {  	[hbm4b:s6+s3] =	stream.indirect_vreg.scatter [tilespmem:s28], [sflag:$0x1], $0x80, v4, vm0, $0xb8;
	[tilespmem:$0x10100] =	vst v63  }
0x71: {  	s30 =	simm.s32 $0xD880  }
0x72: {  	[hbm4b:s7+s3] =	stream.indirect_vreg.scatter [tilespmem:s30], [sflag:$0x1], $0x80, v4, vm0, $0xb8;
	[tilespmem:$0x10100] =	vst v63  }
0x73: {  	s31 =	simm.s32 $0xE080  }
0x74: {  	[hbm4b:s4+s3] =	stream.indirect_vreg.scatter [tilespmem:s31], [sflag:$0x1], $0x80, v3, vm0, $0xb8;
	[tilespmem:$0x10100] =	vst v63  }
0x75: {  	s12 =	simm.s32 $0xE880  }
0x76: {  	[hbm4b:s5+s3] =	stream.indirect_vreg.scatter [tilespmem:s12], [sflag:$0x1], $0x80, v3, vm0, $0xb8;
	[tilespmem:$0x10100] =	vst v63  }
0x77: {  	s21 =	simm.s32 $0xF080  }
0x78: {  	[hbm4b:s6+s3] =	stream.indirect_vreg.scatter [tilespmem:s21], [sflag:$0x1], $0x80, v3, vm0, $0xb8;
	[tilespmem:$0x10100] =	vst v63  }
0x79: {  	s22 =	simm.s32 $0xF880  }
0x7a: {  	[hbm4b:s7+s3] =	stream.indirect_vreg.scatter [tilespmem:s22], [sflag:$0x1], $0x80, v3, vm0, $0xb8;
	[tilespmem:$0x10100] =	vst v63  }
0x7b: {  	_ =	swait.ge [sflag:s10], $0x10000  }
0x7c: {  	[sflag:s10] =	ssyncset.done $0x0  }
0x7d: {  	[sflag:s10] =	ssyncadd.s32 $0xFFFF0000  }
0x7e: {  	s24 =	simm.s32 $0x40;
	s12 =	simm.s32 $0x10080;
	s21 =	rddreg [dreg:$0x3]  }
0x7f: {  	[hbm4b:s21+s24] =	stream.indirect.scatter [tilespmem:s12], [sflag:$0x2], $0x1, s3, s24, $0xb8;
	[tilespmem:$0x10100] =	vst v63  }
0x80: {  	_ =	swait.ge [sflag:s23], $0x40  }
0x81: {  	[sflag:s23] =	ssyncset.done $0x0  }
0x82: {  	s25 =	rddreg [dreg:$0x8];
	[sflag:s23] =	ssyncadd.s32 $0xFFFFFFC0  }
0x83: {  	[tilespmem:s3], [sflag:$0x3] =	stream.linear.gather [hbm4b:s25+s3], $0x40, $0x38;
	[tilespmem:$0x10100] =	vst v63  }
0x84: {  	_ =	swait.ge [sflag:s9], $0x40  }
0x85: {  	[sflag:s9] =	ssyncset.done $0x0  }
0x86: {  	s26 =	rddreg [dreg:$0x9];
	[sflag:s9] =	ssyncadd.s32 $0xFFFFFFC0  }
0x87: {  	[tilespmem:s11], [sflag:$0x3] =	stream.linear.gather [hbm4b:s26+s3], $0x10000, $0x38;
	[tilespmem:$0x10100] =	vst v63  }
0x88: {  	_ =	swait.ge [sflag:s9], $0x10000  }
0x89: {  	[sflag:s9] =	ssyncset.done $0x0  }
0x8a: {  	s28 =	rddreg [dreg:$0xa];
	[sflag:s9] =	ssyncadd.s32 $0xFFFF0000  }
0x8b: {  	[tilespmem:s12], [sflag:$0x3] =	stream.linear.gather [hbm4b:s28+s3], $0x40, $0x38;
	[tilespmem:$0x10100] =	vst v63  }
0x8c: {  	_ =	swait.ge [sflag:s9], $0x40  }
0x8d: {  	[sflag:s9] =	ssyncset.done $0x0  }
0x8e: {  	[sflag:s9] =	ssyncadd.s32 $0xFFFFFFC0  }
0x8f: {  	v3 =	vld [tilespmem:$0x0];
	_ =	sdelay $0x4  }
0x90: {  	v52 =	vshll.u32 v3, $0x3  }
0x91: {  	v3 =	vand.u32 $0x7, v3;
	v4 =	vand.u32 $0xFFFFFFC0, v52  }
0x92: {  	v3 =	vor.u32 v3, v4  }
0x93: {  	v4 =	vperm.xlane v3, v0;
	_ =	sdelay $0x1  }
0x94: {  	v4 =	vadd.s32 v1, v4;
	_ =	sdelay $0x4  }
0x95: {  	[hbm4b:s4+s3] =	stream.indirect_vreg.scatter [tilespmem:s11], [sflag:$0x1], $0x80, v4, vm0, $0xb8;
	[tilespmem:$0x10100] =	vst v63  }
0x96: {  	s19 =	simm.s32 $0x880;
	v3 =	vperm.xlane v3, v2  }
0x97: {  	[hbm4b:s5+s3] =	stream.indirect_vreg.scatter [tilespmem:s19], [sflag:$0x1], $0x80, v4, vm0, $0xb8;
	[tilespmem:$0x10100] =	vst v63  }
0x98: {  	s1 =	simm.s32 $0x1080;
	v3 =	vadd.s32 v1, v3  }
0x99: {  	[hbm4b:s6+s3] =	stream.indirect_vreg.scatter [tilespmem:s1], [sflag:$0x1], $0x80, v4, vm0, $0xb8;
	[tilespmem:$0x10100] =	vst v63  }
0x9a: {  	s20 =	simm.s32 $0x1880  }
0x9b: {  	[hbm4b:s7+s3] =	stream.indirect_vreg.scatter [tilespmem:s20], [sflag:$0x1], $0x80, v4, vm0, $0xb8;
	[tilespmem:$0x10100] =	vst v63  }
0x9c: {  	s2 =	simm.s32 $0x2080  }
0x9d: {  	[hbm4b:s4+s3] =	stream.indirect_vreg.scatter [tilespmem:s2], [sflag:$0x1], $0x80, v3, vm0, $0xb8;
	[tilespmem:$0x10100] =	vst v63  }
0x9e: {  	s13 =	simm.s32 $0x2880  }
0x9f: {  	[hbm4b:s5+s3] =	stream.indirect_vreg.scatter [tilespmem:s13], [sflag:$0x1], $0x80, v3, vm0, $0xb8;
	[tilespmem:$0x10100] =	vst v63  }
0xa0: {  	s25 =	simm.s32 $0x3080  }
0xa1: {  	[hbm4b:s6+s3] =	stream.indirect_vreg.scatter [tilespmem:s25], [sflag:$0x1], $0x80, v3, vm0, $0xb8;
	[tilespmem:$0x10100] =	vst v63  }
0xa2: {  	s14 =	simm.s32 $0x3880  }
0xa3: {  	[hbm4b:s7+s3] =	stream.indirect_vreg.scatter [tilespmem:s14], [sflag:$0x1], $0x80, v3, vm0, $0xb8;
	[tilespmem:$0x10100] =	vst v63  }
0xa4: {  	v3 =	vld [tilespmem:$0x10];
	_ =	sdelay $0x4  }
0xa5: {  	v53 =	vshll.u32 v3, $0x3  }
0xa6: {  	v3 =	vand.u32 $0x7, v3;
	v4 =	vand.u32 $0xFFFFFFC0, v53  }
0xa7: {  	v3 =	vor.u32 v3, v4  }
0xa8: {  	v4 =	vperm.xlane v3, v0;
	_ =	sdelay $0x1  }
0xa9: {  	v4 =	vadd.s32 v1, v4;
	_ =	sdelay $0x3  }
0xaa: {  	s15 =	simm.s32 $0x4080  }
0xab: {  	[hbm4b:s4+s3] =	stream.indirect_vreg.scatter [tilespmem:s15], [sflag:$0x1], $0x80, v4, vm0, $0xb8;
	[tilespmem:$0x10100] =	vst v63  }
0xac: {  	s16 =	simm.s32 $0x4880;
	v3 =	vperm.xlane v3, v2  }
0xad: {  	[hbm4b:s5+s3] =	stream.indirect_vreg.scatter [tilespmem:s16], [sflag:$0x1], $0x80, v4, vm0, $0xb8;
	[tilespmem:$0x10100] =	vst v63  }
0xae: {  	s19 =	simm.s32 $0x5080;
	v3 =	vadd.s32 v1, v3  }
0xaf: {  	[hbm4b:s6+s3] =	stream.indirect_vreg.scatter [tilespmem:s19], [sflag:$0x1], $0x80, v4, vm0, $0xb8;
	[tilespmem:$0x10100] =	vst v63  }
0xb0: {  	s20 =	simm.s32 $0x5880  }
0xb1: {  	[hbm4b:s7+s3] =	stream.indirect_vreg.scatter [tilespmem:s20], [sflag:$0x1], $0x80, v4, vm0, $0xb8;
	[tilespmem:$0x10100] =	vst v63  }
0xb2: {  	s22 =	simm.s32 $0x6080  }
0xb3: {  	[hbm4b:s4+s3] =	stream.indirect_vreg.scatter [tilespmem:s22], [sflag:$0x1], $0x80, v3, vm0, $0xb8;
	[tilespmem:$0x10100] =	vst v63  }
0xb4: {  	s26 =	simm.s32 $0x6880  }
0xb5: {  	[hbm4b:s5+s3] =	stream.indirect_vreg.scatter [tilespmem:s26], [sflag:$0x1], $0x80, v3, vm0, $0xb8;
	[tilespmem:$0x10100] =	vst v63  }
0xb6: {  	s28 =	simm.s32 $0x7080  }
0xb7: {  	[hbm4b:s6+s3] =	stream.indirect_vreg.scatter [tilespmem:s28], [sflag:$0x1], $0x80, v3, vm0, $0xb8;
	[tilespmem:$0x10100] =	vst v63  }
0xb8: {  	s17 =	simm.s32 $0x7880  }
0xb9: {  	[hbm4b:s7+s3] =	stream.indirect_vreg.scatter [tilespmem:s17], [sflag:$0x1], $0x80, v3, vm0, $0xb8;
	[tilespmem:$0x10100] =	vst v63  }
0xba: {  	v3 =	vld [tilespmem:$0x20];
	_ =	sdelay $0x4  }
0xbb: {  	v54 =	vshll.u32 v3, $0x3  }
0xbc: {  	v3 =	vand.u32 $0x7, v3;
	v4 =	vand.u32 $0xFFFFFFC0, v54  }
0xbd: {  	v3 =	vor.u32 v3, v4  }
0xbe: {  	v4 =	vperm.xlane v3, v0;
	_ =	sdelay $0x1  }
0xbf: {  	v4 =	vadd.s32 v1, v4;
	_ =	sdelay $0x3  }
0xc0: {  	s18 =	simm.s32 $0x8080  }
0xc1: {  	[hbm4b:s4+s3] =	stream.indirect_vreg.scatter [tilespmem:s18], [sflag:$0x1], $0x80, v4, vm0, $0xb8;
	[tilespmem:$0x10100] =	vst v63  }
0xc2: {  	s29 =	simm.s32 $0x8880;
	v3 =	vperm.xlane v3, v2  }
0xc3: {  	[hbm4b:s5+s3] =	stream.indirect_vreg.scatter [tilespmem:s29], [sflag:$0x1], $0x80, v4, vm0, $0xb8;
	[tilespmem:$0x10100] =	vst v63  }
0xc4: {  	v3 =	vadd.s32 v1, v3;
	s29 =	simm.s32 $0x9080  }
0xc5: {  	[hbm4b:s6+s3] =	stream.indirect_vreg.scatter [tilespmem:s29], [sflag:$0x1], $0x80, v4, vm0, $0xb8;
	[tilespmem:$0x10100] =	vst v63  }
0xc6: {  	s30 =	simm.s32 $0x9880  }
0xc7: {  	[hbm4b:s7+s3] =	stream.indirect_vreg.scatter [tilespmem:s30], [sflag:$0x1], $0x80, v4, vm0, $0xb8;
	[tilespmem:$0x10100] =	vst v63  }
0xc8: {  	s31 =	simm.s32 $0xA080  }
0xc9: {  	[hbm4b:s4+s3] =	stream.indirect_vreg.scatter [tilespmem:s31], [sflag:$0x1], $0x80, v3, vm0, $0xb8;
	[tilespmem:$0x10100] =	vst v63  }
0xca: {  	s2 =	simm.s32 $0xA880  }
0xcb: {  	[hbm4b:s5+s3] =	stream.indirect_vreg.scatter [tilespmem:s2], [sflag:$0x1], $0x80, v3, vm0, $0xb8;
	[tilespmem:$0x10100] =	vst v63  }
0xcc: {  	s13 =	simm.s32 $0xB080  }
0xcd: {  	[hbm4b:s6+s3] =	stream.indirect_vreg.scatter [tilespmem:s13], [sflag:$0x1], $0x80, v3, vm0, $0xb8;
	[tilespmem:$0x10100] =	vst v63  }
0xce: {  	s30 =	simm.s32 $0xB880  }
0xcf: {  	[hbm4b:s7+s3] =	stream.indirect_vreg.scatter [tilespmem:s30], [sflag:$0x1], $0x80, v3, vm0, $0xb8;
	[tilespmem:$0x10100] =	vst v63  }
0xd0: {  	v3 =	vld [tilespmem:$0x30];
	_ =	sdelay $0x4  }
0xd1: {  	v55 =	vshll.u32 v3, $0x3  }
0xd2: {  	v3 =	vand.u32 $0x7, v3;
	v4 =	vand.u32 $0xFFFFFFC0, v55  }
0xd3: {  	v3 =	vor.u32 v3, v4  }
0xd4: {  	v4 =	vperm.xlane v3, v0;
	_ =	sdelay $0x1  }
0xd5: {  	v4 =	vadd.s32 v1, v4;
	_ =	sdelay $0x3  }
0xd6: {  	s31 =	simm.s32 $0xC080  }
0xd7: {  	[hbm4b:s4+s3] =	stream.indirect_vreg.scatter [tilespmem:s31], [sflag:$0x1], $0x80, v4, vm0, $0xb8;
	[tilespmem:$0x10100] =	vst v63  }
0xd8: {  	s12 =	simm.s32 $0xC880;
	v3 =	vperm.xlane v3, v2  }
0xd9: {  	[hbm4b:s5+s3] =	stream.indirect_vreg.scatter [tilespmem:s12], [sflag:$0x1], $0x80, v4, vm0, $0xb8;
	[tilespmem:$0x10100] =	vst v63  }
0xda: {  	s14 =	simm.s32 $0xD080;
	v3 =	vadd.s32 v1, v3  }
0xdb: {  	[hbm4b:s6+s3] =	stream.indirect_vreg.scatter [tilespmem:s14], [sflag:$0x1], $0x80, v4, vm0, $0xb8;
	[tilespmem:$0x10100] =	vst v63  }
0xdc: {  	s15 =	simm.s32 $0xD880  }
0xdd: {  	[hbm4b:s7+s3] =	stream.indirect_vreg.scatter [tilespmem:s15], [sflag:$0x1], $0x80, v4, vm0, $0xb8;
	[tilespmem:$0x10100] =	vst v63  }
0xde: {  	s16 =	simm.s32 $0xE080  }
0xdf: {  	[hbm4b:s4+s3] =	stream.indirect_vreg.scatter [tilespmem:s16], [sflag:$0x1], $0x80, v3, vm0, $0xb8;
	[tilespmem:$0x10100] =	vst v63  }
0xe0: {  	s17 =	simm.s32 $0xE880  }
0xe1: {  	[hbm4b:s5+s3] =	stream.indirect_vreg.scatter [tilespmem:s17], [sflag:$0x1], $0x80, v3, vm0, $0xb8;
	[tilespmem:$0x10100] =	vst v63  }
0xe2: {  	s18 =	simm.s32 $0xF080  }
0xe3: {  	[hbm4b:s6+s3] =	stream.indirect_vreg.scatter [tilespmem:s18], [sflag:$0x1], $0x80, v3, vm0, $0xb8;
	[tilespmem:$0x10100] =	vst v63  }
0xe4: {  	s1 =	simm.s32 $0xF880  }
0xe5: {  	[hbm4b:s7+s3] =	stream.indirect_vreg.scatter [tilespmem:s1], [sflag:$0x1], $0x80, v3, vm0, $0xb8;
	[tilespmem:$0x10100] =	vst v63  }
0xe6: {  	_ =	swait.ge [sflag:s10], $0x10000  }
0xe7: {  	s0 =	smov.u32 s21;
	[sflag:s10] =	ssyncset.done $0x0  }
0xe8: {  	s21 =	simm.s32 $0x10080;
	s1 =	simm.s32 $0x40;
	[sflag:s10] =	ssyncadd.s32 $0xFFFF0000  }
0xe9: {  	[hbm4b:s0+s1] =	stream.indirect.scatter [tilespmem:s21], [sflag:$0x2], $0x1, s3, s1, $0xb8;
	[tilespmem:$0x10100] =	vst v63  }
0xea: {  	_ =	swait.ge [sflag:s23], $0x40  }
0xeb: {  	[sflag:s23] =	ssyncset.done $0x0  }
0xec: {  	s24 =	rddreg [dreg:$0xb];
	[sflag:s23] =	ssyncadd.s32 $0xFFFFFFC0  }
0xed: {  	[tilespmem:s3], [sflag:$0x3] =	stream.linear.gather [hbm4b:s24+s3], $0x40, $0x38;
	[tilespmem:$0x10100] =	vst v63  }
0xee: {  	_ =	swait.ge [sflag:s9], $0x40  }
0xef: {  	[sflag:s9] =	ssyncset.done $0x0  }
0xf0: {  	s24 =	rddreg [dreg:$0xc];
	[sflag:s9] =	ssyncadd.s32 $0xFFFFFFC0  }
0xf1: {  	[tilespmem:s11], [sflag:$0x3] =	stream.linear.gather [hbm4b:s24+s3], $0x10000, $0x38;
	[tilespmem:$0x10100] =	vst v63  }
0xf2: {  	_ =	swait.ge [sflag:s9], $0x10000  }
0xf3: {  	[sflag:s9] =	ssyncset.done $0x0  }
0xf4: {  	s24 =	rddreg [dreg:$0xd];
	[sflag:s9] =	ssyncadd.s32 $0xFFFF0000  }
0xf5: {  	[tilespmem:s21], [sflag:$0x3] =	stream.linear.gather [hbm4b:s24+s3], $0x40, $0x38;
	[tilespmem:$0x10100] =	vst v63  }
0xf6: {  	_ =	swait.ge [sflag:s9], $0x40  }
0xf7: {  	[sflag:s9] =	ssyncset.done $0x0  }
0xf8: {  	[sflag:s9] =	ssyncadd.s32 $0xFFFFFFC0  }
0xf9: {  	v3 =	vld [tilespmem:$0x0];
	_ =	sdelay $0x4  }
0xfa: {  	v56 =	vshll.u32 v3, $0x3  }
0xfb: {  	v3 =	vand.u32 $0x7, v3;
	v4 =	vand.u32 $0xFFFFFFC0, v56  }
0xfc: {  	v3 =	vor.u32 v3, v4  }
0xfd: {  	v4 =	vperm.xlane v3, v0;
	_ =	sdelay $0x1  }
0xfe: {  	v4 =	vadd.s32 v1, v4;
	_ =	sdelay $0x4  }
0xff: {  	[hbm4b:s4+s3] =	stream.indirect_vreg.scatter [tilespmem:s11], [sflag:$0x1], $0x80, v4, vm0, $0xb8;
	[tilespmem:$0x10100] =	vst v63  }
0x100: {  	s24 =	simm.s32 $0x880;
	v3 =	vperm.xlane v3, v2  }
0x101: {  	[hbm4b:s5+s3] =	stream.indirect_vreg.scatter [tilespmem:s24], [sflag:$0x1], $0x80, v4, vm0, $0xb8;
	[tilespmem:$0x10100] =	vst v63  }
0x102: {  	v3 =	vadd.s32 v1, v3;
	s24 =	simm.s32 $0x1080  }
0x103: {  	[hbm4b:s6+s3] =	stream.indirect_vreg.scatter [tilespmem:s24], [sflag:$0x1], $0x80, v4, vm0, $0xb8;
	[tilespmem:$0x10100] =	vst v63  }
0x104: {  	s24 =	simm.s32 $0x1880  }
0x105: {  	[hbm4b:s7+s3] =	stream.indirect_vreg.scatter [tilespmem:s24], [sflag:$0x1], $0x80, v4, vm0, $0xb8;
	[tilespmem:$0x10100] =	vst v63  }
0x106: {  	s24 =	simm.s32 $0x2080  }
0x107: {  	[hbm4b:s4+s3] =	stream.indirect_vreg.scatter [tilespmem:s24], [sflag:$0x1], $0x80, v3, vm0, $0xb8;
	[tilespmem:$0x10100] =	vst v63  }
0x108: {  	s24 =	simm.s32 $0x2880  }
0x109: {  	[hbm4b:s5+s3] =	stream.indirect_vreg.scatter [tilespmem:s24], [sflag:$0x1], $0x80, v3, vm0, $0xb8;
	[tilespmem:$0x10100] =	vst v63  }
0x10a: {  	_ = 	snop  }
0x10b: {  	[hbm4b:s6+s3] =	stream.indirect_vreg.scatter [tilespmem:s25], [sflag:$0x1], $0x80, v3, vm0, $0xb8;
	[tilespmem:$0x10100] =	vst v63  }
0x10c: {  	s24 =	simm.s32 $0x3880  }
0x10d: {  	[hbm4b:s7+s3] =	stream.indirect_vreg.scatter [tilespmem:s24], [sflag:$0x1], $0x80, v3, vm0, $0xb8;
	[tilespmem:$0x10100] =	vst v63  }
0x10e: {  	v3 =	vld [tilespmem:$0x10];
	_ =	sdelay $0x4  }
0x10f: {  	v57 =	vshll.u32 v3, $0x3  }
0x110: {  	v3 =	vand.u32 $0x7, v3;
	v4 =	vand.u32 $0xFFFFFFC0, v57  }
0x111: {  	v3 =	vor.u32 v3, v4  }
0x112: {  	v4 =	vperm.xlane v3, v0;
	_ =	sdelay $0x1  }
0x113: {  	v4 =	vadd.s32 v1, v4;
	_ =	sdelay $0x3  }
0x114: {  	s24 =	simm.s32 $0x4080  }
0x115: {  	[hbm4b:s4+s3] =	stream.indirect_vreg.scatter [tilespmem:s24], [sflag:$0x1], $0x80, v4, vm0, $0xb8;
	[tilespmem:$0x10100] =	vst v63  }
0x116: {  	v3 =	vperm.xlane v3, v2;
	s24 =	simm.s32 $0x4880  }
0x117: {  	[hbm4b:s5+s3] =	stream.indirect_vreg.scatter [tilespmem:s24], [sflag:$0x1], $0x80, v4, vm0, $0xb8;
	[tilespmem:$0x10100] =	vst v63  }
0x118: {  	v3 =	vadd.s32 v1, v3  }
0x119: {  	[hbm4b:s6+s3] =	stream.indirect_vreg.scatter [tilespmem:s19], [sflag:$0x1], $0x80, v4, vm0, $0xb8;
	[tilespmem:$0x10100] =	vst v63  }
0x11a: {  	_ = 	snop  }
0x11b: {  	[hbm4b:s7+s3] =	stream.indirect_vreg.scatter [tilespmem:s20], [sflag:$0x1], $0x80, v4, vm0, $0xb8;
	[tilespmem:$0x10100] =	vst v63  }
0x11c: {  	_ = 	snop  }
0x11d: {  	[hbm4b:s4+s3] =	stream.indirect_vreg.scatter [tilespmem:s22], [sflag:$0x1], $0x80, v3, vm0, $0xb8;
	[tilespmem:$0x10100] =	vst v63  }
0x11e: {  	_ = 	snop  }
0x11f: {  	[hbm4b:s5+s3] =	stream.indirect_vreg.scatter [tilespmem:s26], [sflag:$0x1], $0x80, v3, vm0, $0xb8;
	[tilespmem:$0x10100] =	vst v63  }
0x120: {  	_ = 	snop  }
0x121: {  	[hbm4b:s6+s3] =	stream.indirect_vreg.scatter [tilespmem:s28], [sflag:$0x1], $0x80, v3, vm0, $0xb8;
	[tilespmem:$0x10100] =	vst v63  }
0x122: {  	s24 =	simm.s32 $0x7880  }
0x123: {  	[hbm4b:s7+s3] =	stream.indirect_vreg.scatter [tilespmem:s24], [sflag:$0x1], $0x80, v3, vm0, $0xb8;
	[tilespmem:$0x10100] =	vst v63  }
0x124: {  	v3 =	vld [tilespmem:$0x20];
	_ =	sdelay $0x4  }
0x125: {  	v58 =	vshll.u32 v3, $0x3  }
0x126: {  	v3 =	vand.u32 $0x7, v3;
	v4 =	vand.u32 $0xFFFFFFC0, v58  }
0x127: {  	v3 =	vor.u32 v3, v4  }
0x128: {  	v4 =	vperm.xlane v3, v0;
	_ =	sdelay $0x1  }
0x129: {  	v4 =	vadd.s32 v1, v4;
	_ =	sdelay $0x3  }
0x12a: {  	s24 =	simm.s32 $0x8080  }
0x12b: {  	[hbm4b:s4+s3] =	stream.indirect_vreg.scatter [tilespmem:s24], [sflag:$0x1], $0x80, v4, vm0, $0xb8;
	[tilespmem:$0x10100] =	vst v63  }
0x12c: {  	v3 =	vperm.xlane v3, v2;
	s24 =	simm.s32 $0x8880  }
0x12d: {  	[hbm4b:s5+s3] =	stream.indirect_vreg.scatter [tilespmem:s24], [sflag:$0x1], $0x80, v4, vm0, $0xb8;
	[tilespmem:$0x10100] =	vst v63  }
0x12e: {  	v3 =	vadd.s32 v1, v3  }
0x12f: {  	[hbm4b:s6+s3] =	stream.indirect_vreg.scatter [tilespmem:s29], [sflag:$0x1], $0x80, v4, vm0, $0xb8;
	[tilespmem:$0x10100] =	vst v63  }
0x130: {  	s21 =	simm.s32 $0x9880  }
0x131: {  	[hbm4b:s7+s3] =	stream.indirect_vreg.scatter [tilespmem:s21], [sflag:$0x1], $0x80, v4, vm0, $0xb8;
	[tilespmem:$0x10100] =	vst v63  }
0x132: {  	s24 =	simm.s32 $0xA080  }
0x133: {  	[hbm4b:s4+s3] =	stream.indirect_vreg.scatter [tilespmem:s24], [sflag:$0x1], $0x80, v3, vm0, $0xb8;
	[tilespmem:$0x10100] =	vst v63  }
0x134: {  	_ = 	snop  }
0x135: {  	[hbm4b:s5+s3] =	stream.indirect_vreg.scatter [tilespmem:s2], [sflag:$0x1], $0x80, v3, vm0, $0xb8;
	[tilespmem:$0x10100] =	vst v63  }
0x136: {  	_ = 	snop  }
0x137: {  	[hbm4b:s6+s3] =	stream.indirect_vreg.scatter [tilespmem:s13], [sflag:$0x1], $0x80, v3, vm0, $0xb8;
	[tilespmem:$0x10100] =	vst v63  }
0x138: {  	_ = 	snop  }
0x139: {  	[hbm4b:s7+s3] =	stream.indirect_vreg.scatter [tilespmem:s30], [sflag:$0x1], $0x80, v3, vm0, $0xb8;
	[tilespmem:$0x10100] =	vst v63  }
0x13a: {  	v3 =	vld [tilespmem:$0x30];
	_ =	sdelay $0x4  }
0x13b: {  	v59 =	vshll.u32 v3, $0x3  }
0x13c: {  	v3 =	vand.u32 $0x7, v3;
	v4 =	vand.u32 $0xFFFFFFC0, v59  }
0x13d: {  	v3 =	vor.u32 v3, v4  }
0x13e: {  	v4 =	vperm.xlane v3, v0;
	_ =	sdelay $0x1  }
0x13f: {  	v4 =	vadd.s32 v1, v4;
	_ =	sdelay $0x4  }
0x140: {  	[hbm4b:s4+s3] =	stream.indirect_vreg.scatter [tilespmem:s31], [sflag:$0x1], $0x80, v4, vm0, $0xb8;
	[tilespmem:$0x10100] =	vst v63  }
0x141: {  	v3 =	vperm.xlane v3, v2  }
0x142: {  	[hbm4b:s5+s3] =	stream.indirect_vreg.scatter [tilespmem:s12], [sflag:$0x1], $0x80, v4, vm0, $0xb8;
	[tilespmem:$0x10100] =	vst v63  }
0x143: {  	v3 =	vadd.s32 v1, v3  }
0x144: {  	[hbm4b:s6+s3] =	stream.indirect_vreg.scatter [tilespmem:s14], [sflag:$0x1], $0x80, v4, vm0, $0xb8;
	[tilespmem:$0x10100] =	vst v63  }
0x145: {  	_ = 	snop  }
0x146: {  	[hbm4b:s7+s3] =	stream.indirect_vreg.scatter [tilespmem:s15], [sflag:$0x1], $0x80, v4, vm0, $0xb8;
	[tilespmem:$0x10100] =	vst v63  }
0x147: {  	_ = 	snop  }
0x148: {  	[hbm4b:s4+s3] =	stream.indirect_vreg.scatter [tilespmem:s16], [sflag:$0x1], $0x80, v3, vm0, $0xb8;
	[tilespmem:$0x10100] =	vst v63  }
0x149: {  	_ = 	snop  }
0x14a: {  	[hbm4b:s5+s3] =	stream.indirect_vreg.scatter [tilespmem:s17], [sflag:$0x1], $0x80, v3, vm0, $0xb8;
	[tilespmem:$0x10100] =	vst v63  }
0x14b: {  	_ = 	snop  }
0x14c: {  	[hbm4b:s6+s3] =	stream.indirect_vreg.scatter [tilespmem:s18], [sflag:$0x1], $0x80, v3, vm0, $0xb8;
	[tilespmem:$0x10100] =	vst v63  }
0x14d: {  	s2 =	simm.s32 $0xF880  }
0x14e: {  	[hbm4b:s7+s3] =	stream.indirect_vreg.scatter [tilespmem:s2], [sflag:$0x1], $0x80, v3, vm0, $0xb8;
	[tilespmem:$0x10100] =	vst v63  }
0x14f: {  	_ =	swait.ge [sflag:s10], $0x10000  }
0x150: {  	[sflag:s10] =	ssyncset.done $0x0  }
0x151: {  	s2 =	simm.s32 $0x10080;
	[sflag:s10] =	ssyncadd.s32 $0xFFFF0000  }
0x152: {  	[hbm4b:s0+s1] =	stream.indirect.scatter [tilespmem:s2], [sflag:$0x2], $0x1, s3, s1, $0xb8;
	[tilespmem:$0x10100] =	vst v63  }
0x153: {  	_ =	swait.ge [sflag:s23], $0x40  }
0x154: {  	[sflag:s23] =	ssyncset.done $0x0  }
0x155: {  	s1 =	rddreg [dreg:$0xe];
	[sflag:s23] =	ssyncadd.s32 $0xFFFFFFC0  }
0x156: {  	[tilespmem:s3], [sflag:$0x3] =	stream.linear.gather [hbm4b:s1+s3], $0x40, $0x38;
	[tilespmem:$0x10100] =	vst v63  }
0x157: {  	_ =	swait.ge [sflag:s9], $0x40  }
0x158: {  	[sflag:s9] =	ssyncset.done $0x0  }
0x159: {  	s1 =	rddreg [dreg:$0xf];
	[sflag:s9] =	ssyncadd.s32 $0xFFFFFFC0  }
0x15a: {  	[tilespmem:s11], [sflag:$0x3] =	stream.linear.gather [hbm4b:s1+s3], $0x10000, $0x38;
	[tilespmem:$0x10100] =	vst v63  }
0x15b: {  	_ =	swait.ge [sflag:s9], $0x10000  }
0x15c: {  	[sflag:s9] =	ssyncset.done $0x0  }
0x15d: {  	s1 =	rddreg [dreg:$0x10];
	[sflag:s9] =	ssyncadd.s32 $0xFFFF0000  }
0x15e: {  	[tilespmem:s2], [sflag:$0x3] =	stream.linear.gather [hbm4b:s1+s3], $0x40, $0x38;
	[tilespmem:$0x10100] =	vst v63  }
0x15f: {  	_ =	swait.ge [sflag:s9], $0x40  }
0x160: {  	[sflag:s9] =	ssyncset.done $0x0  }
0x161: {  	[sflag:s9] =	ssyncadd.s32 $0xFFFFFFC0  }
0x162: {  	v3 =	vld [tilespmem:$0x0];
	_ =	sdelay $0x4  }
0x163: {  	v60 =	vshll.u32 v3, $0x3  }
0x164: {  	v3 =	vand.u32 $0x7, v3;
	v4 =	vand.u32 $0xFFFFFFC0, v60  }
0x165: {  	v3 =	vor.u32 v3, v4  }
0x166: {  	v4 =	vperm.xlane v3, v0;
	_ =	sdelay $0x1  }
0x167: {  	v4 =	vadd.s32 v1, v4;
	_ =	sdelay $0x4  }
0x168: {  	[hbm4b:s4+s3] =	stream.indirect_vreg.scatter [tilespmem:s11], [sflag:$0x1], $0x80, v4, vm0, $0xb8;
	[tilespmem:$0x10100] =	vst v63  }
0x169: {  	s24 =	simm.s32 $0x880;
	v3 =	vperm.xlane v3, v2  }
0x16a: {  	[hbm4b:s5+s3] =	stream.indirect_vreg.scatter [tilespmem:s24], [sflag:$0x1], $0x80, v4, vm0, $0xb8;
	[tilespmem:$0x10100] =	vst v63  }
0x16b: {  	v3 =	vadd.s32 v1, v3;
	s24 =	simm.s32 $0x1080  }
0x16c: {  	[hbm4b:s6+s3] =	stream.indirect_vreg.scatter [tilespmem:s24], [sflag:$0x1], $0x80, v4, vm0, $0xb8;
	[tilespmem:$0x10100] =	vst v63  }
0x16d: {  	s24 =	simm.s32 $0x1880  }
0x16e: {  	[hbm4b:s7+s3] =	stream.indirect_vreg.scatter [tilespmem:s24], [sflag:$0x1], $0x80, v4, vm0, $0xb8;
	[tilespmem:$0x10100] =	vst v63  }
0x16f: {  	s24 =	simm.s32 $0x2080  }
0x170: {  	[hbm4b:s4+s3] =	stream.indirect_vreg.scatter [tilespmem:s24], [sflag:$0x1], $0x80, v3, vm0, $0xb8;
	[tilespmem:$0x10100] =	vst v63  }
0x171: {  	s24 =	simm.s32 $0x2880  }
0x172: {  	[hbm4b:s5+s3] =	stream.indirect_vreg.scatter [tilespmem:s24], [sflag:$0x1], $0x80, v3, vm0, $0xb8;
	[tilespmem:$0x10100] =	vst v63  }
0x173: {  	s25 =	simm.s32 $0x3080  }
0x174: {  	[hbm4b:s6+s3] =	stream.indirect_vreg.scatter [tilespmem:s25], [sflag:$0x1], $0x80, v3, vm0, $0xb8;
	[tilespmem:$0x10100] =	vst v63  }
0x175: {  	s25 =	simm.s32 $0x3880  }
0x176: {  	[hbm4b:s7+s3] =	stream.indirect_vreg.scatter [tilespmem:s25], [sflag:$0x1], $0x80, v3, vm0, $0xb8;
	[tilespmem:$0x10100] =	vst v63  }
0x177: {  	v3 =	vld [tilespmem:$0x10];
	_ =	sdelay $0x4  }
0x178: {  	v61 =	vshll.u32 v3, $0x3  }
0x179: {  	v3 =	vand.u32 $0x7, v3;
	v4 =	vand.u32 $0xFFFFFFC0, v61  }
0x17a: {  	v3 =	vor.u32 v3, v4  }
0x17b: {  	v4 =	vperm.xlane v3, v0;
	_ =	sdelay $0x1  }
0x17c: {  	v4 =	vadd.s32 v1, v4;
	_ =	sdelay $0x3  }
0x17d: {  	s24 =	simm.s32 $0x4080  }
0x17e: {  	[hbm4b:s4+s3] =	stream.indirect_vreg.scatter [tilespmem:s24], [sflag:$0x1], $0x80, v4, vm0, $0xb8;
	[tilespmem:$0x10100] =	vst v63  }
0x17f: {  	s25 =	simm.s32 $0x4880;
	v3 =	vperm.xlane v3, v2  }
0x180: {  	[hbm4b:s5+s3] =	stream.indirect_vreg.scatter [tilespmem:s25], [sflag:$0x1], $0x80, v4, vm0, $0xb8;
	[tilespmem:$0x10100] =	vst v63  }
0x181: {  	s19 =	simm.s32 $0x5080;
	v3 =	vadd.s32 v1, v3  }
0x182: {  	[hbm4b:s6+s3] =	stream.indirect_vreg.scatter [tilespmem:s19], [sflag:$0x1], $0x80, v4, vm0, $0xb8;
	[tilespmem:$0x10100] =	vst v63  }
0x183: {  	s20 =	simm.s32 $0x5880  }
0x184: {  	[hbm4b:s7+s3] =	stream.indirect_vreg.scatter [tilespmem:s20], [sflag:$0x1], $0x80, v4, vm0, $0xb8;
	[tilespmem:$0x10100] =	vst v63  }
0x185: {  	s22 =	simm.s32 $0x6080  }
0x186: {  	[hbm4b:s4+s3] =	stream.indirect_vreg.scatter [tilespmem:s22], [sflag:$0x1], $0x80, v3, vm0, $0xb8;
	[tilespmem:$0x10100] =	vst v63  }
0x187: {  	s26 =	simm.s32 $0x6880  }
0x188: {  	[hbm4b:s5+s3] =	stream.indirect_vreg.scatter [tilespmem:s26], [sflag:$0x1], $0x80, v3, vm0, $0xb8;
	[tilespmem:$0x10100] =	vst v63  }
0x189: {  	s28 =	simm.s32 $0x7080  }
0x18a: {  	[hbm4b:s6+s3] =	stream.indirect_vreg.scatter [tilespmem:s28], [sflag:$0x1], $0x80, v3, vm0, $0xb8;
	[tilespmem:$0x10100] =	vst v63  }
0x18b: {  	s24 =	simm.s32 $0x7880  }
0x18c: {  	[hbm4b:s7+s3] =	stream.indirect_vreg.scatter [tilespmem:s24], [sflag:$0x1], $0x80, v3, vm0, $0xb8;
	[tilespmem:$0x10100] =	vst v63  }
0x18d: {  	v3 =	vld [tilespmem:$0x20];
	_ =	sdelay $0x4  }
0x18e: {  	v62 =	vshll.u32 v3, $0x3  }
0x18f: {  	v3 =	vand.u32 $0x7, v3;
	v4 =	vand.u32 $0xFFFFFFC0, v62  }
0x190: {  	v3 =	vor.u32 v3, v4  }
0x191: {  	v4 =	vperm.xlane v3, v0;
	_ =	sdelay $0x1  }
0x192: {  	v4 =	vadd.s32 v1, v4;
	_ =	sdelay $0x3  }
0x193: {  	s25 =	simm.s32 $0x8080  }
0x194: {  	[hbm4b:s4+s3] =	stream.indirect_vreg.scatter [tilespmem:s25], [sflag:$0x1], $0x80, v4, vm0, $0xb8;
	[tilespmem:$0x10100] =	vst v63  }
0x195: {  	s26 =	simm.s32 $0x8880;
	v3 =	vperm.xlane v3, v2  }
0x196: {  	[hbm4b:s5+s3] =	stream.indirect_vreg.scatter [tilespmem:s26], [sflag:$0x1], $0x80, v4, vm0, $0xb8;
	[tilespmem:$0x10100] =	vst v63  }
0x197: {  	s29 =	simm.s32 $0x9080;
	v3 =	vadd.s32 v1, v3  }
0x198: {  	[hbm4b:s6+s3] =	stream.indirect_vreg.scatter [tilespmem:s29], [sflag:$0x1], $0x80, v4, vm0, $0xb8;
	[tilespmem:$0x10100] =	vst v63  }
0x199: {  	s28 =	simm.s32 $0x9880  }
0x19a: {  	[hbm4b:s7+s3] =	stream.indirect_vreg.scatter [tilespmem:s28], [sflag:$0x1], $0x80, v4, vm0, $0xb8;
	[tilespmem:$0x10100] =	vst v63  }
0x19b: {  	s21 =	simm.s32 $0xA080  }
0x19c: {  	[hbm4b:s4+s3] =	stream.indirect_vreg.scatter [tilespmem:s21], [sflag:$0x1], $0x80, v3, vm0, $0xb8;
	[tilespmem:$0x10100] =	vst v63  }
0x19d: {  	s29 =	simm.s32 $0xA880  }
0x19e: {  	[hbm4b:s5+s3] =	stream.indirect_vreg.scatter [tilespmem:s29], [sflag:$0x1], $0x80, v3, vm0, $0xb8;
	[tilespmem:$0x10100] =	vst v63  }
0x19f: {  	s13 =	simm.s32 $0xB080  }
0x1a0: {  	[hbm4b:s6+s3] =	stream.indirect_vreg.scatter [tilespmem:s13], [sflag:$0x1], $0x80, v3, vm0, $0xb8;
	[tilespmem:$0x10100] =	vst v63  }
0x1a1: {  	s30 =	simm.s32 $0xB880  }
0x1a2: {  	[hbm4b:s7+s3] =	stream.indirect_vreg.scatter [tilespmem:s30], [sflag:$0x1], $0x80, v3, vm0, $0xb8;
	[tilespmem:$0x10100] =	vst v63  }
0x1a3: {  	v3 =	vld [tilespmem:$0x30];
	_ =	sdelay $0x4  }
0x1a4: {  	v63 =	vshll.u32 v3, $0x3  }
0x1a5: {  	v3 =	vand.u32 $0x7, v3;
	v4 =	vand.u32 $0xFFFFFFC0, v63  }
0x1a6: {  	v3 =	vor.u32 v3, v4  }
0x1a7: {  	v4 =	vperm.xlane v3, v0;
	_ =	sdelay $0x1  }
0x1a8: {  	v4 =	vadd.s32 v1, v4;
	_ =	sdelay $0x3  }
0x1a9: {  	s31 =	simm.s32 $0xC080  }
0x1aa: {  	[hbm4b:s4+s3] =	stream.indirect_vreg.scatter [tilespmem:s31], [sflag:$0x1], $0x80, v4, vm0, $0xb8;
	[tilespmem:$0x10100] =	vst v63  }
0x1ab: {  	s12 =	simm.s32 $0xC880;
	v3 =	vperm.xlane v3, v2  }
0x1ac: {  	[hbm4b:s5+s3] =	stream.indirect_vreg.scatter [tilespmem:s12], [sflag:$0x1], $0x80, v4, vm0, $0xb8;
	[tilespmem:$0x10100] =	vst v63  }
0x1ad: {  	s14 =	simm.s32 $0xD080;
	v3 =	vadd.s32 v1, v3  }
0x1ae: {  	[hbm4b:s6+s3] =	stream.indirect_vreg.scatter [tilespmem:s14], [sflag:$0x1], $0x80, v4, vm0, $0xb8;
	[tilespmem:$0x10100] =	vst v63  }
0x1af: {  	s15 =	simm.s32 $0xD880  }
0x1b0: {  	[hbm4b:s7+s3] =	stream.indirect_vreg.scatter [tilespmem:s15], [sflag:$0x1], $0x80, v4, vm0, $0xb8;
	[tilespmem:$0x10100] =	vst v63  }
0x1b1: {  	s16 =	simm.s32 $0xE080  }
0x1b2: {  	[hbm4b:s4+s3] =	stream.indirect_vreg.scatter [tilespmem:s16], [sflag:$0x1], $0x80, v3, vm0, $0xb8;
	[tilespmem:$0x10100] =	vst v63  }
0x1b3: {  	s17 =	simm.s32 $0xE880  }
0x1b4: {  	[hbm4b:s5+s3] =	stream.indirect_vreg.scatter [tilespmem:s17], [sflag:$0x1], $0x80, v3, vm0, $0xb8;
	[tilespmem:$0x10100] =	vst v63  }
0x1b5: {  	s18 =	simm.s32 $0xF080  }
0x1b6: {  	[hbm4b:s6+s3] =	stream.indirect_vreg.scatter [tilespmem:s18], [sflag:$0x1], $0x80, v3, vm0, $0xb8;
	[tilespmem:$0x10100] =	vst v63  }
0x1b7: {  	s30 =	simm.s32 $0xF880  }
0x1b8: {  	[hbm4b:s7+s3] =	stream.indirect_vreg.scatter [tilespmem:s30], [sflag:$0x1], $0x80, v3, vm0, $0xb8;
	[tilespmem:$0x10100] =	vst v63  }
0x1b9: {  	_ =	swait.ge [sflag:s10], $0x10000  }
0x1ba: {  	p0 =	sne.s32 s8, $0x1;
	s1 =	simm.s32 $0x10080;
	[sflag:s10] =	ssyncset.done $0x0  }
.Ltmp0:
0x1bb: {  	s31 =	simm.s32 $0x40;
	[sflag:s10] =	ssyncadd.s32 $0xFFFF0000;
	(pc) =	sbr.rel @p0 .LBB2_1-.Ltmp0, $4  }
0x1bc: {  	[hbm4b:s0+s31] =	stream.indirect.scatter [tilespmem:s1], [sflag:$0x2], $0x1, s3, s31, $0xb8;
	[tilespmem:$0x10100] =	vst v63  }
0x1bd: {  	_ =	swait.ge [sflag:s23], $0x40  }
0x1be: {  	[sflag:s23] =	ssyncset.done $0x0  }
0x1bf: {  	s8 =	sadd.s32 $0xFFFFFFFF, s8;
	[sflag:s23] =	ssyncadd.s32 $0xFFFFFFC0  }
0x1c0: {  	_ =	sfence.sel $0x180000  }
0x1c1: {  	[bflag:$0x0] =	sbarrier.arrive $0xFFFF  }
0x1c2: {  	_ =	strace $0x90000047  }
0x1c3: {  	s0 =	stileid.u32;
	[bflag:$0x2] =	sbarrier.arrive $0xFFFF  }
0x1c4: {  	p0 =	sne.s32 s0, $0x0;
	s0 =	rddreg [dreg:$0x4]  }
0x1c5: {  	s0 =	sadd.s32 @!p0 $0x100000, s0  }
0x1c6: {  	[sflag:s0] =	ssyncadd.tile.s32 @!p0 $0x1;
	_ =	shalt  }
.Lfunc_end2:
_tile_overlayer_lowered:
.L_overlay_start_2:
0x1c7: {  	(tag) =	ssettag $0x2  }
0x1c8: {  	s0 =	rddreg [dreg:$0x0];
	s2 =	stileid.u32  }
0x1c9: {  	s1 =	rddreg [dreg:$0x1];
	p0 =	sne.s32 s2, $0x0  }
0x1ca: {  	s3 =	rddreg [dreg:$0x2];
	[bflag:$0x3] =	sbarrier.arrive $0xFFFF;
	s2 =	simm.s32 @!p0 $0x1C03  }
0x1cb: {  	[timem:s3], [sflag:s2] =	dma.local @!p0 [hbm:s0], s1  }
0x1cc: {  	s0 =	simm.s32 @!p0 $0x3  }
0x1cd: {  	_ =	swait.ge @!p0 [sflag:s0], s1  }
0x1ce: {  	s1 =	ssub.s32 @!p0 $0x0, s1;
	[sflag:s0] =	ssyncset.done @!p0 $0x0  }
0x1cf: {  	[sflag:s0] =	ssyncadd.s32 @!p0 s1  }
0x1d0: {  	[bflag:$0x3] =	sbarrier.arrive $0xFFFF  }
0x1d1: {  	_ =	shalt  }

// kernel: kernel.9.cloned.1.call-start
scs
__scs_entry_jumppad:
0x0: {  	(pc) =	sbr.rel $0x88, $3  }
0x1: {  	(tag) =	ssettag $0x0;
	lr =	simm.s32 $0x1  }
0x2: {  	[smem:$0x3F95] =	sst lr;
	_ =	strace $0xD0000000  }
0x3: {  	_ = 	snop  }
0x4: {  	_ = 	snop  }
0x5: {  	_ = 	snop  }
0x6: {  	_ = 	snop  }
0x7: {  	_ = 	snop  }
__scs_overlays_trampoline_lowered:
0x8: {  	[smem:$0x3FA4] =	sst s0  }
0x9: {  	[smem:$0x3FA5] =	sst s1  }
0xa: {  	[smem:$0x3FA6] =	sst s2  }
0xb: {  	[smem:$0x3FA7] =	sst s3  }
0xc: {  	[smem:$0x3FA8] =	sst s4  }
0xd: {  	[smem:$0x3FA9] =	sst s5  }
0xe: {  	[smem:$0x3FAA] =	sst s6  }
0xf: {  	[smem:$0x3FAB] =	sst s7  }
0x10: {  	[smem:$0x3FAC] =	sst s8  }
0x11: {  	[smem:$0x3FAD] =	sst s9;
	s0 =	simm.s32 @!p0 $0x0  }
0x12: {  	s1 =	sld [smem:$0x3F93];
	s0 =	simm.s32 @p0 $0x1  }
0x13: {  	[smem:$0x3FAE] =	sst s0;
	s0 =	simm.s32 @!p1 $0x0  }
0x14: {  	s2 =	sld [smem:$0x3F92];
	s0 =	simm.s32 @p1 $0x1  }
0x15: {  	[smem:$0x3FAF] =	sst s0;
	s0 =	simm.s32 @!p2 $0x0  }
0x16: {  	s3 =	sld [smem:$0x3FDB];
	s0 =	simm.s32 @p2 $0x1  }
0x17: {  	s4 =	simm.s32 $0x1BF5;
	[smem:$0x3FB1] =	sst s0  }
0x18: {  	s0 =	sld [smem:$0x3F94];
	_ =	swait.ge [sflag:s4], $0x0  }
0x19: {  	s7 =	sld [smem:$0x3F95]  }
0x1a: {  	s8 =	sadd.s32 $0xFFFFE003, lr  }
0x1b: {  	s9 =	sadd.s32 $0xFFFFFEF7, lr;
	s5 =	simm.s32 $0xFFFFFFFF;
	p2 =	slt.u32 s8, $0xFFFFF086  }
0x1c: {  	p1 =	slt.u32 s9, $0xF7A;
	s5 =	simm.s32 @!p2 $0x0  }
0x1d: {  	s5 =	simm.s32 @p1 $0x1;
	p0 =	seq.s32 s7, s2  }
0x1e: {  	s7 =	smul.u32 @!p0 $0xF7A, s2;
	p2 =	seq.s32 @!p0 s5, $0x0  }
0x1f: {  	s9 =	smul.u32 $0xF7A, s1;
	s8 =	simm.s32 @!p0 $0x1BF5;
	p2 =	por !p2, p0  }
0x20: {  	[sflag:s8] =	ssyncset.s32 @!p0 $0xFFFFF086;
	s6 =	sadd.s32 @!p0 s3, s7;
	s7 =	simm.s32 @!p0 $0x108  }
0x21: {  	s3 =	sadd.s32 s3, s9;
	s6 =	sadd.s32 @!p0 $0x88, s6;
	s7 =	simm.s32 @p2 $0x1082  }
0x22: {  	[simem:s7], [sflag:s8] =	dma.local @!p0 [hbm:s6], $0xF7A  }
0x23: {  	s9 =	sor.u32 $0xD0000000, s2;
	s6 =	simm.s32 $0x108;
	_ =	swait.ge @!p0 [sflag:s8], $0x0  }
0x24: {  	s3 =	sadd.s32 $0x88, s3;
	s6 =	simm.s32 @!p1 $0x1082;
	[sflag:s4] =	ssyncset.s32 $0xFFFFF086  }
0x25: {  	[simem:s6], [sflag:s4] =	dma.local [hbm:s3], $0xF7A  }
0x26: {  	[smem:$0x3F95] =	sst s1;
	(tag) =	ssettag s2;
	_ =	strace s9  }
0x27: {  	s1 =	sld [smem:$0x3FA5]  }
0x28: {  	s2 =	sld [smem:$0x3FA6]  }
0x29: {  	s4 =	sld [smem:$0x3FA8]  }
0x2a: {  	p0 =	seq.s32 s5, $0x0;
	s5 =	sld [smem:$0x3FA9]  }
0x2b: {  	s6 =	sld [smem:$0x3FAA]  }
0x2c: {  	s7 =	sld [smem:$0x3FAB]  }
0x2d: {  	s3 =	simm.s32 $0x108;
	s8 =	sld [smem:$0x3FAC]  }
0x2e: {  	s3 =	simm.s32 @!p0 $0x1082;
	s9 =	sld [smem:$0x3FAD]  }
0x2f: {  	lr =	sadd.s32 s0, s3;
	s0 =	sld [smem:$0x3FA4]  }
0x30: {  	s3 =	sld [smem:$0x3FA7]  }
0x31: {  	[smem:$0x3FB0] =	sst s10  }
0x32: {  	s10 =	sld [smem:$0x3FAE];
	_ =	sdelay $0x3  }
0x33: {  	p0 =	seq.s32 s10, $0x1;
	s10 =	sld [smem:$0x3FB0];
	_ =	sdelay $0x3  }
0x34: {  	[smem:$0x3FB0] =	sst s10  }
0x35: {  	s10 =	sld [smem:$0x3FAF];
	_ =	sdelay $0x3  }
0x36: {  	p1 =	seq.s32 s10, $0x1;
	s10 =	sld [smem:$0x3FB0];
	_ =	sdelay $0x3  }
0x37: {  	[smem:$0x3FB0] =	sst s10  }
0x38: {  	s10 =	sld [smem:$0x3FB1]  }
0x39: {  	_ = 	snop;
	(pc) =	sbr.ind lr, $3  }
0x3a: {  	_ = 	snop  }
0x3b: {  	_ = 	snop  }
0x3c: {  	p2 =	seq.s32 s10, $0x1;
	s10 =	sld [smem:$0x3FB0]  }
0x3d: {  	_ =	shalt  }
0x3e: {  	_ =	shalt  }
0x3f: {  	_ =	shalt  }
0x40: {  	_ =	shalt  }
0x41: {  	_ =	shalt  }
0x42: {  	_ =	shalt  }
0x43: {  	_ =	shalt  }
0x44: {  	_ =	shalt  }
0x45: {  	_ =	shalt  }
0x46: {  	_ =	shalt  }
0x47: {  	_ =	shalt  }
0x48: {  	_ =	shalt  }
0x49: {  	_ =	shalt  }
0x4a: {  	_ =	shalt  }
0x4b: {  	_ =	shalt  }
0x4c: {  	_ =	shalt  }
0x4d: {  	_ =	shalt  }
0x4e: {  	_ =	shalt  }
0x4f: {  	_ =	shalt  }
0x50: {  	_ =	shalt  }
0x51: {  	_ =	shalt  }
0x52: {  	_ =	shalt  }
0x53: {  	_ =	shalt  }
0x54: {  	_ =	shalt  }
0x55: {  	_ =	shalt  }
0x56: {  	_ =	shalt  }
0x57: {  	_ =	shalt  }
0x58: {  	_ =	shalt  }
0x59: {  	_ =	shalt  }
0x5a: {  	_ =	shalt  }
0x5b: {  	_ =	shalt  }
0x5c: {  	_ =	shalt  }
0x5d: {  	_ =	shalt  }
0x5e: {  	_ =	shalt  }
0x5f: {  	_ =	shalt  }
0x60: {  	_ =	shalt  }
0x61: {  	_ =	shalt  }
0x62: {  	_ =	shalt  }
0x63: {  	_ =	shalt  }
0x64: {  	_ =	shalt  }
0x65: {  	_ =	shalt  }
0x66: {  	_ =	shalt  }
0x67: {  	_ =	shalt  }
0x68: {  	_ =	shalt  }
0x69: {  	_ =	shalt  }
0x6a: {  	_ =	shalt  }
0x6b: {  	_ =	shalt  }
0x6c: {  	_ =	shalt  }
0x6d: {  	_ =	shalt  }
0x6e: {  	_ =	shalt  }
0x6f: {  	_ =	shalt  }
0x70: {  	_ =	shalt  }
0x71: {  	_ =	shalt  }
0x72: {  	_ =	shalt  }
0x73: {  	_ =	shalt  }
0x74: {  	_ =	shalt  }
0x75: {  	_ =	shalt  }
0x76: {  	_ =	shalt  }
0x77: {  	_ =	shalt  }
0x78: {  	_ =	shalt  }
0x79: {  	_ =	shalt  }
0x7a: {  	_ =	shalt  }
0x7b: {  	_ =	shalt  }
0x7c: {  	_ =	shalt  }
0x7d: {  	_ =	shalt  }
0x7e: {  	_ =	shalt  }
0x7f: {  	_ =	shalt  }
0x80: {  	_ =	shalt  }
0x81: {  	_ =	shalt  }
0x82: {  	_ =	shalt  }
0x83: {  	_ =	shalt  }
0x84: {  	_ =	shalt  }
0x85: {  	_ =	shalt  }
0x86: {  	_ =	shalt  }
0x87: {  	_ =	shalt  }
.Lfunc_end0:
.L_simem_size_0:
called_computation.1_lowered:
.L_overlay_start_0:
0x88: {  	s2 =	sld [smem:$0x3FD9]  }
0x89: {  	s3 =	sld [smem:$0x3FFE];
	_ =	sdelay $0x1  }
0x8a: {  	s1 =	srdreg.scid  }
0x8b: {  	s0 =	sand.u32 $0x1, s1  }
0x8c: {  	s17 =	sshll.u32 s0, $0xA;
	s2 =	sadd.s32 s3, s2  }
0x8d: {  	s2 =	sadd.s32 s2, s17  }
0x8e: {  	[smem:$0x3FBC] =	sst s2  }
0x8f: {  	_ = 	snop  }
0x90: {  	s2 =	sld [smem:$0x3FD0];
	(tm) =	ssettm $0x1  }
0x91: {  	s18 =	sld [smem:$0x3FFB];
	_ =	sdelay $0x3  }
0x92: {  	_ =	strace s18  }
0x93: {  	s3 =	sld [smem:$0x3FFC];
	_ =	sdelay $0x3  }
0x94: {  	_ =	strace s3  }
0x95: {  	s3 =	sld [smem:$0x3FFD];
	_ =	sdelay $0x3  }
0x96: {  	_ =	strace s3  }
0x97: {  	_ =	strace $0x8FFFFFFF  }
0x98: {  	s19 =	sld [smem:$0x3FDB];
	_ =	sdelay $0x1  }
0x99: {  	s4 =	simm.s32 $_scs_section_size  }
0x9a: {  	s5 =	simm.s32 $_size__tile_overlayer_lowered;
	s6 =	simm.s32 $_tile_overlayer_lowered  }
0x9b: {  	s22 =	simm.s32 $0x1BFF;
	s21 =	sshll.u32 s6, $0x1;
	s3 =	sadd.s32 s4, s19  }
0x9c: {  	s7 =	simm.s32 $0x0;
	s20 =	sshll.u32 s5, $0x1;
	s5 =	sadd.s32 s21, s3  }
0x9d: {  	[timem:s7], [sflag:s22] =	dma.local [hbm:s5], s20  }
0x9e: {  	_ =	swait.ge [sflag:s22], s20  }
0x9f: {  	s4 =	ssub.s32 $0x0, s20;
	[sflag:s22] =	ssyncset.done $0x0  }
0xa0: {  	[sflag:s22] =	ssyncadd.s32 s4;
	_ =	sdelay $0x1  }
0xa1: {  	s23 =	simm.s32 $0x1B8B  }
0xa2: {  	_ =	swait.ge [sflag:s23], $0x1  }
0xa3: {  	[sflag:s23] =	ssyncset.done $0x0  }
0xa4: {  	s25 =	simm.s32 $0x1B8E;
	s24 =	sld [smem:$0x3FFE];
	[sflag:s23] =	ssyncadd.s32 $0xFFFFFFFF  }
0xa5: {  	s26 =	simm.s32 $execute0_lowered;
	[smem:$0x3FD2] =	sst s25  }
0xa6: {  	s5 =	sshll.u32 s26, $0x1;
	_ =	strace $0x80000049;
	[dreg:$0x1] =	wrdreg $0xFFFFFFFF  }
0xa7: {  	s28 =	simm.s32 $_size_execute0_lowered;
	s3 =	sadd.s32 s3, s5;
	[dreg:$0x0] =	wrdreg $0x0  }
0xa8: {  	s5 =	sshll.u32 s28, $0x1;
	[dreg:$0x2] =	wrdreg s3  }
0xa9: {  	[dreg:$0x3] =	wrdreg s5  }
0xaa: {  	[dreg:$0x4] =	wrdreg $0xC0  }
0xab: {  	_ =	task [dreg:s7], $0x5FFFF  }
0xac: {  	[dreg:$0x1] =	wrdreg $0xFFFFFFFF  }
0xad: {  	[dreg:$0x0] =	wrdreg $0x60  }
0xae: {  	[dreg:$0x2] =	wrdreg s24  }
0xaf: {  	[dreg:$0x3] =	wrdreg s2  }
0xb0: {  	[dreg:$0x4] =	wrdreg $0x9  }
0xb1: {  	_ =	task.clear_ibuf [dreg:s7], $0x5FFFF;
	_ =	strace $0x90000049  }
0xb2: {  	s29 =	simm.s32 $0x9;
	_ =	strace $0x8000004B  }
0xb3: {  	_ =	swait.ge [sflag:s29], $0x1  }
0xb4: {  	[sflag:s29] =	ssyncadd.s32 $0xFFFFFFFF  }
0xb5: {  	_ =	strace $0x9000004B  }
0xb6: {  	_ =	sfence  }
0xb7: {  	s30 =	sld [smem:$0x0];
	_ =	sdelay $0x2  }
0xb8: {  	s31 =	sshll.u32 s1, $0xD;
	s1 =	sshrl.u32 s1, $0x2  }
0xb9: {  	s3 =	sand.u32 $0x4000, s31;
	s1 =	sadd.s32 s1, s30  }
0xba: {  	s0 =	sor.u32 s3, s0;
	s1 =	sshll.u32 s1, $0x11  }
0xbb: {  	s0 =	sor.u32 s1, s0  }
0xbc: {  	s0 =	sadd.s32 $0x8F2B, s0  }
0xbd: {  	[sflag:s0] =	ssyncadd.remote.s32 $0x1  }
0xbe: {  	_ =	sfence.sel $0xFFFF  }
0xbf: {  	[dreg:$0x0] =	wrdreg $0xFFFFFFFF;
	(pc) =	sbr.abs _section_cstart, $3  }
0xc0: {  	[dreg:$0x1] =	wrdreg $0xFFFFFFFF  }
0xc1: {  	_ =	task.clear_ibuf [dreg:s7], $0x2FFFF;
	_ =	strace $0x9FFFFFFF  }
0xc2: {  	(tm) =	ssettm $0x7FFFFFFF  }
0xc3: {  	_ =	shalt  }
tec
execute0_lowered:
.L_overlay_start_1:
0x0: {  	(tag) =	ssettag $0x1  }
0x1: {  	s5 =	rddreg [dreg:$0x0]  }
0x2: {  	s10 =	rddreg [dreg:$0x1];
	s2 =	srdreg.scid  }
0x3: {  	s0 =	rddreg [dreg:$0x2];
	s1 =	stileid.u32;
	s11 =	sand.u32 $0x1, s2  }
0x4: {  	s2 =	simm.s32 $0x0;
	s3 =	sshll.u32 s1, $0x6;
	s4 =	sshll.u32 s11, $0x5  }
0x5: {  	s9 =	sadd.s32 $0x2A00, s5;
	[smem:$0x7FF] =	sst s2;
	s12 =	sor.u32 s4, s3  }
0x6: {  	_ =	strace $0x8000004A;
	s3 =	simm.s32 $0x2;
	s4 =	sadd.s32 s9, s12  }
0x7: {  	[tilespmem:s2], [sflag:$0x2] =	stream.linear.gather [hbm4b:s4+s2], $0x80, $0x38;
	[tilespmem:$0x100] =	vst v63  }
0x8: {  	_ =	swait.ge [sflag:s3], $0x80  }
0x9: {  	s6 =	simm.s32 $0x80;
	[sflag:s3] =	ssyncset.done $0x0  }
0xa: {  	s7 =	simm.s32 $0x1;
	s5 =	sadd.s32 $0x3000, s5;
	[sflag:s3] =	ssyncadd.s32 $0xFFFFFF80  }
0xb: {  	[tilespmem:s6], [sflag:$0x1] =	stream.indirect.gather [hbm4b:s5+s6], $0x1, s2, s6, $0xb8;
	[tilespmem:$0x100] =	vst v63  }
0xc: {  	_ =	swait.ge [sflag:s7], $0x80  }
0xd: {  	[sflag:s7] =	ssyncset.done $0x0  }
0xe: {  	s8 =	sadd.s32 s10, s12;
	[sflag:s7] =	ssyncadd.s32 $0xFFFFFF80  }
0xf: {  	[hbm4b:s8+s2] =	stream.linear.scatter [tilespmem:s6], [sflag:$0x2], $0x80, $0x38;
	[tilespmem:$0x100] =	vst v63  }
0x10: {  	_ =	swait.ge [sflag:s3], $0x80  }
0x11: {  	s12 =	sor.u32 $0x10, s12;
	[sflag:s3] =	ssyncset.done $0x0  }
0x12: {  	s11 =	ssub.s32 $0x2, s11;
	s9 =	sadd.s32 s9, s12;
	[sflag:s3] =	ssyncadd.s32 $0xFFFFFF80  }
0x13: {  	[tilespmem:s2], [sflag:$0x2] =	stream.linear.gather [hbm4b:s9+s2], $0x80, $0x38;
	[tilespmem:$0x100] =	vst v63  }
0x14: {  	s13 =	sshrl.u32 s11, $0x1;
	_ =	swait.ge [sflag:s3], $0x80  }
0x15: {  	s11 =	ssub.s32 s11, s13;
	[sflag:s3] =	ssyncset.done $0x0  }
0x16: {  	s11 =	smax.u32 s11, $0x1;
	[sflag:s3] =	ssyncadd.s32 $0xFFFFFF80  }
0x17: {  	[tilespmem:s6], [sflag:$0x1] =	stream.indirect.gather [hbm4b:s5+s6], $0x1, s2, s6, $0xb8;
	[tilespmem:$0x100] =	vst v63  }
0x18: {  	p0 =	sne.s32 s11, $0x1;
	_ =	swait.ge [sflag:s7], $0x80  }
.Ltmp0:
0x19: {  	[sflag:s7] =	ssyncset.done $0x0;
	(pc) =	sbr.rel @!p0 .LBB2_2-.Ltmp0, $4  }
0x1a: {  	s10 =	sadd.s32 s10, s12;
	[sflag:s7] =	ssyncadd.s32 $0xFFFFFF80  }
0x1b: {  	[hbm4b:s10+s2] =	stream.linear.scatter [tilespmem:s6], [sflag:$0x2], $0x80, $0x38;
	[tilespmem:$0x100] =	vst v63  }
0x1c: {  	_ =	swait.ge [sflag:s3], $0x80  }
0x1d: {  	s11 =	sadd.s32 $0xFFFFFFFF, s11;
	[sflag:s3] =	ssyncset.done $0x0  }
.LBB2_1:
0x1e: {  	p0 =	sne.s32 s11, $0x1;
	s11 =	sadd.s32 $0xFFFFFFFF, s11;
	[sflag:s3] =	ssyncadd.s32 $0xFFFFFF80  }
0x1f: {  	[tilespmem:s2], [sflag:$0x2] =	stream.linear.gather [hbm4b:s4+s2], $0x80, $0x38;
	[tilespmem:$0x100] =	vst v63  }
0x20: {  	_ =	swait.ge [sflag:s3], $0x80  }
0x21: {  	[sflag:s3] =	ssyncset.done $0x0  }
0x22: {  	[sflag:s3] =	ssyncadd.s32 $0xFFFFFF80  }
0x23: {  	[tilespmem:s6], [sflag:$0x1] =	stream.indirect.gather [hbm4b:s5+s6], $0x1, s2, s6, $0xb8;
	[tilespmem:$0x100] =	vst v63  }
0x24: {  	_ =	swait.ge [sflag:s7], $0x80  }
0x25: {  	[sflag:s7] =	ssyncset.done $0x0  }
0x26: {  	[sflag:s7] =	ssyncadd.s32 $0xFFFFFF80  }
0x27: {  	[hbm4b:s8+s2] =	stream.linear.scatter [tilespmem:s6], [sflag:$0x2], $0x80, $0x38;
	[tilespmem:$0x100] =	vst v63  }
0x28: {  	_ =	swait.ge [sflag:s3], $0x80  }
0x29: {  	[sflag:s3] =	ssyncset.done $0x0  }
0x2a: {  	[sflag:s3] =	ssyncadd.s32 $0xFFFFFF80  }
0x2b: {  	[tilespmem:s2], [sflag:$0x2] =	stream.linear.gather [hbm4b:s9+s2], $0x80, $0x38;
	[tilespmem:$0x100] =	vst v63  }
0x2c: {  	_ =	swait.ge [sflag:s3], $0x80  }
0x2d: {  	[sflag:s3] =	ssyncset.done $0x0  }
0x2e: {  	[sflag:s3] =	ssyncadd.s32 $0xFFFFFF80  }
0x2f: {  	[tilespmem:s6], [sflag:$0x1] =	stream.indirect.gather [hbm4b:s5+s6], $0x1, s2, s6, $0xb8;
	[tilespmem:$0x100] =	vst v63  }
0x30: {  	_ =	swait.ge [sflag:s7], $0x80  }
.Ltmp1:
0x31: {  	[sflag:s7] =	ssyncset.done $0x0;
	(pc) =	sbr.rel @p0 .LBB2_1-.Ltmp1, $4  }
0x32: {  	[sflag:s7] =	ssyncadd.s32 $0xFFFFFF80  }
0x33: {  	[hbm4b:s10+s2] =	stream.linear.scatter [tilespmem:s6], [sflag:$0x2], $0x80, $0x38;
	[tilespmem:$0x100] =	vst v63  }
0x34: {  	_ =	swait.ge [sflag:s3], $0x80  }
0x35: {  	[sflag:s3] =	ssyncset.done $0x0  }
.LBB2_2:
0x36: {  	[sflag:s3] =	ssyncadd.s32 $0xFFFFFF80  }
0x37: {  	_ =	sfence.sel $0x180000  }
0x38: {  	[bflag:$0x0] =	sbarrier.arrive $0xFFFF  }
0x39: {  	p0 =	sne.s32 s1, $0x0;
	_ =	strace $0x9000004A  }
0x3a: {  	s0 =	sadd.s32 @!p0 $0x100000, s0;
	[bflag:$0x2] =	sbarrier.arrive $0xFFFF  }
0x3b: {  	[sflag:s0] =	ssyncadd.tile.s32 @!p0 $0x1;
	_ =	shalt  }
.Lfunc_end2:
_tile_overlayer_lowered:
.L_overlay_start_2:
0x3c: {  	(tag) =	ssettag $0x2  }
0x3d: {  	s0 =	rddreg [dreg:$0x0];
	s2 =	stileid.u32  }
0x3e: {  	s1 =	rddreg [dreg:$0x1];
	p0 =	sne.s32 s2, $0x0  }
0x3f: {  	s3 =	rddreg [dreg:$0x2];
	[bflag:$0x3] =	sbarrier.arrive $0xFFFF;
	s2 =	simm.s32 @!p0 $0x1C02  }
0x40: {  	[timem:s3], [sflag:s2] =	dma.local @!p0 [hbm:s0], s1  }
0x41: {  	s0 =	simm.s32 @!p0 $0x2  }
0x42: {  	_ =	swait.ge @!p0 [sflag:s0], s1  }
0x43: {  	s1 =	ssub.s32 @!p0 $0x0, s1;
	[sflag:s0] =	ssyncset.done @!p0 $0x0  }
0x44: {  	[sflag:s0] =	ssyncadd.s32 @!p0 s1  }
0x45: {  	[bflag:$0x3] =	sbarrier.arrive $0xFFFF  }
0x46: {  	_ =	shalt  }

</sc_bundles>
